<compile_context>
chip_gen: v7x
topology: tpu7x:2x2x1
jax: 0.10.2.dev20260603
libtpu: 0.0.44.dev20260713+nightly
codegen_flags: <defaults>
</compile_context>

<pallas_src>
import functools

import jax
import jax.numpy as jnp
from jax import lax
from jax.experimental import pallas as pl
from jax.experimental.pallas import tpu as pltpu
from jax.experimental.pallas import tpu_sc as plsc

NC, NS, L = 2, 16, 16
NW = NC * NS
BATCH, SEQ = 16384, 200
N = BATCH * SEQ
CTILES = BATCH // 128
TROWS = SEQ // 8
TPB = 16
UNIT = TPB * 1024
NUNITS = TROWS * (CTILES // TPB)
FULL_PER_W = 6
QTILES = 4
QUNIT = QTILES * 1024

_mesh = plsc.VectorSubcoreMesh(
    core_axis_name="c", subcore_axis_name="s", num_cores=NC, num_subcores=NS)


@functools.partial(
    pl.kernel,
    out_type=jax.ShapeDtypeStruct((SEQ, CTILES, 128), jnp.float32),
    mesh=_mesh,
    compiler_params=pltpu.CompilerParams(needs_layout_passes=False),
    scratch_types=[
        pltpu.VMEM((32,), jnp.float32),
        pltpu.VMEM((16,), jnp.float32),
        pltpu.VMEM((16,), jnp.float32),
        pltpu.VMEM((UNIT,), jnp.int32),
        pltpu.VMEM((UNIT,), jnp.int32),
        pltpu.VMEM((UNIT,), jnp.int32),
        pltpu.VMEM((8, TPB, 128), jnp.float32),
        pltpu.VMEM((8, TPB, 128), jnp.float32),
        pltpu.VMEM((8, TPB, 128), jnp.float32),
        pltpu.SemaphoreType.DMA,
        pltpu.SemaphoreType.DMA,
        pltpu.SemaphoreType.DMA,
        pltpu.SemaphoreType.DMA,
        pltpu.SemaphoreType.DMA,
        pltpu.SemaphoreType.DMA,
    ],
)
def _sc_lookup(x_hbm, tab_hbm, wb_hbm, out_hbm, tab_v, wb_v, lut_v, xin0,
               xin1, xin2, yout0, yout1, yout2, in_sem0, in_sem1, in_sem2,
               out_sem0, out_sem1, out_sem2):
    wid = lax.axis_index("s") * NC + lax.axis_index("c")
    xin_b = (xin0, xin1, xin2)
    yout_b = (yout0, yout1, yout2)
    in_sems = (in_sem0, in_sem1, in_sem2)
    out_sems = (out_sem0, out_sem1, out_sem2)

    lane = lax.iota(jnp.int32, 16)
    rowmask = lane < 7
    zero16 = jnp.zeros((16,), jnp.int32)

    def col(j):
        idx = jnp.where(rowmask, lane * 3 + j, 0)
        return plsc.load_gather(tab_v, [idx])

    def scalar_bcast(j):
        return plsc.load_gather(wb_v, [zero16 + (j + 1)])

    def make_lut():
        pltpu.sync_copy(tab_hbm, tab_v)
        pltpu.sync_copy(wb_hbm, wb_v)
        z = (col(0) * scalar_bcast(0)
             + col(1) * scalar_bcast(1)
             + col(2) * scalar_bcast(2)
             + scalar_bcast(3))
        lutv = 1.0 / (1.0 + jnp.exp(-z))
        lut_v[...] = jnp.where(rowmask, lutv, 0.0)

    q = lax.rem(wid, 4)
    tail_m = lax.div(wid, 4)

    def unit_coords(slot):
        if slot < FULL_PER_W:
            u = wid + NW * slot
            tr = lax.div(u, 8)
            m = lax.rem(u, 8)
            words = UNIT
            in_off = (tr * CTILES + m * TPB) * 1024
        else:
            tr = TROWS - 1
            m = tail_m
            words = QUNIT
            in_off = (tr * CTILES + m * TPB) * 1024 + q * QUNIT
        return tr, m, words, in_off

    def start_in(slot):
        _, _, words, in_off = unit_coords(slot)
        off = pl.multiple_of(in_off, 8)
        return pltpu.async_copy(
            x_hbm.at[pl.ds(off, words)],
            xin_b[slot % 3].at[pl.ds(0, words)], in_sems[slot % 3])

    def start_out(slot):
        tr, m, words, _ = unit_coords(slot)
        yout = yout_b[slot % 3]
        ntiles = words // 1024
        t0 = m * TPB + (q * QTILES if slot >= FULL_PER_W else 0)
        return pltpu.async_copy(
            yout.at[pl.ds(0, 8), pl.ds(0, ntiles), pl.ds(0, 128)],
            out_hbm.at[pl.ds(8 * tr, 8),
                       pl.ds(pl.multiple_of(t0, 4), ntiles), pl.ds(0, 128)],
            out_sems[slot % 3])

    def compute(slot):
        xin = xin_b[slot % 3]
        yout = yout_b[slot % 3]
        ntiles = TPB if slot < FULL_PER_W else QTILES

        @plsc.parallel_loop(0, ntiles * 8, 1)
        def _(vv):
            t = lax.shift_right_logical(vv, 3)
            v = lax.bitwise_and(vv, 7)
            base_w = t * 1024 + v * 16
            for ri in range(8):
                yout[ri, t, pl.ds(v * 16, L)] = plsc.load_gather(
                    lut_v, [xin[pl.ds(base_w + ri * 128, L)]])

    NSLOTS = FULL_PER_W + 1
    cp_in = [None] * NSLOTS
    cp_out = [None] * NSLOTS
    cp_in[0] = start_in(0)
    cp_in[1] = start_in(1)
    make_lut()
    for s in range(NSLOTS):
        if s + 2 < NSLOTS:
            cp_in[s + 2] = start_in(s + 2)
        cp_in[s].wait()
        if s >= 3:
            cp_out[s - 3].wait()
        compute(s)
        cp_out[s] = start_out(s)
    cp_out[NSLOTS - 3].wait()
    cp_out[NSLOTS - 2].wait()
    cp_out[NSLOTS - 1].wait()


def kernel(x, table, W, b):
    tab = jnp.concatenate([table.reshape(-1), jnp.zeros((11,), jnp.float32)])
    wb = jnp.concatenate(
        [jnp.zeros((1,), jnp.float32), W.reshape(-1), b.reshape(-1),
         jnp.zeros((11,), jnp.float32)])
    xf = (x.T.reshape(SEQ // 8, 8, BATCH // 128, 128)
          .transpose(0, 2, 1, 3).reshape(-1))
    out = _sc_lookup(xf, tab, wb)
    return out.transpose(1, 2, 0).reshape(BATCH, SEQ)[:, :, None]

# --- scband reference (transcript-rebuilt; emitter-appended) ---
"""Pipeline reference for scband-my-model-26955214749743 (READ-ONLY COPY).

The authoritative reference and input builder live on the scoring server;
editing this copy changes nothing except your own understanding.
"""

import jax, jax.numpy as jnp
import numpy as np


def setup_inputs(seed: int = 0) -> dict:
    key = jax.random.key(seed)
    k1, k2, k3 = jax.random.split(key, 3)
    x = jax.random.randint(k1, (16384, 200), 0, 7).astype(jnp.int32)
    # nn.Embedding(7, 3, padding_idx=0): row 0 initialized to zeros
    table = jax.random.normal(k2, (7, 3), dtype=jnp.float32)
    table = table.at[0].set(0.0)
    # nn.Linear(3, 1)
    W = jax.random.normal(k3, (1, 3), dtype=jnp.float32) * (1.0 / np.sqrt(3.0))
    b = jnp.zeros((1,), dtype=jnp.float32)
    return {"x": x, "table": table, "W": W, "b": b}


def reference(x, table, W, b):
    embed = jnp.take(table, x, axis=0)          # [B, L, 3] gather
    out = embed @ W.T + b                        # [B, L, 1]
    return jax.nn.sigmoid(out)

if __name__ == "__main__":
    import jax
    _d = setup_inputs()
    print(jax.jit(kernel)(*tuple(_d.values())))

</pallas_src>

<mosaic_0001>
#map = affine_map<(d0, d1) -> (0)>
#map1 = affine_map<(d0, d1) -> (0, 0, 0)>
module attributes {stable_mosaic.version = 14 : i64} {
  func.func @_sc_lookup(%arg0: i32, %arg1: i32, %arg2: memref<3276800xi32, #tpu.memory_space<hbm>>, %arg3: memref<32xf32, #tpu.memory_space<hbm>>, %arg4: memref<16xf32, #tpu.memory_space<hbm>>, %arg5: memref<200x128x128xf32, #tpu.memory_space<hbm>>, %arg6: memref<32xf32, #tpu.memory_space<vmem>>, %arg7: memref<16xf32, #tpu.memory_space<vmem>>, %arg8: memref<16xf32, #tpu.memory_space<vmem>>, %arg9: memref<16384xi32, #tpu.memory_space<vmem>>, %arg10: memref<16384xi32, #tpu.memory_space<vmem>>, %arg11: memref<16384xi32, #tpu.memory_space<vmem>>, %arg12: memref<8x16x128xf32, #tpu.memory_space<vmem>>, %arg13: memref<8x16x128xf32, #tpu.memory_space<vmem>>, %arg14: memref<8x16x128xf32, #tpu.memory_space<vmem>>, %arg15: memref<!tpu.dma_semaphore, #tpu.memory_space<semaphore_mem>>, %arg16: memref<!tpu.dma_semaphore, #tpu.memory_space<semaphore_mem>>, %arg17: memref<!tpu.dma_semaphore, #tpu.memory_space<semaphore_mem>>, %arg18: memref<!tpu.dma_semaphore, #tpu.memory_space<semaphore_mem>>, %arg19: memref<!tpu.dma_semaphore, #tpu.memory_space<semaphore_mem>>, %arg20: memref<!tpu.dma_semaphore, #tpu.memory_space<semaphore_mem>>) attributes {dimension_semantics = [#tpu.dimension_semantics<core_parallel>, #tpu.dimension_semantics<subcore_parallel>], iteration_bounds = array<i64: 2, 16>, scalar_prefetch = 0 : i64, scratch_operands = 15 : i64, tpu.core_type = #tpu.core_type<sc_vector_subcore>, window_params = [{transform_indices = #map}, {transform_indices = #map}, {transform_indices = #map}, {transform_indices = #map1}]} {
    %mul3A = arith.constant 2 : i32
    %mul3A_0 = arith.muli %arg1, %mul3A : i32
    %add3A = arith.addi %mul3A_0, %arg0 : i32
    %iota3A = tpu.iota {dimensions = array<i32: 0>} : vector<16xi32>
    %lt3A = arith.constant 7 : i32
    %lt3A_1 = vector.broadcast %lt3A : i32 to vector<16xi32>
    %lt3A_2 = arith.cmpi slt, %iota3A, %lt3A_1 : vector<16xi32>
    %broadcast_in_dim3A = arith.constant 0 : i32
    %broadcast_in_dim3A_3 = vector.broadcast %broadcast_in_dim3A : i32 to vector<16xi32>
    %rem3A = arith.constant 4 : i32
    %rem3A_4 = arith.remsi %add3A, %rem3A : i32
    %div3A = arith.constant 4 : i32
    %div3A_5 = arith.divsi %add3A, %div3A : i32
    %add3A_6 = arith.constant 0 : i32
    %add3A_7 = arith.addi %add3A, %add3A_6 : i32
    %div3A_8 = arith.constant 8 : i32
    %div3A_9 = arith.divsi %add3A_7, %div3A_8 : i32
    %rem3A_10 = arith.constant 8 : i32
    %rem3A_11 = arith.remsi %add3A_7, %rem3A_10 : i32
    %mul3A_12 = arith.constant 128 : i32
    %mul3A_13 = arith.muli %div3A_9, %mul3A_12 : i32
    %mul3A_14 = arith.constant 16 : i32
    %mul3A_15 = arith.muli %rem3A_11, %mul3A_14 : i32
    %add3A_16 = arith.addi %mul3A_13, %mul3A_15 : i32
    %mul3A_17 = arith.constant 1024 : i32
    %mul3A_18 = arith.muli %add3A_16, %mul3A_17 : i32
    %multiple_of3A = tpu.assume_multiple %mul3A_18, 8 : i32
    %dma_start3A = arith.constant 0 : i32
    %dma_start3A_19 = tpu.memref_slice %arg9[%dma_start3A] : memref<16384xi32, #tpu.memory_space<vmem>> -> memref<16384xi32, #tpu.memory_space<vmem>>
    %dma_start3A_20 = tpu.memref_slice %arg2[%multiple_of3A] : memref<3276800xi32, #tpu.memory_space<hbm>> -> memref<16384xi32, #tpu.memory_space<hbm>>
    %dma_start3A_21 = arith.constant 0 : i32
    %dma_start3A_22 = tpu.memref_slice %arg9[%dma_start3A_21] : memref<16384xi32, #tpu.memory_space<vmem>> -> memref<16384xi32, #tpu.memory_space<vmem>>
    %dma_start3A_23 = tpu.memref_slice %arg2[%multiple_of3A] : memref<3276800xi32, #tpu.memory_space<hbm>> -> memref<16384xi32, #tpu.memory_space<hbm>>
    tpu.enqueue_dma source(%dma_start3A_23 : memref<16384xi32, #tpu.memory_space<hbm>>) target(%dma_start3A_22 : memref<16384xi32, #tpu.memory_space<vmem>>) target_semaphore(%arg15 : memref<!tpu.dma_semaphore, #tpu.memory_space<semaphore_mem>>)
    %add3A_24 = arith.constant 32 : i32
    %add3A_25 = arith.addi %add3A, %add3A_24 : i32
    %div3A_26 = arith.constant 8 : i32
    %div3A_27 = arith.divsi %add3A_25, %div3A_26 : i32
    %rem3A_28 = arith.constant 8 : i32
    %rem3A_29 = arith.remsi %add3A_25, %rem3A_28 : i32
    %mul3A_30 = arith.constant 128 : i32
    %mul3A_31 = arith.muli %div3A_27, %mul3A_30 : i32
    %mul3A_32 = arith.constant 16 : i32
    %mul3A_33 = arith.muli %rem3A_29, %mul3A_32 : i32
    %add3A_34 = arith.addi %mul3A_31, %mul3A_33 : i32
    %mul3A_35 = arith.constant 1024 : i32
    %mul3A_36 = arith.muli %add3A_34, %mul3A_35 : i32
    %multiple_of3A_37 = tpu.assume_multiple %mul3A_36, 8 : i32
    %dma_start3A_38 = arith.constant 0 : i32
    %dma_start3A_39 = tpu.memref_slice %arg10[%dma_start3A_38] : memref<16384xi32, #tpu.memory_space<vmem>> -> memref<16384xi32, #tpu.memory_space<vmem>>
    %dma_start3A_40 = tpu.memref_slice %arg2[%multiple_of3A_37] : memref<3276800xi32, #tpu.memory_space<hbm>> -> memref<16384xi32, #tpu.memory_space<hbm>>
    %dma_start3A_41 = arith.constant 0 : i32
    %dma_start3A_42 = tpu.memref_slice %arg10[%dma_start3A_41] : memref<16384xi32, #tpu.memory_space<vmem>> -> memref<16384xi32, #tpu.memory_space<vmem>>
    %dma_start3A_43 = tpu.memref_slice %arg2[%multiple_of3A_37] : memref<3276800xi32, #tpu.memory_space<hbm>> -> memref<16384xi32, #tpu.memory_space<hbm>>
    tpu.enqueue_dma source(%dma_start3A_43 : memref<16384xi32, #tpu.memory_space<hbm>>) target(%dma_start3A_42 : memref<16384xi32, #tpu.memory_space<vmem>>) target_semaphore(%arg16 : memref<!tpu.dma_semaphore, #tpu.memory_space<semaphore_mem>>)
    "tpu.region"() ({
      %run_scoped3A = tpu.sem_alloc : memref<!tpu.dma_semaphore, #tpu.memory_space<semaphore_mem>>
      tpu.enqueue_dma source(%arg3 : memref<32xf32, #tpu.memory_space<hbm>>) target(%arg6 : memref<32xf32, #tpu.memory_space<vmem>>) target_semaphore(%run_scoped3A : memref<!tpu.dma_semaphore, #tpu.memory_space<semaphore_mem>>)
      tpu.wait_dma2 semaphore(%run_scoped3A : memref<!tpu.dma_semaphore, #tpu.memory_space<semaphore_mem>>) src(%arg3 : memref<32xf32, #tpu.memory_space<hbm>>) dst(%arg6 : memref<32xf32, #tpu.memory_space<vmem>>)
      tpu.yield
    }) : () -> ()
    "tpu.region"() ({
      %run_scoped3A = tpu.sem_alloc : memref<!tpu.dma_semaphore, #tpu.memory_space<semaphore_mem>>
      tpu.enqueue_dma source(%arg4 : memref<16xf32, #tpu.memory_space<hbm>>) target(%arg7 : memref<16xf32, #tpu.memory_space<vmem>>) target_semaphore(%run_scoped3A : memref<!tpu.dma_semaphore, #tpu.memory_space<semaphore_mem>>)
      tpu.wait_dma2 semaphore(%run_scoped3A : memref<!tpu.dma_semaphore, #tpu.memory_space<semaphore_mem>>) src(%arg4 : memref<16xf32, #tpu.memory_space<hbm>>) dst(%arg7 : memref<16xf32, #tpu.memory_space<vmem>>)
      tpu.yield
    }) : () -> ()
    %mul3A_44 = arith.constant 3 : i32
    %mul3A_45 = vector.broadcast %mul3A_44 : i32 to vector<16xi32>
    %mul3A_46 = arith.muli %iota3A, %mul3A_45 : vector<16xi32>
    %add3A_47 = arith.constant 0 : i32
    %add3A_48 = vector.broadcast %add3A_47 : i32 to vector<16xi32>
    %add3A_49 = arith.addi %mul3A_46, %add3A_48 : vector<16xi32>
    %jit3A = arith.constant 0 : i32
    %broadcast_in_dim3A_50 = vector.broadcast %jit3A : i32 to vector<16xi32>
    %select_n3A = arith.select %lt3A_2, %add3A_49, %broadcast_in_dim3A_50 : vector<16xi1>, vector<16xi32>
    %gather3A = tpu.vector_load_idx %arg6[%select_n3A] : memref<32xf32, #tpu.memory_space<vmem>>[vector<16xi32>], vector<16xf32>,
    %add3A_51 = arith.constant 1 : i32
    %add3A_52 = vector.broadcast %add3A_51 : i32 to vector<16xi32>
    %add3A_53 = arith.addi %broadcast_in_dim3A_3, %add3A_52 : vector<16xi32>
    %gather3A_54 = tpu.vector_load_idx %arg7[%add3A_53] : memref<16xf32, #tpu.memory_space<vmem>>[vector<16xi32>], vector<16xf32>,
    %mul3A_55 = arith.mulf %gather3A, %gather3A_54 : vector<16xf32>
    %mul3A_56 = arith.constant 3 : i32
    %mul3A_57 = vector.broadcast %mul3A_56 : i32 to vector<16xi32>
    %mul3A_58 = arith.muli %iota3A, %mul3A_57 : vector<16xi32>
    %add3A_59 = arith.constant 1 : i32
    %add3A_60 = vector.broadcast %add3A_59 : i32 to vector<16xi32>
    %add3A_61 = arith.addi %mul3A_58, %add3A_60 : vector<16xi32>
    %jit3A_62 = arith.constant 0 : i32
    %broadcast_in_dim3A_63 = vector.broadcast %jit3A_62 : i32 to vector<16xi32>
    %select_n3A_64 = arith.select %lt3A_2, %add3A_61, %broadcast_in_dim3A_63 : vector<16xi1>, vector<16xi32>
    %gather3A_65 = tpu.vector_load_idx %arg6[%select_n3A_64] : memref<32xf32, #tpu.memory_space<vmem>>[vector<16xi32>], vector<16xf32>,
    %add3A_66 = arith.constant 2 : i32
    %add3A_67 = vector.broadcast %add3A_66 : i32 to vector<16xi32>
    %add3A_68 = arith.addi %broadcast_in_dim3A_3, %add3A_67 : vector<16xi32>
    %gather3A_69 = tpu.vector_load_idx %arg7[%add3A_68] : memref<16xf32, #tpu.memory_space<vmem>>[vector<16xi32>], vector<16xf32>,
    %mul3A_70 = arith.mulf %gather3A_65, %gather3A_69 : vector<16xf32>
    %add3A_71 = arith.addf %mul3A_55, %mul3A_70 : vector<16xf32>
    %mul3A_72 = arith.constant 3 : i32
    %mul3A_73 = vector.broadcast %mul3A_72 : i32 to vector<16xi32>
    %mul3A_74 = arith.muli %iota3A, %mul3A_73 : vector<16xi32>
    %add3A_75 = arith.constant 2 : i32
    %add3A_76 = vector.broadcast %add3A_75 : i32 to vector<16xi32>
    %add3A_77 = arith.addi %mul3A_74, %add3A_76 : vector<16xi32>
    %jit3A_78 = arith.constant 0 : i32
    %broadcast_in_dim3A_79 = vector.broadcast %jit3A_78 : i32 to vector<16xi32>
    %select_n3A_80 = arith.select %lt3A_2, %add3A_77, %broadcast_in_dim3A_79 : vector<16xi1>, vector<16xi32>
    %gather3A_81 = tpu.vector_load_idx %arg6[%select_n3A_80] : memref<32xf32, #tpu.memory_space<vmem>>[vector<16xi32>], vector<16xf32>,
    %add3A_82 = arith.constant 3 : i32
    %add3A_83 = vector.broadcast %add3A_82 : i32 to vector<16xi32>
    %add3A_84 = arith.addi %broadcast_in_dim3A_3, %add3A_83 : vector<16xi32>
    %gather3A_85 = tpu.vector_load_idx %arg7[%add3A_84] : memref<16xf32, #tpu.memory_space<vmem>>[vector<16xi32>], vector<16xf32>,
    %mul3A_86 = arith.mulf %gather3A_81, %gather3A_85 : vector<16xf32>
    %add3A_87 = arith.addf %add3A_71, %mul3A_86 : vector<16xf32>
    %add3A_88 = arith.constant 4 : i32
    %add3A_89 = vector.broadcast %add3A_88 : i32 to vector<16xi32>
    %add3A_90 = arith.addi %broadcast_in_dim3A_3, %add3A_89 : vector<16xi32>
    %gather3A_91 = tpu.vector_load_idx %arg7[%add3A_90] : memref<16xf32, #tpu.memory_space<vmem>>[vector<16xi32>], vector<16xf32>,
    %add3A_92 = arith.addf %add3A_87, %gather3A_91 : vector<16xf32>
    %neg3A = arith.constant 0.000000e+00 : f32
    %neg3A_93 = vector.broadcast %neg3A : f32 to vector<16xf32>
    %neg3A_94 = arith.subf %neg3A_93, %add3A_92 : vector<16xf32>
    %exp3A = math.exp %neg3A_94 : vector<16xf32>
    %add3A_95 = arith.constant 1.000000e+00 : f32
    %add3A_96 = vector.broadcast %add3A_95 : f32 to vector<16xf32>
    %add3A_97 = arith.addf %add3A_96, %exp3A : vector<16xf32>
    %div3A_98 = arith.constant 1.000000e+00 : f32
    %div3A_99 = vector.broadcast %div3A_98 : f32 to vector<16xf32>
    %div3A_100 = arith.divf %div3A_99, %add3A_97 : vector<16xf32>
    %jit3A_101 = arith.constant 0.000000e+00 : f32
    %broadcast_in_dim3A_102 = vector.broadcast %jit3A_101 : f32 to vector<16xf32>
    %select_n3A_103 = arith.select %lt3A_2, %div3A_100, %broadcast_in_dim3A_102 : vector<16xi1>, vector<16xf32>
    %swap3A = arith.constant 0 : index
    %swap3A_104 = tpu.vector_load %arg8[%swap3A] {strides = array<i32>} : memref<16xf32, #tpu.memory_space<vmem>>, vector<16xf32>,
    tpu.vector_store %arg8[%swap3A], %select_n3A_103 {strides = array<i32>} : memref<16xf32, #tpu.memory_space<vmem>>, vector<16xf32>,
    %add3A_105 = arith.constant 64 : i32
    %add3A_106 = arith.addi %add3A, %add3A_105 : i32
    %div3A_107 = arith.constant 8 : i32
    %div3A_108 = arith.divsi %add3A_106, %div3A_107 : i32
    %rem3A_109 = arith.constant 8 : i32
    %rem3A_110 = arith.remsi %add3A_106, %rem3A_109 : i32
    %mul3A_111 = arith.constant 128 : i32
    %mul3A_112 = arith.muli %div3A_108, %mul3A_111 : i32
    %mul3A_113 = arith.constant 16 : i32
    %mul3A_114 = arith.muli %rem3A_110, %mul3A_113 : i32
    %add3A_115 = arith.addi %mul3A_112, %mul3A_114 : i32
    %mul3A_116 = arith.constant 1024 : i32
    %mul3A_117 = arith.muli %add3A_115, %mul3A_116 : i32
    %multiple_of3A_118 = tpu.assume_multiple %mul3A_117, 8 : i32
    %dma_start3A_119 = arith.constant 0 : i32
    %dma_start3A_120 = tpu.memref_slice %arg11[%dma_start3A_119] : memref<16384xi32, #tpu.memory_space<vmem>> -> memref<16384xi32, #tpu.memory_space<vmem>>
    %dma_start3A_121 = tpu.memref_slice %arg2[%multiple_of3A_118] : memref<3276800xi32, #tpu.memory_space<hbm>> -> memref<16384xi32, #tpu.memory_space<hbm>>
    %dma_start3A_122 = arith.constant 0 : i32
    %dma_start3A_123 = tpu.memref_slice %arg11[%dma_start3A_122] : memref<16384xi32, #tpu.memory_space<vmem>> -> memref<16384xi32, #tpu.memory_space<vmem>>
    %dma_start3A_124 = tpu.memref_slice %arg2[%multiple_of3A_118] : memref<3276800xi32, #tpu.memory_space<hbm>> -> memref<16384xi32, #tpu.memory_space<hbm>>
    tpu.enqueue_dma source(%dma_start3A_124 : memref<16384xi32, #tpu.memory_space<hbm>>) target(%dma_start3A_123 : memref<16384xi32, #tpu.memory_space<vmem>>) target_semaphore(%arg17 : memref<!tpu.dma_semaphore, #tpu.memory_space<semaphore_mem>>)
    %dma_wait3A = arith.constant 0 : i32
    %dma_wait3A_125 = tpu.memref_slice %arg9[%dma_wait3A] : memref<16384xi32, #tpu.memory_space<vmem>> -> memref<16384xi32, #tpu.memory_space<vmem>>
    %dma_wait3A_126 = tpu.memref_slice %arg2[%multiple_of3A] : memref<3276800xi32, #tpu.memory_space<hbm>> -> memref<16384xi32, #tpu.memory_space<hbm>>
    %dma_wait3A_127 = arith.constant 0 : i32
    %dma_wait3A_128 = tpu.memref_slice %arg9[%dma_wait3A_127] : memref<16384xi32, #tpu.memory_space<vmem>> -> memref<16384xi32, #tpu.memory_space<vmem>>
    %dma_wait3A_129 = tpu.memref_slice %arg2[%multiple_of3A] : memref<3276800xi32, #tpu.memory_space<hbm>> -> memref<16384xi32, #tpu.memory_space<hbm>>
    tpu.wait_dma2 semaphore(%arg15 : memref<!tpu.dma_semaphore, #tpu.memory_space<semaphore_mem>>) src(%dma_wait3A_129 : memref<16384xi32, #tpu.memory_space<hbm>>) dst(%dma_wait3A_128 : memref<16384xi32, #tpu.memory_space<vmem>>)
    %parallel_loop3A = arith.constant 0 : i32
    %parallel_loop3A_130 = arith.constant 128 : i32
    %parallel_loop3A_131 = arith.constant 1 : i32
    scf.for %parallel_loop3A_569 = %parallel_loop3A to %parallel_loop3A_130 step %parallel_loop3A_131  : i32 {
      %parallel_loop3A_570 = arith.constant 3 : i32
      %parallel_loop3A_571 = arith.shrui %parallel_loop3A_569, %parallel_loop3A_570 : i32
      %parallel_loop3A_572 = arith.constant 7 : i32
      %parallel_loop3A_573 = arith.andi %parallel_loop3A_569, %parallel_loop3A_572 : i32
      %parallel_loop3A_574 = arith.constant 1024 : i32
      %parallel_loop3A_575 = arith.muli %parallel_loop3A_571, %parallel_loop3A_574 : i32
      %parallel_loop3A_576 = arith.constant 16 : i32
      %parallel_loop3A_577 = arith.muli %parallel_loop3A_573, %parallel_loop3A_576 : i32
      %parallel_loop3A_578 = arith.addi %parallel_loop3A_575, %parallel_loop3A_577 : i32
      %parallel_loop3A_579 = arith.constant 0 : i32
      %parallel_loop3A_580 = arith.addi %parallel_loop3A_578, %parallel_loop3A_579 : i32
      %parallel_loop3A_581 = arith.index_cast %parallel_loop3A_580 : i32 to index
      %parallel_loop3A_582 = tpu.vector_load %arg9[%parallel_loop3A_581] {strides = array<i32>} : memref<16384xi32, #tpu.memory_space<vmem>>, vector<16xi32>,
      %parallel_loop3A_583 = tpu.vector_load_idx %arg8[%parallel_loop3A_582] : memref<16xf32, #tpu.memory_space<vmem>>[vector<16xi32>], vector<16xf32>,
      %parallel_loop3A_584 = arith.constant 16 : i32
      %parallel_loop3A_585 = arith.muli %parallel_loop3A_573, %parallel_loop3A_584 : i32
      %parallel_loop3A_586 = arith.constant 0 : i32
      %parallel_loop3A_587 = arith.index_cast %parallel_loop3A_586 : i32 to index
      %parallel_loop3A_588 = arith.index_cast %parallel_loop3A_571 : i32 to index
      %parallel_loop3A_589 = arith.index_cast %parallel_loop3A_585 : i32 to index
      %parallel_loop3A_590 = tpu.vector_load %arg12[%parallel_loop3A_587, %parallel_loop3A_588, %parallel_loop3A_589] {strides = array<i32>} : memref<8x16x128xf32, #tpu.memory_space<vmem>>, vector<16xf32>,
      tpu.vector_store %arg12[%parallel_loop3A_587, %parallel_loop3A_588, %parallel_loop3A_589], %parallel_loop3A_583 {strides = array<i32>} : memref<8x16x128xf32, #tpu.memory_space<vmem>>, vector<16xf32>,
      %parallel_loop3A_591 = arith.constant 128 : i32
      %parallel_loop3A_592 = arith.addi %parallel_loop3A_578, %parallel_loop3A_591 : i32
      %parallel_loop3A_593 = arith.index_cast %parallel_loop3A_592 : i32 to index
      %parallel_loop3A_594 = tpu.vector_load %arg9[%parallel_loop3A_593] {strides = array<i32>} : memref<16384xi32, #tpu.memory_space<vmem>>, vector<16xi32>,
      %parallel_loop3A_595 = tpu.vector_load_idx %arg8[%parallel_loop3A_594] : memref<16xf32, #tpu.memory_space<vmem>>[vector<16xi32>], vector<16xf32>,
      %parallel_loop3A_596 = arith.constant 16 : i32
      %parallel_loop3A_597 = arith.muli %parallel_loop3A_573, %parallel_loop3A_596 : i32
      %parallel_loop3A_598 = arith.constant 1 : i32
      %parallel_loop3A_599 = arith.index_cast %parallel_loop3A_598 : i32 to index
      %parallel_loop3A_600 = arith.index_cast %parallel_loop3A_571 : i32 to index
      %parallel_loop3A_601 = arith.index_cast %parallel_loop3A_597 : i32 to index
      %parallel_loop3A_602 = tpu.vector_load %arg12[%parallel_loop3A_599, %parallel_loop3A_600, %parallel_loop3A_601] {strides = array<i32>} : memref<8x16x128xf32, #tpu.memory_space<vmem>>, vector<16xf32>,
      tpu.vector_store %arg12[%parallel_loop3A_599, %parallel_loop3A_600, %parallel_loop3A_601], %parallel_loop3A_595 {strides = array<i32>} : memref<8x16x128xf32, #tpu.memory_space<vmem>>, vector<16xf32>,
      %parallel_loop3A_603 = arith.constant 256 : i32
      %parallel_loop3A_604 = arith.addi %parallel_loop3A_578, %parallel_loop3A_603 : i32
      %parallel_loop3A_605 = arith.index_cast %parallel_loop3A_604 : i32 to index
      %parallel_loop3A_606 = tpu.vector_load %arg9[%parallel_loop3A_605] {strides = array<i32>} : memref<16384xi32, #tpu.memory_space<vmem>>, vector<16xi32>,
      %parallel_loop3A_607 = tpu.vector_load_idx %arg8[%parallel_loop3A_606] : memref<16xf32, #tpu.memory_space<vmem>>[vector<16xi32>], vector<16xf32>,
      %parallel_loop3A_608 = arith.constant 16 : i32
      %parallel_loop3A_609 = arith.muli %parallel_loop3A_573, %parallel_loop3A_608 : i32
      %parallel_loop3A_610 = arith.constant 2 : i32
      %parallel_loop3A_611 = arith.index_cast %parallel_loop3A_610 : i32 to index
      %parallel_loop3A_612 = arith.index_cast %parallel_loop3A_571 : i32 to index
      %parallel_loop3A_613 = arith.index_cast %parallel_loop3A_609 : i32 to index
      %parallel_loop3A_614 = tpu.vector_load %arg12[%parallel_loop3A_611, %parallel_loop3A_612, %parallel_loop3A_613] {strides = array<i32>} : memref<8x16x128xf32, #tpu.memory_space<vmem>>, vector<16xf32>,
      tpu.vector_store %arg12[%parallel_loop3A_611, %parallel_loop3A_612, %parallel_loop3A_613], %parallel_loop3A_607 {strides = array<i32>} : memref<8x16x128xf32, #tpu.memory_space<vmem>>, vector<16xf32>,
      %parallel_loop3A_615 = arith.constant 384 : i32
      %parallel_loop3A_616 = arith.addi %parallel_loop3A_578, %parallel_loop3A_615 : i32
      %parallel_loop3A_617 = arith.index_cast %parallel_loop3A_616 : i32 to index
      %parallel_loop3A_618 = tpu.vector_load %arg9[%parallel_loop3A_617] {strides = array<i32>} : memref<16384xi32, #tpu.memory_space<vmem>>, vector<16xi32>,
      %parallel_loop3A_619 = tpu.vector_load_idx %arg8[%parallel_loop3A_618] : memref<16xf32, #tpu.memory_space<vmem>>[vector<16xi32>], vector<16xf32>,
      %parallel_loop3A_620 = arith.constant 16 : i32
      %parallel_loop3A_621 = arith.muli %parallel_loop3A_573, %parallel_loop3A_620 : i32
      %parallel_loop3A_622 = arith.constant 3 : i32
      %parallel_loop3A_623 = arith.index_cast %parallel_loop3A_622 : i32 to index
      %parallel_loop3A_624 = arith.index_cast %parallel_loop3A_571 : i32 to index
      %parallel_loop3A_625 = arith.index_cast %parallel_loop3A_621 : i32 to index
      %parallel_loop3A_626 = tpu.vector_load %arg12[%parallel_loop3A_623, %parallel_loop3A_624, %parallel_loop3A_625] {strides = array<i32>} : memref<8x16x128xf32, #tpu.memory_space<vmem>>, vector<16xf32>,
      tpu.vector_store %arg12[%parallel_loop3A_623, %parallel_loop3A_624, %parallel_loop3A_625], %parallel_loop3A_619 {strides = array<i32>} : memref<8x16x128xf32, #tpu.memory_space<vmem>>, vector<16xf32>,
      %parallel_loop3A_627 = arith.constant 512 : i32
      %parallel_loop3A_628 = arith.addi %parallel_loop3A_578, %parallel_loop3A_627 : i32
      %parallel_loop3A_629 = arith.index_cast %parallel_loop3A_628 : i32 to index
      %parallel_loop3A_630 = tpu.vector_load %arg9[%parallel_loop3A_629] {strides = array<i32>} : memref<16384xi32, #tpu.memory_space<vmem>>, vector<16xi32>,
      %parallel_loop3A_631 = tpu.vector_load_idx %arg8[%parallel_loop3A_630] : memref<16xf32, #tpu.memory_space<vmem>>[vector<16xi32>], vector<16xf32>,
      %parallel_loop3A_632 = arith.constant 16 : i32
      %parallel_loop3A_633 = arith.muli %parallel_loop3A_573, %parallel_loop3A_632 : i32
      %parallel_loop3A_634 = arith.constant 4 : i32
      %parallel_loop3A_635 = arith.index_cast %parallel_loop3A_634 : i32 to index
      %parallel_loop3A_636 = arith.index_cast %parallel_loop3A_571 : i32 to index
      %parallel_loop3A_637 = arith.index_cast %parallel_loop3A_633 : i32 to index
      %parallel_loop3A_638 = tpu.vector_load %arg12[%parallel_loop3A_635, %parallel_loop3A_636, %parallel_loop3A_637] {strides = array<i32>} : memref<8x16x128xf32, #tpu.memory_space<vmem>>, vector<16xf32>,
      tpu.vector_store %arg12[%parallel_loop3A_635, %parallel_loop3A_636, %parallel_loop3A_637], %parallel_loop3A_631 {strides = array<i32>} : memref<8x16x128xf32, #tpu.memory_space<vmem>>, vector<16xf32>,
      %parallel_loop3A_639 = arith.constant 640 : i32
      %parallel_loop3A_640 = arith.addi %parallel_loop3A_578, %parallel_loop3A_639 : i32
      %parallel_loop3A_641 = arith.index_cast %parallel_loop3A_640 : i32 to index
      %parallel_loop3A_642 = tpu.vector_load %arg9[%parallel_loop3A_641] {strides = array<i32>} : memref<16384xi32, #tpu.memory_space<vmem>>, vector<16xi32>,
      %parallel_loop3A_643 = tpu.vector_load_idx %arg8[%parallel_loop3A_642] : memref<16xf32, #tpu.memory_space<vmem>>[vector<16xi32>], vector<16xf32>,
      %parallel_loop3A_644 = arith.constant 16 : i32
      %parallel_loop3A_645 = arith.muli %parallel_loop3A_573, %parallel_loop3A_644 : i32
      %parallel_loop3A_646 = arith.constant 5 : i32
      %parallel_loop3A_647 = arith.index_cast %parallel_loop3A_646 : i32 to index
      %parallel_loop3A_648 = arith.index_cast %parallel_loop3A_571 : i32 to index
      %parallel_loop3A_649 = arith.index_cast %parallel_loop3A_645 : i32 to index
      %parallel_loop3A_650 = tpu.vector_load %arg12[%parallel_loop3A_647, %parallel_loop3A_648, %parallel_loop3A_649] {strides = array<i32>} : memref<8x16x128xf32, #tpu.memory_space<vmem>>, vector<16xf32>,
      tpu.vector_store %arg12[%parallel_loop3A_647, %parallel_loop3A_648, %parallel_loop3A_649], %parallel_loop3A_643 {strides = array<i32>} : memref<8x16x128xf32, #tpu.memory_space<vmem>>, vector<16xf32>,
      %parallel_loop3A_651 = arith.constant 768 : i32
      %parallel_loop3A_652 = arith.addi %parallel_loop3A_578, %parallel_loop3A_651 : i32
      %parallel_loop3A_653 = arith.index_cast %parallel_loop3A_652 : i32 to index
      %parallel_loop3A_654 = tpu.vector_load %arg9[%parallel_loop3A_653] {strides = array<i32>} : memref<16384xi32, #tpu.memory_space<vmem>>, vector<16xi32>,
      %parallel_loop3A_655 = tpu.vector_load_idx %arg8[%parallel_loop3A_654] : memref<16xf32, #tpu.memory_space<vmem>>[vector<16xi32>], vector<16xf32>,
      %parallel_loop3A_656 = arith.constant 16 : i32
      %parallel_loop3A_657 = arith.muli %parallel_loop3A_573, %parallel_loop3A_656 : i32
      %parallel_loop3A_658 = arith.constant 6 : i32
      %parallel_loop3A_659 = arith.index_cast %parallel_loop3A_658 : i32 to index
      %parallel_loop3A_660 = arith.index_cast %parallel_loop3A_571 : i32 to index
      %parallel_loop3A_661 = arith.index_cast %parallel_loop3A_657 : i32 to index
      %parallel_loop3A_662 = tpu.vector_load %arg12[%parallel_loop3A_659, %parallel_loop3A_660, %parallel_loop3A_661] {strides = array<i32>} : memref<8x16x128xf32, #tpu.memory_space<vmem>>, vector<16xf32>,
      tpu.vector_store %arg12[%parallel_loop3A_659, %parallel_loop3A_660, %parallel_loop3A_661], %parallel_loop3A_655 {strides = array<i32>} : memref<8x16x128xf32, #tpu.memory_space<vmem>>, vector<16xf32>,
      %parallel_loop3A_663 = arith.constant 896 : i32
      %parallel_loop3A_664 = arith.addi %parallel_loop3A_578, %parallel_loop3A_663 : i32
      %parallel_loop3A_665 = arith.index_cast %parallel_loop3A_664 : i32 to index
      %parallel_loop3A_666 = tpu.vector_load %arg9[%parallel_loop3A_665] {strides = array<i32>} : memref<16384xi32, #tpu.memory_space<vmem>>, vector<16xi32>,
      %parallel_loop3A_667 = tpu.vector_load_idx %arg8[%parallel_loop3A_666] : memref<16xf32, #tpu.memory_space<vmem>>[vector<16xi32>], vector<16xf32>,
      %parallel_loop3A_668 = arith.constant 16 : i32
      %parallel_loop3A_669 = arith.muli %parallel_loop3A_573, %parallel_loop3A_668 : i32
      %parallel_loop3A_670 = arith.constant 7 : i32
      %parallel_loop3A_671 = arith.index_cast %parallel_loop3A_670 : i32 to index
      %parallel_loop3A_672 = arith.index_cast %parallel_loop3A_571 : i32 to index
      %parallel_loop3A_673 = arith.index_cast %parallel_loop3A_669 : i32 to index
      %parallel_loop3A_674 = tpu.vector_load %arg12[%parallel_loop3A_671, %parallel_loop3A_672, %parallel_loop3A_673] {strides = array<i32>} : memref<8x16x128xf32, #tpu.memory_space<vmem>>, vector<16xf32>,
      tpu.vector_store %arg12[%parallel_loop3A_671, %parallel_loop3A_672, %parallel_loop3A_673], %parallel_loop3A_667 {strides = array<i32>} : memref<8x16x128xf32, #tpu.memory_space<vmem>>, vector<16xf32>,
    } {sc.loop_unroll_factor = 1 : i64, sc.parallel_access}
    %add3A_132 = arith.constant 0 : i32
    %add3A_133 = arith.addi %add3A, %add3A_132 : i32
    %div3A_134 = arith.constant 8 : i32
    %div3A_135 = arith.divsi %add3A_133, %div3A_134 : i32
    %rem3A_136 = arith.constant 8 : i32
    %rem3A_137 = arith.remsi %add3A_133, %rem3A_136 : i32
    %mul3A_138 = arith.constant 128 : i32
    %mul3A_139 = arith.muli %div3A_135, %mul3A_138 : i32
    %mul3A_140 = arith.constant 16 : i32
    %mul3A_141 = arith.muli %rem3A_137, %mul3A_140 : i32
    %add3A_142 = arith.addi %mul3A_139, %mul3A_141 : i32
    %mul3A_143 = arith.constant 1024 : i32
    %mul3A_144 = arith.muli %add3A_142, %mul3A_143 : i32
    %mul3A_145 = arith.constant 16 : i32
    %mul3A_146 = arith.muli %rem3A_137, %mul3A_145 : i32
    %add3A_147 = arith.constant 0 : i32
    %add3A_148 = arith.addi %mul3A_146, %add3A_147 : i32
    %mul3A_149 = arith.constant 8 : i32
    %mul3A_150 = arith.muli %mul3A_149, %div3A_135 : i32
    %multiple_of3A_151 = tpu.assume_multiple %add3A_148, 4 : i32
    %dma_start3A_152 = arith.constant 0 : i32
    %dma_start3A_153 = arith.constant 0 : i32
    %dma_start3A_154 = arith.constant 0 : i32
    %dma_start3A_155 = tpu.memref_slice %arg12[%dma_start3A_152, %dma_start3A_153, %dma_start3A_154] : memref<8x16x128xf32, #tpu.memory_space<vmem>> -> memref<8x16x128xf32, #tpu.memory_space<vmem>>
    %dma_start3A_156 = arith.constant 0 : i32
    %dma_start3A_157 = tpu.memref_slice %arg5[%mul3A_150, %multiple_of3A_151, %dma_start3A_156] : memref<200x128x128xf32, #tpu.memory_space<hbm>> -> memref<8x16x128xf32, #tpu.memory_space<hbm>>
    %dma_start3A_158 = arith.constant 0 : i32
    %dma_start3A_159 = tpu.memref_slice %arg5[%mul3A_150, %multiple_of3A_151, %dma_start3A_158] : memref<200x128x128xf32, #tpu.memory_space<hbm>> -> memref<8x16x128xf32, #tpu.memory_space<hbm>>
    %dma_start3A_160 = arith.constant 0 : i32
    %dma_start3A_161 = arith.constant 0 : i32
    %dma_start3A_162 = arith.constant 0 : i32
    %dma_start3A_163 = tpu.memref_slice %arg12[%dma_start3A_160, %dma_start3A_161, %dma_start3A_162] : memref<8x16x128xf32, #tpu.memory_space<vmem>> -> memref<8x16x128xf32, #tpu.memory_space<vmem>>
    tpu.enqueue_dma source(%dma_start3A_163 : memref<8x16x128xf32, #tpu.memory_space<vmem>>) target(%dma_start3A_159 : memref<8x16x128xf32, #tpu.memory_space<hbm>>) target_semaphore(%arg18 : memref<!tpu.dma_semaphore, #tpu.memory_space<semaphore_mem>>)
    %add3A_164 = arith.constant 96 : i32
    %add3A_165 = arith.addi %add3A, %add3A_164 : i32
    %div3A_166 = arith.constant 8 : i32
    %div3A_167 = arith.divsi %add3A_165, %div3A_166 : i32
    %rem3A_168 = arith.constant 8 : i32
    %rem3A_169 = arith.remsi %add3A_165, %rem3A_168 : i32
    %mul3A_170 = arith.constant 128 : i32
    %mul3A_171 = arith.muli %div3A_167, %mul3A_170 : i32
    %mul3A_172 = arith.constant 16 : i32
    %mul3A_173 = arith.muli %rem3A_169, %mul3A_172 : i32
    %add3A_174 = arith.addi %mul3A_171, %mul3A_173 : i32
    %mul3A_175 = arith.constant 1024 : i32
    %mul3A_176 = arith.muli %add3A_174, %mul3A_175 : i32
    %multiple_of3A_177 = tpu.assume_multiple %mul3A_176, 8 : i32
    %dma_start3A_178 = arith.constant 0 : i32
    %dma_start3A_179 = tpu.memref_slice %arg9[%dma_start3A_178] : memref<16384xi32, #tpu.memory_space<vmem>> -> memref<16384xi32, #tpu.memory_space<vmem>>
    %dma_start3A_180 = tpu.memref_slice %arg2[%multiple_of3A_177] : memref<3276800xi32, #tpu.memory_space<hbm>> -> memref<16384xi32, #tpu.memory_space<hbm>>
    %dma_start3A_181 = arith.constant 0 : i32
    %dma_start3A_182 = tpu.memref_slice %arg9[%dma_start3A_181] : memref<16384xi32, #tpu.memory_space<vmem>> -> memref<16384xi32, #tpu.memory_space<vmem>>
    %dma_start3A_183 = tpu.memref_slice %arg2[%multiple_of3A_177] : memref<3276800xi32, #tpu.memory_space<hbm>> -> memref<16384xi32, #tpu.memory_space<hbm>>
    tpu.enqueue_dma source(%dma_start3A_183 : memref<16384xi32, #tpu.memory_space<hbm>>) target(%dma_start3A_182 : memref<16384xi32, #tpu.memory_space<vmem>>) target_semaphore(%arg15 : memref<!tpu.dma_semaphore, #tpu.memory_space<semaphore_mem>>)
    %dma_wait3A_184 = arith.constant 0 : i32
    %dma_wait3A_185 = tpu.memref_slice %arg10[%dma_wait3A_184] : memref<16384xi32, #tpu.memory_space<vmem>> -> memref<16384xi32, #tpu.memory_space<vmem>>
    %dma_wait3A_186 = tpu.memref_slice %arg2[%multiple_of3A_37] : memref<3276800xi32, #tpu.memory_space<hbm>> -> memref<16384xi32, #tpu.memory_space<hbm>>
    %dma_wait3A_187 = arith.constant 0 : i32
    %dma_wait3A_188 = tpu.memref_slice %arg10[%dma_wait3A_187] : memref<16384xi32, #tpu.memory_space<vmem>> -> memref<16384xi32, #tpu.memory_space<vmem>>
    %dma_wait3A_189 = tpu.memref_slice %arg2[%multiple_of3A_37] : memref<3276800xi32, #tpu.memory_space<hbm>> -> memref<16384xi32, #tpu.memory_space<hbm>>
    tpu.wait_dma2 semaphore(%arg16 : memref<!tpu.dma_semaphore, #tpu.memory_space<semaphore_mem>>) src(%dma_wait3A_189 : memref<16384xi32, #tpu.memory_space<hbm>>) dst(%dma_wait3A_188 : memref<16384xi32, #tpu.memory_space<vmem>>)
    %parallel_loop3A_190 = arith.constant 0 : i32
    %parallel_loop3A_191 = arith.constant 128 : i32
    %parallel_loop3A_192 = arith.constant 1 : i32
    scf.for %parallel_loop3A_569 = %parallel_loop3A_190 to %parallel_loop3A_191 step %parallel_loop3A_192  : i32 {
      %parallel_loop3A_570 = arith.constant 3 : i32
      %parallel_loop3A_571 = arith.shrui %parallel_loop3A_569, %parallel_loop3A_570 : i32
      %parallel_loop3A_572 = arith.constant 7 : i32
      %parallel_loop3A_573 = arith.andi %parallel_loop3A_569, %parallel_loop3A_572 : i32
      %parallel_loop3A_574 = arith.constant 1024 : i32
      %parallel_loop3A_575 = arith.muli %parallel_loop3A_571, %parallel_loop3A_574 : i32
      %parallel_loop3A_576 = arith.constant 16 : i32
      %parallel_loop3A_577 = arith.muli %parallel_loop3A_573, %parallel_loop3A_576 : i32
      %parallel_loop3A_578 = arith.addi %parallel_loop3A_575, %parallel_loop3A_577 : i32
      %parallel_loop3A_579 = arith.constant 0 : i32
      %parallel_loop3A_580 = arith.addi %parallel_loop3A_578, %parallel_loop3A_579 : i32
      %parallel_loop3A_581 = arith.index_cast %parallel_loop3A_580 : i32 to index
      %parallel_loop3A_582 = tpu.vector_load %arg10[%parallel_loop3A_581] {strides = array<i32>} : memref<16384xi32, #tpu.memory_space<vmem>>, vector<16xi32>,
      %parallel_loop3A_583 = tpu.vector_load_idx %arg8[%parallel_loop3A_582] : memref<16xf32, #tpu.memory_space<vmem>>[vector<16xi32>], vector<16xf32>,
      %parallel_loop3A_584 = arith.constant 16 : i32
      %parallel_loop3A_585 = arith.muli %parallel_loop3A_573, %parallel_loop3A_584 : i32
      %parallel_loop3A_586 = arith.constant 0 : i32
      %parallel_loop3A_587 = arith.index_cast %parallel_loop3A_586 : i32 to index
      %parallel_loop3A_588 = arith.index_cast %parallel_loop3A_571 : i32 to index
      %parallel_loop3A_589 = arith.index_cast %parallel_loop3A_585 : i32 to index
      %parallel_loop3A_590 = tpu.vector_load %arg13[%parallel_loop3A_587, %parallel_loop3A_588, %parallel_loop3A_589] {strides = array<i32>} : memref<8x16x128xf32, #tpu.memory_space<vmem>>, vector<16xf32>,
      tpu.vector_store %arg13[%parallel_loop3A_587, %parallel_loop3A_588, %parallel_loop3A_589], %parallel_loop3A_583 {strides = array<i32>} : memref<8x16x128xf32, #tpu.memory_space<vmem>>, vector<16xf32>,
      %parallel_loop3A_591 = arith.constant 128 : i32
      %parallel_loop3A_592 = arith.addi %parallel_loop3A_578, %parallel_loop3A_591 : i32
      %parallel_loop3A_593 = arith.index_cast %parallel_loop3A_592 : i32 to index
      %parallel_loop3A_594 = tpu.vector_load %arg10[%parallel_loop3A_593] {strides = array<i32>} : memref<16384xi32, #tpu.memory_space<vmem>>, vector<16xi32>,
      %parallel_loop3A_595 = tpu.vector_load_idx %arg8[%parallel_loop3A_594] : memref<16xf32, #tpu.memory_space<vmem>>[vector<16xi32>], vector<16xf32>,
      %parallel_loop3A_596 = arith.constant 16 : i32
      %parallel_loop3A_597 = arith.muli %parallel_loop3A_573, %parallel_loop3A_596 : i32
      %parallel_loop3A_598 = arith.constant 1 : i32
      %parallel_loop3A_599 = arith.index_cast %parallel_loop3A_598 : i32 to index
      %parallel_loop3A_600 = arith.index_cast %parallel_loop3A_571 : i32 to index
      %parallel_loop3A_601 = arith.index_cast %parallel_loop3A_597 : i32 to index
      %parallel_loop3A_602 = tpu.vector_load %arg13[%parallel_loop3A_599, %parallel_loop3A_600, %parallel_loop3A_601] {strides = array<i32>} : memref<8x16x128xf32, #tpu.memory_space<vmem>>, vector<16xf32>,
      tpu.vector_store %arg13[%parallel_loop3A_599, %parallel_loop3A_600, %parallel_loop3A_601], %parallel_loop3A_595 {strides = array<i32>} : memref<8x16x128xf32, #tpu.memory_space<vmem>>, vector<16xf32>,
      %parallel_loop3A_603 = arith.constant 256 : i32
      %parallel_loop3A_604 = arith.addi %parallel_loop3A_578, %parallel_loop3A_603 : i32
      %parallel_loop3A_605 = arith.index_cast %parallel_loop3A_604 : i32 to index
      %parallel_loop3A_606 = tpu.vector_load %arg10[%parallel_loop3A_605] {strides = array<i32>} : memref<16384xi32, #tpu.memory_space<vmem>>, vector<16xi32>,
      %parallel_loop3A_607 = tpu.vector_load_idx %arg8[%parallel_loop3A_606] : memref<16xf32, #tpu.memory_space<vmem>>[vector<16xi32>], vector<16xf32>,
      %parallel_loop3A_608 = arith.constant 16 : i32
      %parallel_loop3A_609 = arith.muli %parallel_loop3A_573, %parallel_loop3A_608 : i32
      %parallel_loop3A_610 = arith.constant 2 : i32
      %parallel_loop3A_611 = arith.index_cast %parallel_loop3A_610 : i32 to index
      %parallel_loop3A_612 = arith.index_cast %parallel_loop3A_571 : i32 to index
      %parallel_loop3A_613 = arith.index_cast %parallel_loop3A_609 : i32 to index
      %parallel_loop3A_614 = tpu.vector_load %arg13[%parallel_loop3A_611, %parallel_loop3A_612, %parallel_loop3A_613] {strides = array<i32>} : memref<8x16x128xf32, #tpu.memory_space<vmem>>, vector<16xf32>,
      tpu.vector_store %arg13[%parallel_loop3A_611, %parallel_loop3A_612, %parallel_loop3A_613], %parallel_loop3A_607 {strides = array<i32>} : memref<8x16x128xf32, #tpu.memory_space<vmem>>, vector<16xf32>,
      %parallel_loop3A_615 = arith.constant 384 : i32
      %parallel_loop3A_616 = arith.addi %parallel_loop3A_578, %parallel_loop3A_615 : i32
      %parallel_loop3A_617 = arith.index_cast %parallel_loop3A_616 : i32 to index
      %parallel_loop3A_618 = tpu.vector_load %arg10[%parallel_loop3A_617] {strides = array<i32>} : memref<16384xi32, #tpu.memory_space<vmem>>, vector<16xi32>,
      %parallel_loop3A_619 = tpu.vector_load_idx %arg8[%parallel_loop3A_618] : memref<16xf32, #tpu.memory_space<vmem>>[vector<16xi32>], vector<16xf32>,
      %parallel_loop3A_620 = arith.constant 16 : i32
      %parallel_loop3A_621 = arith.muli %parallel_loop3A_573, %parallel_loop3A_620 : i32
      %parallel_loop3A_622 = arith.constant 3 : i32
      %parallel_loop3A_623 = arith.index_cast %parallel_loop3A_622 : i32 to index
      %parallel_loop3A_624 = arith.index_cast %parallel_loop3A_571 : i32 to index
      %parallel_loop3A_625 = arith.index_cast %parallel_loop3A_621 : i32 to index
      %parallel_loop3A_626 = tpu.vector_load %arg13[%parallel_loop3A_623, %parallel_loop3A_624, %parallel_loop3A_625] {strides = array<i32>} : memref<8x16x128xf32, #tpu.memory_space<vmem>>, vector<16xf32>,
      tpu.vector_store %arg13[%parallel_loop3A_623, %parallel_loop3A_624, %parallel_loop3A_625], %parallel_loop3A_619 {strides = array<i32>} : memref<8x16x128xf32, #tpu.memory_space<vmem>>, vector<16xf32>,
      %parallel_loop3A_627 = arith.constant 512 : i32
      %parallel_loop3A_628 = arith.addi %parallel_loop3A_578, %parallel_loop3A_627 : i32
      %parallel_loop3A_629 = arith.index_cast %parallel_loop3A_628 : i32 to index
      %parallel_loop3A_630 = tpu.vector_load %arg10[%parallel_loop3A_629] {strides = array<i32>} : memref<16384xi32, #tpu.memory_space<vmem>>, vector<16xi32>,
      %parallel_loop3A_631 = tpu.vector_load_idx %arg8[%parallel_loop3A_630] : memref<16xf32, #tpu.memory_space<vmem>>[vector<16xi32>], vector<16xf32>,
      %parallel_loop3A_632 = arith.constant 16 : i32
      %parallel_loop3A_633 = arith.muli %parallel_loop3A_573, %parallel_loop3A_632 : i32
      %parallel_loop3A_634 = arith.constant 4 : i32
      %parallel_loop3A_635 = arith.index_cast %parallel_loop3A_634 : i32 to index
      %parallel_loop3A_636 = arith.index_cast %parallel_loop3A_571 : i32 to index
      %parallel_loop3A_637 = arith.index_cast %parallel_loop3A_633 : i32 to index
      %parallel_loop3A_638 = tpu.vector_load %arg13[%parallel_loop3A_635, %parallel_loop3A_636, %parallel_loop3A_637] {strides = array<i32>} : memref<8x16x128xf32, #tpu.memory_space<vmem>>, vector<16xf32>,
      tpu.vector_store %arg13[%parallel_loop3A_635, %parallel_loop3A_636, %parallel_loop3A_637], %parallel_loop3A_631 {strides = array<i32>} : memref<8x16x128xf32, #tpu.memory_space<vmem>>, vector<16xf32>,
      %parallel_loop3A_639 = arith.constant 640 : i32
      %parallel_loop3A_640 = arith.addi %parallel_loop3A_578, %parallel_loop3A_639 : i32
      %parallel_loop3A_641 = arith.index_cast %parallel_loop3A_640 : i32 to index
      %parallel_loop3A_642 = tpu.vector_load %arg10[%parallel_loop3A_641] {strides = array<i32>} : memref<16384xi32, #tpu.memory_space<vmem>>, vector<16xi32>,
      %parallel_loop3A_643 = tpu.vector_load_idx %arg8[%parallel_loop3A_642] : memref<16xf32, #tpu.memory_space<vmem>>[vector<16xi32>], vector<16xf32>,
      %parallel_loop3A_644 = arith.constant 16 : i32
      %parallel_loop3A_645 = arith.muli %parallel_loop3A_573, %parallel_loop3A_644 : i32
      %parallel_loop3A_646 = arith.constant 5 : i32
      %parallel_loop3A_647 = arith.index_cast %parallel_loop3A_646 : i32 to index
      %parallel_loop3A_648 = arith.index_cast %parallel_loop3A_571 : i32 to index
      %parallel_loop3A_649 = arith.index_cast %parallel_loop3A_645 : i32 to index
      %parallel_loop3A_650 = tpu.vector_load %arg13[%parallel_loop3A_647, %parallel_loop3A_648, %parallel_loop3A_649] {strides = array<i32>} : memref<8x16x128xf32, #tpu.memory_space<vmem>>, vector<16xf32>,
      tpu.vector_store %arg13[%parallel_loop3A_647, %parallel_loop3A_648, %parallel_loop3A_649], %parallel_loop3A_643 {strides = array<i32>} : memref<8x16x128xf32, #tpu.memory_space<vmem>>, vector<16xf32>,
      %parallel_loop3A_651 = arith.constant 768 : i32
      %parallel_loop3A_652 = arith.addi %parallel_loop3A_578, %parallel_loop3A_651 : i32
      %parallel_loop3A_653 = arith.index_cast %parallel_loop3A_652 : i32 to index
      %parallel_loop3A_654 = tpu.vector_load %arg10[%parallel_loop3A_653] {strides = array<i32>} : memref<16384xi32, #tpu.memory_space<vmem>>, vector<16xi32>,
      %parallel_loop3A_655 = tpu.vector_load_idx %arg8[%parallel_loop3A_654] : memref<16xf32, #tpu.memory_space<vmem>>[vector<16xi32>], vector<16xf32>,
      %parallel_loop3A_656 = arith.constant 16 : i32
      %parallel_loop3A_657 = arith.muli %parallel_loop3A_573, %parallel_loop3A_656 : i32
      %parallel_loop3A_658 = arith.constant 6 : i32
      %parallel_loop3A_659 = arith.index_cast %parallel_loop3A_658 : i32 to index
      %parallel_loop3A_660 = arith.index_cast %parallel_loop3A_571 : i32 to index
      %parallel_loop3A_661 = arith.index_cast %parallel_loop3A_657 : i32 to index
      %parallel_loop3A_662 = tpu.vector_load %arg13[%parallel_loop3A_659, %parallel_loop3A_660, %parallel_loop3A_661] {strides = array<i32>} : memref<8x16x128xf32, #tpu.memory_space<vmem>>, vector<16xf32>,
      tpu.vector_store %arg13[%parallel_loop3A_659, %parallel_loop3A_660, %parallel_loop3A_661], %parallel_loop3A_655 {strides = array<i32>} : memref<8x16x128xf32, #tpu.memory_space<vmem>>, vector<16xf32>,
      %parallel_loop3A_663 = arith.constant 896 : i32
      %parallel_loop3A_664 = arith.addi %parallel_loop3A_578, %parallel_loop3A_663 : i32
      %parallel_loop3A_665 = arith.index_cast %parallel_loop3A_664 : i32 to index
      %parallel_loop3A_666 = tpu.vector_load %arg10[%parallel_loop3A_665] {strides = array<i32>} : memref<16384xi32, #tpu.memory_space<vmem>>, vector<16xi32>,
      %parallel_loop3A_667 = tpu.vector_load_idx %arg8[%parallel_loop3A_666] : memref<16xf32, #tpu.memory_space<vmem>>[vector<16xi32>], vector<16xf32>,
      %parallel_loop3A_668 = arith.constant 16 : i32
      %parallel_loop3A_669 = arith.muli %parallel_loop3A_573, %parallel_loop3A_668 : i32
      %parallel_loop3A_670 = arith.constant 7 : i32
      %parallel_loop3A_671 = arith.index_cast %parallel_loop3A_670 : i32 to index
      %parallel_loop3A_672 = arith.index_cast %parallel_loop3A_571 : i32 to index
      %parallel_loop3A_673 = arith.index_cast %parallel_loop3A_669 : i32 to index
      %parallel_loop3A_674 = tpu.vector_load %arg13[%parallel_loop3A_671, %parallel_loop3A_672, %parallel_loop3A_673] {strides = array<i32>} : memref<8x16x128xf32, #tpu.memory_space<vmem>>, vector<16xf32>,
      tpu.vector_store %arg13[%parallel_loop3A_671, %parallel_loop3A_672, %parallel_loop3A_673], %parallel_loop3A_667 {strides = array<i32>} : memref<8x16x128xf32, #tpu.memory_space<vmem>>, vector<16xf32>,
    } {sc.loop_unroll_factor = 1 : i64, sc.parallel_access}
    %add3A_193 = arith.constant 32 : i32
    %add3A_194 = arith.addi %add3A, %add3A_193 : i32
    %div3A_195 = arith.constant 8 : i32
    %div3A_196 = arith.divsi %add3A_194, %div3A_195 : i32
    %rem3A_197 = arith.constant 8 : i32
    %rem3A_198 = arith.remsi %add3A_194, %rem3A_197 : i32
    %mul3A_199 = arith.constant 128 : i32
    %mul3A_200 = arith.muli %div3A_196, %mul3A_199 : i32
    %mul3A_201 = arith.constant 16 : i32
    %mul3A_202 = arith.muli %rem3A_198, %mul3A_201 : i32
    %add3A_203 = arith.addi %mul3A_200, %mul3A_202 : i32
    %mul3A_204 = arith.constant 1024 : i32
    %mul3A_205 = arith.muli %add3A_203, %mul3A_204 : i32
    %mul3A_206 = arith.constant 16 : i32
    %mul3A_207 = arith.muli %rem3A_198, %mul3A_206 : i32
    %add3A_208 = arith.constant 0 : i32
    %add3A_209 = arith.addi %mul3A_207, %add3A_208 : i32
    %mul3A_210 = arith.constant 8 : i32
    %mul3A_211 = arith.muli %mul3A_210, %div3A_196 : i32
    %multiple_of3A_212 = tpu.assume_multiple %add3A_209, 4 : i32
    %dma_start3A_213 = arith.constant 0 : i32
    %dma_start3A_214 = arith.constant 0 : i32
    %dma_start3A_215 = arith.constant 0 : i32
    %dma_start3A_216 = tpu.memref_slice %arg13[%dma_start3A_213, %dma_start3A_214, %dma_start3A_215] : memref<8x16x128xf32, #tpu.memory_space<vmem>> -> memref<8x16x128xf32, #tpu.memory_space<vmem>>
    %dma_start3A_217 = arith.constant 0 : i32
    %dma_start3A_218 = tpu.memref_slice %arg5[%mul3A_211, %multiple_of3A_212, %dma_start3A_217] : memref<200x128x128xf32, #tpu.memory_space<hbm>> -> memref<8x16x128xf32, #tpu.memory_space<hbm>>
    %dma_start3A_219 = arith.constant 0 : i32
    %dma_start3A_220 = tpu.memref_slice %arg5[%mul3A_211, %multiple_of3A_212, %dma_start3A_219] : memref<200x128x128xf32, #tpu.memory_space<hbm>> -> memref<8x16x128xf32, #tpu.memory_space<hbm>>
    %dma_start3A_221 = arith.constant 0 : i32
    %dma_start3A_222 = arith.constant 0 : i32
    %dma_start3A_223 = arith.constant 0 : i32
    %dma_start3A_224 = tpu.memref_slice %arg13[%dma_start3A_221, %dma_start3A_222, %dma_start3A_223] : memref<8x16x128xf32, #tpu.memory_space<vmem>> -> memref<8x16x128xf32, #tpu.memory_space<vmem>>
    tpu.enqueue_dma source(%dma_start3A_224 : memref<8x16x128xf32, #tpu.memory_space<vmem>>) target(%dma_start3A_220 : memref<8x16x128xf32, #tpu.memory_space<hbm>>) target_semaphore(%arg19 : memref<!tpu.dma_semaphore, #tpu.memory_space<semaphore_mem>>)
    %add3A_225 = arith.constant 128 : i32
    %add3A_226 = arith.addi %add3A, %add3A_225 : i32
    %div3A_227 = arith.constant 8 : i32
    %div3A_228 = arith.divsi %add3A_226, %div3A_227 : i32
    %rem3A_229 = arith.constant 8 : i32
    %rem3A_230 = arith.remsi %add3A_226, %rem3A_229 : i32
    %mul3A_231 = arith.constant 128 : i32
    %mul3A_232 = arith.muli %div3A_228, %mul3A_231 : i32
    %mul3A_233 = arith.constant 16 : i32
    %mul3A_234 = arith.muli %rem3A_230, %mul3A_233 : i32
    %add3A_235 = arith.addi %mul3A_232, %mul3A_234 : i32
    %mul3A_236 = arith.constant 1024 : i32
    %mul3A_237 = arith.muli %add3A_235, %mul3A_236 : i32
    %multiple_of3A_238 = tpu.assume_multiple %mul3A_237, 8 : i32
    %dma_start3A_239 = arith.constant 0 : i32
    %dma_start3A_240 = tpu.memref_slice %arg10[%dma_start3A_239] : memref<16384xi32, #tpu.memory_space<vmem>> -> memref<16384xi32, #tpu.memory_space<vmem>>
    %dma_start3A_241 = tpu.memref_slice %arg2[%multiple_of3A_238] : memref<3276800xi32, #tpu.memory_space<hbm>> -> memref<16384xi32, #tpu.memory_space<hbm>>
    %dma_start3A_242 = arith.constant 0 : i32
    %dma_start3A_243 = tpu.memref_slice %arg10[%dma_start3A_242] : memref<16384xi32, #tpu.memory_space<vmem>> -> memref<16384xi32, #tpu.memory_space<vmem>>
    %dma_start3A_244 = tpu.memref_slice %arg2[%multiple_of3A_238] : memref<3276800xi32, #tpu.memory_space<hbm>> -> memref<16384xi32, #tpu.memory_space<hbm>>
    tpu.enqueue_dma source(%dma_start3A_244 : memref<16384xi32, #tpu.memory_space<hbm>>) target(%dma_start3A_243 : memref<16384xi32, #tpu.memory_space<vmem>>) target_semaphore(%arg16 : memref<!tpu.dma_semaphore, #tpu.memory_space<semaphore_mem>>)
    %dma_wait3A_245 = arith.constant 0 : i32
    %dma_wait3A_246 = tpu.memref_slice %arg11[%dma_wait3A_245] : memref<16384xi32, #tpu.memory_space<vmem>> -> memref<16384xi32, #tpu.memory_space<vmem>>
    %dma_wait3A_247 = tpu.memref_slice %arg2[%multiple_of3A_118] : memref<3276800xi32, #tpu.memory_space<hbm>> -> memref<16384xi32, #tpu.memory_space<hbm>>
    %dma_wait3A_248 = arith.constant 0 : i32
    %dma_wait3A_249 = tpu.memref_slice %arg11[%dma_wait3A_248] : memref<16384xi32, #tpu.memory_space<vmem>> -> memref<16384xi32, #tpu.memory_space<vmem>>
    %dma_wait3A_250 = tpu.memref_slice %arg2[%multiple_of3A_118] : memref<3276800xi32, #tpu.memory_space<hbm>> -> memref<16384xi32, #tpu.memory_space<hbm>>
    tpu.wait_dma2 semaphore(%arg17 : memref<!tpu.dma_semaphore, #tpu.memory_space<semaphore_mem>>) src(%dma_wait3A_250 : memref<16384xi32, #tpu.memory_space<hbm>>) dst(%dma_wait3A_249 : memref<16384xi32, #tpu.memory_space<vmem>>)
    %parallel_loop3A_251 = arith.constant 0 : i32
    %parallel_loop3A_252 = arith.constant 128 : i32
    %parallel_loop3A_253 = arith.constant 1 : i32
    scf.for %parallel_loop3A_569 = %parallel_loop3A_251 to %parallel_loop3A_252 step %parallel_loop3A_253  : i32 {
      %parallel_loop3A_570 = arith.constant 3 : i32
      %parallel_loop3A_571 = arith.shrui %parallel_loop3A_569, %parallel_loop3A_570 : i32
      %parallel_loop3A_572 = arith.constant 7 : i32
      %parallel_loop3A_573 = arith.andi %parallel_loop3A_569, %parallel_loop3A_572 : i32
      %parallel_loop3A_574 = arith.constant 1024 : i32
      %parallel_loop3A_575 = arith.muli %parallel_loop3A_571, %parallel_loop3A_574 : i32
      %parallel_loop3A_576 = arith.constant 16 : i32
      %parallel_loop3A_577 = arith.muli %parallel_loop3A_573, %parallel_loop3A_576 : i32
      %parallel_loop3A_578 = arith.addi %parallel_loop3A_575, %parallel_loop3A_577 : i32
      %parallel_loop3A_579 = arith.constant 0 : i32
      %parallel_loop3A_580 = arith.addi %parallel_loop3A_578, %parallel_loop3A_579 : i32
      %parallel_loop3A_581 = arith.index_cast %parallel_loop3A_580 : i32 to index
      %parallel_loop3A_582 = tpu.vector_load %arg11[%parallel_loop3A_581] {strides = array<i32>} : memref<16384xi32, #tpu.memory_space<vmem>>, vector<16xi32>,
      %parallel_loop3A_583 = tpu.vector_load_idx %arg8[%parallel_loop3A_582] : memref<16xf32, #tpu.memory_space<vmem>>[vector<16xi32>], vector<16xf32>,
      %parallel_loop3A_584 = arith.constant 16 : i32
      %parallel_loop3A_585 = arith.muli %parallel_loop3A_573, %parallel_loop3A_584 : i32
      %parallel_loop3A_586 = arith.constant 0 : i32
      %parallel_loop3A_587 = arith.index_cast %parallel_loop3A_586 : i32 to index
      %parallel_loop3A_588 = arith.index_cast %parallel_loop3A_571 : i32 to index
      %parallel_loop3A_589 = arith.index_cast %parallel_loop3A_585 : i32 to index
      %parallel_loop3A_590 = tpu.vector_load %arg14[%parallel_loop3A_587, %parallel_loop3A_588, %parallel_loop3A_589] {strides = array<i32>} : memref<8x16x128xf32, #tpu.memory_space<vmem>>, vector<16xf32>,
      tpu.vector_store %arg14[%parallel_loop3A_587, %parallel_loop3A_588, %parallel_loop3A_589], %parallel_loop3A_583 {strides = array<i32>} : memref<8x16x128xf32, #tpu.memory_space<vmem>>, vector<16xf32>,
      %parallel_loop3A_591 = arith.constant 128 : i32
      %parallel_loop3A_592 = arith.addi %parallel_loop3A_578, %parallel_loop3A_591 : i32
      %parallel_loop3A_593 = arith.index_cast %parallel_loop3A_592 : i32 to index
      %parallel_loop3A_594 = tpu.vector_load %arg11[%parallel_loop3A_593] {strides = array<i32>} : memref<16384xi32, #tpu.memory_space<vmem>>, vector<16xi32>,
      %parallel_loop3A_595 = tpu.vector_load_idx %arg8[%parallel_loop3A_594] : memref<16xf32, #tpu.memory_space<vmem>>[vector<16xi32>], vector<16xf32>,
      %parallel_loop3A_596 = arith.constant 16 : i32
      %parallel_loop3A_597 = arith.muli %parallel_loop3A_573, %parallel_loop3A_596 : i32
      %parallel_loop3A_598 = arith.constant 1 : i32
      %parallel_loop3A_599 = arith.index_cast %parallel_loop3A_598 : i32 to index
      %parallel_loop3A_600 = arith.index_cast %parallel_loop3A_571 : i32 to index
      %parallel_loop3A_601 = arith.index_cast %parallel_loop3A_597 : i32 to index
      %parallel_loop3A_602 = tpu.vector_load %arg14[%parallel_loop3A_599, %parallel_loop3A_600, %parallel_loop3A_601] {strides = array<i32>} : memref<8x16x128xf32, #tpu.memory_space<vmem>>, vector<16xf32>,
      tpu.vector_store %arg14[%parallel_loop3A_599, %parallel_loop3A_600, %parallel_loop3A_601], %parallel_loop3A_595 {strides = array<i32>} : memref<8x16x128xf32, #tpu.memory_space<vmem>>, vector<16xf32>,
      %parallel_loop3A_603 = arith.constant 256 : i32
      %parallel_loop3A_604 = arith.addi %parallel_loop3A_578, %parallel_loop3A_603 : i32
      %parallel_loop3A_605 = arith.index_cast %parallel_loop3A_604 : i32 to index
      %parallel_loop3A_606 = tpu.vector_load %arg11[%parallel_loop3A_605] {strides = array<i32>} : memref<16384xi32, #tpu.memory_space<vmem>>, vector<16xi32>,
      %parallel_loop3A_607 = tpu.vector_load_idx %arg8[%parallel_loop3A_606] : memref<16xf32, #tpu.memory_space<vmem>>[vector<16xi32>], vector<16xf32>,
      %parallel_loop3A_608 = arith.constant 16 : i32
      %parallel_loop3A_609 = arith.muli %parallel_loop3A_573, %parallel_loop3A_608 : i32
      %parallel_loop3A_610 = arith.constant 2 : i32
      %parallel_loop3A_611 = arith.index_cast %parallel_loop3A_610 : i32 to index
      %parallel_loop3A_612 = arith.index_cast %parallel_loop3A_571 : i32 to index
      %parallel_loop3A_613 = arith.index_cast %parallel_loop3A_609 : i32 to index
      %parallel_loop3A_614 = tpu.vector_load %arg14[%parallel_loop3A_611, %parallel_loop3A_612, %parallel_loop3A_613] {strides = array<i32>} : memref<8x16x128xf32, #tpu.memory_space<vmem>>, vector<16xf32>,
      tpu.vector_store %arg14[%parallel_loop3A_611, %parallel_loop3A_612, %parallel_loop3A_613], %parallel_loop3A_607 {strides = array<i32>} : memref<8x16x128xf32, #tpu.memory_space<vmem>>, vector<16xf32>,
      %parallel_loop3A_615 = arith.constant 384 : i32
      %parallel_loop3A_616 = arith.addi %parallel_loop3A_578, %parallel_loop3A_615 : i32
      %parallel_loop3A_617 = arith.index_cast %parallel_loop3A_616 : i32 to index
      %parallel_loop3A_618 = tpu.vector_load %arg11[%parallel_loop3A_617] {strides = array<i32>} : memref<16384xi32, #tpu.memory_space<vmem>>, vector<16xi32>,
      %parallel_loop3A_619 = tpu.vector_load_idx %arg8[%parallel_loop3A_618] : memref<16xf32, #tpu.memory_space<vmem>>[vector<16xi32>], vector<16xf32>,
      %parallel_loop3A_620 = arith.constant 16 : i32
      %parallel_loop3A_621 = arith.muli %parallel_loop3A_573, %parallel_loop3A_620 : i32
      %parallel_loop3A_622 = arith.constant 3 : i32
      %parallel_loop3A_623 = arith.index_cast %parallel_loop3A_622 : i32 to index
      %parallel_loop3A_624 = arith.index_cast %parallel_loop3A_571 : i32 to index
      %parallel_loop3A_625 = arith.index_cast %parallel_loop3A_621 : i32 to index
      %parallel_loop3A_626 = tpu.vector_load %arg14[%parallel_loop3A_623, %parallel_loop3A_624, %parallel_loop3A_625] {strides = array<i32>} : memref<8x16x128xf32, #tpu.memory_space<vmem>>, vector<16xf32>,
      tpu.vector_store %arg14[%parallel_loop3A_623, %parallel_loop3A_624, %parallel_loop3A_625], %parallel_loop3A_619 {strides = array<i32>} : memref<8x16x128xf32, #tpu.memory_space<vmem>>, vector<16xf32>,
      %parallel_loop3A_627 = arith.constant 512 : i32
      %parallel_loop3A_628 = arith.addi %parallel_loop3A_578, %parallel_loop3A_627 : i32
      %parallel_loop3A_629 = arith.index_cast %parallel_loop3A_628 : i32 to index
      %parallel_loop3A_630 = tpu.vector_load %arg11[%parallel_loop3A_629] {strides = array<i32>} : memref<16384xi32, #tpu.memory_space<vmem>>, vector<16xi32>,
      %parallel_loop3A_631 = tpu.vector_load_idx %arg8[%parallel_loop3A_630] : memref<16xf32, #tpu.memory_space<vmem>>[vector<16xi32>], vector<16xf32>,
      %parallel_loop3A_632 = arith.constant 16 : i32
      %parallel_loop3A_633 = arith.muli %parallel_loop3A_573, %parallel_loop3A_632 : i32
      %parallel_loop3A_634 = arith.constant 4 : i32
      %parallel_loop3A_635 = arith.index_cast %parallel_loop3A_634 : i32 to index
      %parallel_loop3A_636 = arith.index_cast %parallel_loop3A_571 : i32 to index
      %parallel_loop3A_637 = arith.index_cast %parallel_loop3A_633 : i32 to index
      %parallel_loop3A_638 = tpu.vector_load %arg14[%parallel_loop3A_635, %parallel_loop3A_636, %parallel_loop3A_637] {strides = array<i32>} : memref<8x16x128xf32, #tpu.memory_space<vmem>>, vector<16xf32>,
      tpu.vector_store %arg14[%parallel_loop3A_635, %parallel_loop3A_636, %parallel_loop3A_637], %parallel_loop3A_631 {strides = array<i32>} : memref<8x16x128xf32, #tpu.memory_space<vmem>>, vector<16xf32>,
      %parallel_loop3A_639 = arith.constant 640 : i32
      %parallel_loop3A_640 = arith.addi %parallel_loop3A_578, %parallel_loop3A_639 : i32
      %parallel_loop3A_641 = arith.index_cast %parallel_loop3A_640 : i32 to index
      %parallel_loop3A_642 = tpu.vector_load %arg11[%parallel_loop3A_641] {strides = array<i32>} : memref<16384xi32, #tpu.memory_space<vmem>>, vector<16xi32>,
      %parallel_loop3A_643 = tpu.vector_load_idx %arg8[%parallel_loop3A_642] : memref<16xf32, #tpu.memory_space<vmem>>[vector<16xi32>], vector<16xf32>,
      %parallel_loop3A_644 = arith.constant 16 : i32
      %parallel_loop3A_645 = arith.muli %parallel_loop3A_573, %parallel_loop3A_644 : i32
      %parallel_loop3A_646 = arith.constant 5 : i32
      %parallel_loop3A_647 = arith.index_cast %parallel_loop3A_646 : i32 to index
      %parallel_loop3A_648 = arith.index_cast %parallel_loop3A_571 : i32 to index
      %parallel_loop3A_649 = arith.index_cast %parallel_loop3A_645 : i32 to index
      %parallel_loop3A_650 = tpu.vector_load %arg14[%parallel_loop3A_647, %parallel_loop3A_648, %parallel_loop3A_649] {strides = array<i32>} : memref<8x16x128xf32, #tpu.memory_space<vmem>>, vector<16xf32>,
      tpu.vector_store %arg14[%parallel_loop3A_647, %parallel_loop3A_648, %parallel_loop3A_649], %parallel_loop3A_643 {strides = array<i32>} : memref<8x16x128xf32, #tpu.memory_space<vmem>>, vector<16xf32>,
      %parallel_loop3A_651 = arith.constant 768 : i32
      %parallel_loop3A_652 = arith.addi %parallel_loop3A_578, %parallel_loop3A_651 : i32
      %parallel_loop3A_653 = arith.index_cast %parallel_loop3A_652 : i32 to index
      %parallel_loop3A_654 = tpu.vector_load %arg11[%parallel_loop3A_653] {strides = array<i32>} : memref<16384xi32, #tpu.memory_space<vmem>>, vector<16xi32>,
      %parallel_loop3A_655 = tpu.vector_load_idx %arg8[%parallel_loop3A_654] : memref<16xf32, #tpu.memory_space<vmem>>[vector<16xi32>], vector<16xf32>,
      %parallel_loop3A_656 = arith.constant 16 : i32
      %parallel_loop3A_657 = arith.muli %parallel_loop3A_573, %parallel_loop3A_656 : i32
      %parallel_loop3A_658 = arith.constant 6 : i32
      %parallel_loop3A_659 = arith.index_cast %parallel_loop3A_658 : i32 to index
      %parallel_loop3A_660 = arith.index_cast %parallel_loop3A_571 : i32 to index
      %parallel_loop3A_661 = arith.index_cast %parallel_loop3A_657 : i32 to index
      %parallel_loop3A_662 = tpu.vector_load %arg14[%parallel_loop3A_659, %parallel_loop3A_660, %parallel_loop3A_661] {strides = array<i32>} : memref<8x16x128xf32, #tpu.memory_space<vmem>>, vector<16xf32>,
      tpu.vector_store %arg14[%parallel_loop3A_659, %parallel_loop3A_660, %parallel_loop3A_661], %parallel_loop3A_655 {strides = array<i32>} : memref<8x16x128xf32, #tpu.memory_space<vmem>>, vector<16xf32>,
      %parallel_loop3A_663 = arith.constant 896 : i32
      %parallel_loop3A_664 = arith.addi %parallel_loop3A_578, %parallel_loop3A_663 : i32
      %parallel_loop3A_665 = arith.index_cast %parallel_loop3A_664 : i32 to index
      %parallel_loop3A_666 = tpu.vector_load %arg11[%parallel_loop3A_665] {strides = array<i32>} : memref<16384xi32, #tpu.memory_space<vmem>>, vector<16xi32>,
      %parallel_loop3A_667 = tpu.vector_load_idx %arg8[%parallel_loop3A_666] : memref<16xf32, #tpu.memory_space<vmem>>[vector<16xi32>], vector<16xf32>,
      %parallel_loop3A_668 = arith.constant 16 : i32
      %parallel_loop3A_669 = arith.muli %parallel_loop3A_573, %parallel_loop3A_668 : i32
      %parallel_loop3A_670 = arith.constant 7 : i32
      %parallel_loop3A_671 = arith.index_cast %parallel_loop3A_670 : i32 to index
      %parallel_loop3A_672 = arith.index_cast %parallel_loop3A_571 : i32 to index
      %parallel_loop3A_673 = arith.index_cast %parallel_loop3A_669 : i32 to index
      %parallel_loop3A_674 = tpu.vector_load %arg14[%parallel_loop3A_671, %parallel_loop3A_672, %parallel_loop3A_673] {strides = array<i32>} : memref<8x16x128xf32, #tpu.memory_space<vmem>>, vector<16xf32>,
      tpu.vector_store %arg14[%parallel_loop3A_671, %parallel_loop3A_672, %parallel_loop3A_673], %parallel_loop3A_667 {strides = array<i32>} : memref<8x16x128xf32, #tpu.memory_space<vmem>>, vector<16xf32>,
    } {sc.loop_unroll_factor = 1 : i64, sc.parallel_access}
    %add3A_254 = arith.constant 64 : i32
    %add3A_255 = arith.addi %add3A, %add3A_254 : i32
    %div3A_256 = arith.constant 8 : i32
    %div3A_257 = arith.divsi %add3A_255, %div3A_256 : i32
    %rem3A_258 = arith.constant 8 : i32
    %rem3A_259 = arith.remsi %add3A_255, %rem3A_258 : i32
    %mul3A_260 = arith.constant 128 : i32
    %mul3A_261 = arith.muli %div3A_257, %mul3A_260 : i32
    %mul3A_262 = arith.constant 16 : i32
    %mul3A_263 = arith.muli %rem3A_259, %mul3A_262 : i32
    %add3A_264 = arith.addi %mul3A_261, %mul3A_263 : i32
    %mul3A_265 = arith.constant 1024 : i32
    %mul3A_266 = arith.muli %add3A_264, %mul3A_265 : i32
    %mul3A_267 = arith.constant 16 : i32
    %mul3A_268 = arith.muli %rem3A_259, %mul3A_267 : i32
    %add3A_269 = arith.constant 0 : i32
    %add3A_270 = arith.addi %mul3A_268, %add3A_269 : i32
    %mul3A_271 = arith.constant 8 : i32
    %mul3A_272 = arith.muli %mul3A_271, %div3A_257 : i32
    %multiple_of3A_273 = tpu.assume_multiple %add3A_270, 4 : i32
    %dma_start3A_274 = arith.constant 0 : i32
    %dma_start3A_275 = arith.constant 0 : i32
    %dma_start3A_276 = arith.constant 0 : i32
    %dma_start3A_277 = tpu.memref_slice %arg14[%dma_start3A_274, %dma_start3A_275, %dma_start3A_276] : memref<8x16x128xf32, #tpu.memory_space<vmem>> -> memref<8x16x128xf32, #tpu.memory_space<vmem>>
    %dma_start3A_278 = arith.constant 0 : i32
    %dma_start3A_279 = tpu.memref_slice %arg5[%mul3A_272, %multiple_of3A_273, %dma_start3A_278] : memref<200x128x128xf32, #tpu.memory_space<hbm>> -> memref<8x16x128xf32, #tpu.memory_space<hbm>>
    %dma_start3A_280 = arith.constant 0 : i32
    %dma_start3A_281 = tpu.memref_slice %arg5[%mul3A_272, %multiple_of3A_273, %dma_start3A_280] : memref<200x128x128xf32, #tpu.memory_space<hbm>> -> memref<8x16x128xf32, #tpu.memory_space<hbm>>
    %dma_start3A_282 = arith.constant 0 : i32
    %dma_start3A_283 = arith.constant 0 : i32
    %dma_start3A_284 = arith.constant 0 : i32
    %dma_start3A_285 = tpu.memref_slice %arg14[%dma_start3A_282, %dma_start3A_283, %dma_start3A_284] : memref<8x16x128xf32, #tpu.memory_space<vmem>> -> memref<8x16x128xf32, #tpu.memory_space<vmem>>
    tpu.enqueue_dma source(%dma_start3A_285 : memref<8x16x128xf32, #tpu.memory_space<vmem>>) target(%dma_start3A_281 : memref<8x16x128xf32, #tpu.memory_space<hbm>>) target_semaphore(%arg20 : memref<!tpu.dma_semaphore, #tpu.memory_space<semaphore_mem>>)
    %add3A_286 = arith.constant 160 : i32
    %add3A_287 = arith.addi %add3A, %add3A_286 : i32
    %div3A_288 = arith.constant 8 : i32
    %div3A_289 = arith.divsi %add3A_287, %div3A_288 : i32
    %rem3A_290 = arith.constant 8 : i32
    %rem3A_291 = arith.remsi %add3A_287, %rem3A_290 : i32
    %mul3A_292 = arith.constant 128 : i32
    %mul3A_293 = arith.muli %div3A_289, %mul3A_292 : i32
    %mul3A_294 = arith.constant 16 : i32
    %mul3A_295 = arith.muli %rem3A_291, %mul3A_294 : i32
    %add3A_296 = arith.addi %mul3A_293, %mul3A_295 : i32
    %mul3A_297 = arith.constant 1024 : i32
    %mul3A_298 = arith.muli %add3A_296, %mul3A_297 : i32
    %multiple_of3A_299 = tpu.assume_multiple %mul3A_298, 8 : i32
    %dma_start3A_300 = arith.constant 0 : i32
    %dma_start3A_301 = tpu.memref_slice %arg11[%dma_start3A_300] : memref<16384xi32, #tpu.memory_space<vmem>> -> memref<16384xi32, #tpu.memory_space<vmem>>
    %dma_start3A_302 = tpu.memref_slice %arg2[%multiple_of3A_299] : memref<3276800xi32, #tpu.memory_space<hbm>> -> memref<16384xi32, #tpu.memory_space<hbm>>
    %dma_start3A_303 = arith.constant 0 : i32
    %dma_start3A_304 = tpu.memref_slice %arg11[%dma_start3A_303] : memref<16384xi32, #tpu.memory_space<vmem>> -> memref<16384xi32, #tpu.memory_space<vmem>>
    %dma_start3A_305 = tpu.memref_slice %arg2[%multiple_of3A_299] : memref<3276800xi32, #tpu.memory_space<hbm>> -> memref<16384xi32, #tpu.memory_space<hbm>>
    tpu.enqueue_dma source(%dma_start3A_305 : memref<16384xi32, #tpu.memory_space<hbm>>) target(%dma_start3A_304 : memref<16384xi32, #tpu.memory_space<vmem>>) target_semaphore(%arg17 : memref<!tpu.dma_semaphore, #tpu.memory_space<semaphore_mem>>)
    %dma_wait3A_306 = arith.constant 0 : i32
    %dma_wait3A_307 = tpu.memref_slice %arg9[%dma_wait3A_306] : memref<16384xi32, #tpu.memory_space<vmem>> -> memref<16384xi32, #tpu.memory_space<vmem>>
    %dma_wait3A_308 = tpu.memref_slice %arg2[%multiple_of3A_177] : memref<3276800xi32, #tpu.memory_space<hbm>> -> memref<16384xi32, #tpu.memory_space<hbm>>
    %dma_wait3A_309 = arith.constant 0 : i32
    %dma_wait3A_310 = tpu.memref_slice %arg9[%dma_wait3A_309] : memref<16384xi32, #tpu.memory_space<vmem>> -> memref<16384xi32, #tpu.memory_space<vmem>>
    %dma_wait3A_311 = tpu.memref_slice %arg2[%multiple_of3A_177] : memref<3276800xi32, #tpu.memory_space<hbm>> -> memref<16384xi32, #tpu.memory_space<hbm>>
    tpu.wait_dma2 semaphore(%arg15 : memref<!tpu.dma_semaphore, #tpu.memory_space<semaphore_mem>>) src(%dma_wait3A_311 : memref<16384xi32, #tpu.memory_space<hbm>>) dst(%dma_wait3A_310 : memref<16384xi32, #tpu.memory_space<vmem>>)
    %dma_wait3A_312 = arith.constant 0 : i32
    %dma_wait3A_313 = arith.constant 0 : i32
    %dma_wait3A_314 = arith.constant 0 : i32
    %dma_wait3A_315 = tpu.memref_slice %arg12[%dma_wait3A_312, %dma_wait3A_313, %dma_wait3A_314] : memref<8x16x128xf32, #tpu.memory_space<vmem>> -> memref<8x16x128xf32, #tpu.memory_space<vmem>>
    %dma_wait3A_316 = arith.constant 0 : i32
    %dma_wait3A_317 = tpu.memref_slice %arg5[%mul3A_150, %multiple_of3A_151, %dma_wait3A_316] : memref<200x128x128xf32, #tpu.memory_space<hbm>> -> memref<8x16x128xf32, #tpu.memory_space<hbm>>
    %dma_wait3A_318 = arith.constant 0 : i32
    %dma_wait3A_319 = tpu.memref_slice %arg5[%mul3A_150, %multiple_of3A_151, %dma_wait3A_318] : memref<200x128x128xf32, #tpu.memory_space<hbm>> -> memref<8x16x128xf32, #tpu.memory_space<hbm>>
    %dma_wait3A_320 = arith.constant 0 : i32
    %dma_wait3A_321 = arith.constant 0 : i32
    %dma_wait3A_322 = arith.constant 0 : i32
    %dma_wait3A_323 = tpu.memref_slice %arg12[%dma_wait3A_320, %dma_wait3A_321, %dma_wait3A_322] : memref<8x16x128xf32, #tpu.memory_space<vmem>> -> memref<8x16x128xf32, #tpu.memory_space<vmem>>
    tpu.wait_dma2 semaphore(%arg18 : memref<!tpu.dma_semaphore, #tpu.memory_space<semaphore_mem>>) src(%dma_wait3A_323 : memref<8x16x128xf32, #tpu.memory_space<vmem>>) dst(%dma_wait3A_319 : memref<8x16x128xf32, #tpu.memory_space<hbm>>)
    %parallel_loop3A_324 = arith.constant 0 : i32
    %parallel_loop3A_325 = arith.constant 128 : i32
    %parallel_loop3A_326 = arith.constant 1 : i32
    scf.for %parallel_loop3A_569 = %parallel_loop3A_324 to %parallel_loop3A_325 step %parallel_loop3A_326  : i32 {
      %parallel_loop3A_570 = arith.constant 3 : i32
      %parallel_loop3A_571 = arith.shrui %parallel_loop3A_569, %parallel_loop3A_570 : i32
      %parallel_loop3A_572 = arith.constant 7 : i32
      %parallel_loop3A_573 = arith.andi %parallel_loop3A_569, %parallel_loop3A_572 : i32
      %parallel_loop3A_574 = arith.constant 1024 : i32
      %parallel_loop3A_575 = arith.muli %parallel_loop3A_571, %parallel_loop3A_574 : i32
      %parallel_loop3A_576 = arith.constant 16 : i32
      %parallel_loop3A_577 = arith.muli %parallel_loop3A_573, %parallel_loop3A_576 : i32
      %parallel_loop3A_578 = arith.addi %parallel_loop3A_575, %parallel_loop3A_577 : i32
      %parallel_loop3A_579 = arith.constant 0 : i32
      %parallel_loop3A_580 = arith.addi %parallel_loop3A_578, %parallel_loop3A_579 : i32
      %parallel_loop3A_581 = arith.index_cast %parallel_loop3A_580 : i32 to index
      %parallel_loop3A_582 = tpu.vector_load %arg9[%parallel_loop3A_581] {strides = array<i32>} : memref<16384xi32, #tpu.memory_space<vmem>>, vector<16xi32>,
      %parallel_loop3A_583 = tpu.vector_load_idx %arg8[%parallel_loop3A_582] : memref<16xf32, #tpu.memory_space<vmem>>[vector<16xi32>], vector<16xf32>,
      %parallel_loop3A_584 = arith.constant 16 : i32
      %parallel_loop3A_585 = arith.muli %parallel_loop3A_573, %parallel_loop3A_584 : i32
      %parallel_loop3A_586 = arith.constant 0 : i32
      %parallel_loop3A_587 = arith.index_cast %parallel_loop3A_586 : i32 to index
      %parallel_loop3A_588 = arith.index_cast %parallel_loop3A_571 : i32 to index
      %parallel_loop3A_589 = arith.index_cast %parallel_loop3A_585 : i32 to index
      %parallel_loop3A_590 = tpu.vector_load %arg12[%parallel_loop3A_587, %parallel_loop3A_588, %parallel_loop3A_589] {strides = array<i32>} : memref<8x16x128xf32, #tpu.memory_space<vmem>>, vector<16xf32>,
      tpu.vector_store %arg12[%parallel_loop3A_587, %parallel_loop3A_588, %parallel_loop3A_589], %parallel_loop3A_583 {strides = array<i32>} : memref<8x16x128xf32, #tpu.memory_space<vmem>>, vector<16xf32>,
      %parallel_loop3A_591 = arith.constant 128 : i32
      %parallel_loop3A_592 = arith.addi %parallel_loop3A_578, %parallel_loop3A_591 : i32
      %parallel_loop3A_593 = arith.index_cast %parallel_loop3A_592 : i32 to index
      %parallel_loop3A_594 = tpu.vector_load %arg9[%parallel_loop3A_593] {strides = array<i32>} : memref<16384xi32, #tpu.memory_space<vmem>>, vector<16xi32>,
      %parallel_loop3A_595 = tpu.vector_load_idx %arg8[%parallel_loop3A_594] : memref<16xf32, #tpu.memory_space<vmem>>[vector<16xi32>], vector<16xf32>,
      %parallel_loop3A_596 = arith.constant 16 : i32
      %parallel_loop3A_597 = arith.muli %parallel_loop3A_573, %parallel_loop3A_596 : i32
      %parallel_loop3A_598 = arith.constant 1 : i32
      %parallel_loop3A_599 = arith.index_cast %parallel_loop3A_598 : i32 to index
      %parallel_loop3A_600 = arith.index_cast %parallel_loop3A_571 : i32 to index
      %parallel_loop3A_601 = arith.index_cast %parallel_loop3A_597 : i32 to index
      %parallel_loop3A_602 = tpu.vector_load %arg12[%parallel_loop3A_599, %parallel_loop3A_600, %parallel_loop3A_601] {strides = array<i32>} : memref<8x16x128xf32, #tpu.memory_space<vmem>>, vector<16xf32>,
      tpu.vector_store %arg12[%parallel_loop3A_599, %parallel_loop3A_600, %parallel_loop3A_601], %parallel_loop3A_595 {strides = array<i32>} : memref<8x16x128xf32, #tpu.memory_space<vmem>>, vector<16xf32>,
      %parallel_loop3A_603 = arith.constant 256 : i32
      %parallel_loop3A_604 = arith.addi %parallel_loop3A_578, %parallel_loop3A_603 : i32
      %parallel_loop3A_605 = arith.index_cast %parallel_loop3A_604 : i32 to index
      %parallel_loop3A_606 = tpu.vector_load %arg9[%parallel_loop3A_605] {strides = array<i32>} : memref<16384xi32, #tpu.memory_space<vmem>>, vector<16xi32>,
      %parallel_loop3A_607 = tpu.vector_load_idx %arg8[%parallel_loop3A_606] : memref<16xf32, #tpu.memory_space<vmem>>[vector<16xi32>], vector<16xf32>,
      %parallel_loop3A_608 = arith.constant 16 : i32
      %parallel_loop3A_609 = arith.muli %parallel_loop3A_573, %parallel_loop3A_608 : i32
      %parallel_loop3A_610 = arith.constant 2 : i32
      %parallel_loop3A_611 = arith.index_cast %parallel_loop3A_610 : i32 to index
      %parallel_loop3A_612 = arith.index_cast %parallel_loop3A_571 : i32 to index
      %parallel_loop3A_613 = arith.index_cast %parallel_loop3A_609 : i32 to index
      %parallel_loop3A_614 = tpu.vector_load %arg12[%parallel_loop3A_611, %parallel_loop3A_612, %parallel_loop3A_613] {strides = array<i32>} : memref<8x16x128xf32, #tpu.memory_space<vmem>>, vector<16xf32>,
      tpu.vector_store %arg12[%parallel_loop3A_611, %parallel_loop3A_612, %parallel_loop3A_613], %parallel_loop3A_607 {strides = array<i32>} : memref<8x16x128xf32, #tpu.memory_space<vmem>>, vector<16xf32>,
      %parallel_loop3A_615 = arith.constant 384 : i32
      %parallel_loop3A_616 = arith.addi %parallel_loop3A_578, %parallel_loop3A_615 : i32
      %parallel_loop3A_617 = arith.index_cast %parallel_loop3A_616 : i32 to index
      %parallel_loop3A_618 = tpu.vector_load %arg9[%parallel_loop3A_617] {strides = array<i32>} : memref<16384xi32, #tpu.memory_space<vmem>>, vector<16xi32>,
      %parallel_loop3A_619 = tpu.vector_load_idx %arg8[%parallel_loop3A_618] : memref<16xf32, #tpu.memory_space<vmem>>[vector<16xi32>], vector<16xf32>,
      %parallel_loop3A_620 = arith.constant 16 : i32
      %parallel_loop3A_621 = arith.muli %parallel_loop3A_573, %parallel_loop3A_620 : i32
      %parallel_loop3A_622 = arith.constant 3 : i32
      %parallel_loop3A_623 = arith.index_cast %parallel_loop3A_622 : i32 to index
      %parallel_loop3A_624 = arith.index_cast %parallel_loop3A_571 : i32 to index
      %parallel_loop3A_625 = arith.index_cast %parallel_loop3A_621 : i32 to index
      %parallel_loop3A_626 = tpu.vector_load %arg12[%parallel_loop3A_623, %parallel_loop3A_624, %parallel_loop3A_625] {strides = array<i32>} : memref<8x16x128xf32, #tpu.memory_space<vmem>>, vector<16xf32>,
      tpu.vector_store %arg12[%parallel_loop3A_623, %parallel_loop3A_624, %parallel_loop3A_625], %parallel_loop3A_619 {strides = array<i32>} : memref<8x16x128xf32, #tpu.memory_space<vmem>>, vector<16xf32>,
      %parallel_loop3A_627 = arith.constant 512 : i32
      %parallel_loop3A_628 = arith.addi %parallel_loop3A_578, %parallel_loop3A_627 : i32
      %parallel_loop3A_629 = arith.index_cast %parallel_loop3A_628 : i32 to index
      %parallel_loop3A_630 = tpu.vector_load %arg9[%parallel_loop3A_629] {strides = array<i32>} : memref<16384xi32, #tpu.memory_space<vmem>>, vector<16xi32>,
      %parallel_loop3A_631 = tpu.vector_load_idx %arg8[%parallel_loop3A_630] : memref<16xf32, #tpu.memory_space<vmem>>[vector<16xi32>], vector<16xf32>,
      %parallel_loop3A_632 = arith.constant 16 : i32
      %parallel_loop3A_633 = arith.muli %parallel_loop3A_573, %parallel_loop3A_632 : i32
      %parallel_loop3A_634 = arith.constant 4 : i32
      %parallel_loop3A_635 = arith.index_cast %parallel_loop3A_634 : i32 to index
      %parallel_loop3A_636 = arith.index_cast %parallel_loop3A_571 : i32 to index
      %parallel_loop3A_637 = arith.index_cast %parallel_loop3A_633 : i32 to index
      %parallel_loop3A_638 = tpu.vector_load %arg12[%parallel_loop3A_635, %parallel_loop3A_636, %parallel_loop3A_637] {strides = array<i32>} : memref<8x16x128xf32, #tpu.memory_space<vmem>>, vector<16xf32>,
      tpu.vector_store %arg12[%parallel_loop3A_635, %parallel_loop3A_636, %parallel_loop3A_637], %parallel_loop3A_631 {strides = array<i32>} : memref<8x16x128xf32, #tpu.memory_space<vmem>>, vector<16xf32>,
      %parallel_loop3A_639 = arith.constant 640 : i32
      %parallel_loop3A_640 = arith.addi %parallel_loop3A_578, %parallel_loop3A_639 : i32
      %parallel_loop3A_641 = arith.index_cast %parallel_loop3A_640 : i32 to index
      %parallel_loop3A_642 = tpu.vector_load %arg9[%parallel_loop3A_641] {strides = array<i32>} : memref<16384xi32, #tpu.memory_space<vmem>>, vector<16xi32>,
      %parallel_loop3A_643 = tpu.vector_load_idx %arg8[%parallel_loop3A_642] : memref<16xf32, #tpu.memory_space<vmem>>[vector<16xi32>], vector<16xf32>,
      %parallel_loop3A_644 = arith.constant 16 : i32
      %parallel_loop3A_645 = arith.muli %parallel_loop3A_573, %parallel_loop3A_644 : i32
      %parallel_loop3A_646 = arith.constant 5 : i32
      %parallel_loop3A_647 = arith.index_cast %parallel_loop3A_646 : i32 to index
      %parallel_loop3A_648 = arith.index_cast %parallel_loop3A_571 : i32 to index
      %parallel_loop3A_649 = arith.index_cast %parallel_loop3A_645 : i32 to index
      %parallel_loop3A_650 = tpu.vector_load %arg12[%parallel_loop3A_647, %parallel_loop3A_648, %parallel_loop3A_649] {strides = array<i32>} : memref<8x16x128xf32, #tpu.memory_space<vmem>>, vector<16xf32>,
      tpu.vector_store %arg12[%parallel_loop3A_647, %parallel_loop3A_648, %parallel_loop3A_649], %parallel_loop3A_643 {strides = array<i32>} : memref<8x16x128xf32, #tpu.memory_space<vmem>>, vector<16xf32>,
      %parallel_loop3A_651 = arith.constant 768 : i32
      %parallel_loop3A_652 = arith.addi %parallel_loop3A_578, %parallel_loop3A_651 : i32
      %parallel_loop3A_653 = arith.index_cast %parallel_loop3A_652 : i32 to index
      %parallel_loop3A_654 = tpu.vector_load %arg9[%parallel_loop3A_653] {strides = array<i32>} : memref<16384xi32, #tpu.memory_space<vmem>>, vector<16xi32>,
      %parallel_loop3A_655 = tpu.vector_load_idx %arg8[%parallel_loop3A_654] : memref<16xf32, #tpu.memory_space<vmem>>[vector<16xi32>], vector<16xf32>,
      %parallel_loop3A_656 = arith.constant 16 : i32
      %parallel_loop3A_657 = arith.muli %parallel_loop3A_573, %parallel_loop3A_656 : i32
      %parallel_loop3A_658 = arith.constant 6 : i32
      %parallel_loop3A_659 = arith.index_cast %parallel_loop3A_658 : i32 to index
      %parallel_loop3A_660 = arith.index_cast %parallel_loop3A_571 : i32 to index
      %parallel_loop3A_661 = arith.index_cast %parallel_loop3A_657 : i32 to index
      %parallel_loop3A_662 = tpu.vector_load %arg12[%parallel_loop3A_659, %parallel_loop3A_660, %parallel_loop3A_661] {strides = array<i32>} : memref<8x16x128xf32, #tpu.memory_space<vmem>>, vector<16xf32>,
      tpu.vector_store %arg12[%parallel_loop3A_659, %parallel_loop3A_660, %parallel_loop3A_661], %parallel_loop3A_655 {strides = array<i32>} : memref<8x16x128xf32, #tpu.memory_space<vmem>>, vector<16xf32>,
      %parallel_loop3A_663 = arith.constant 896 : i32
      %parallel_loop3A_664 = arith.addi %parallel_loop3A_578, %parallel_loop3A_663 : i32
      %parallel_loop3A_665 = arith.index_cast %parallel_loop3A_664 : i32 to index
      %parallel_loop3A_666 = tpu.vector_load %arg9[%parallel_loop3A_665] {strides = array<i32>} : memref<16384xi32, #tpu.memory_space<vmem>>, vector<16xi32>,
      %parallel_loop3A_667 = tpu.vector_load_idx %arg8[%parallel_loop3A_666] : memref<16xf32, #tpu.memory_space<vmem>>[vector<16xi32>], vector<16xf32>,
      %parallel_loop3A_668 = arith.constant 16 : i32
      %parallel_loop3A_669 = arith.muli %parallel_loop3A_573, %parallel_loop3A_668 : i32
      %parallel_loop3A_670 = arith.constant 7 : i32
      %parallel_loop3A_671 = arith.index_cast %parallel_loop3A_670 : i32 to index
      %parallel_loop3A_672 = arith.index_cast %parallel_loop3A_571 : i32 to index
      %parallel_loop3A_673 = arith.index_cast %parallel_loop3A_669 : i32 to index
      %parallel_loop3A_674 = tpu.vector_load %arg12[%parallel_loop3A_671, %parallel_loop3A_672, %parallel_loop3A_673] {strides = array<i32>} : memref<8x16x128xf32, #tpu.memory_space<vmem>>, vector<16xf32>,
      tpu.vector_store %arg12[%parallel_loop3A_671, %parallel_loop3A_672, %parallel_loop3A_673], %parallel_loop3A_667 {strides = array<i32>} : memref<8x16x128xf32, #tpu.memory_space<vmem>>, vector<16xf32>,
    } {sc.loop_unroll_factor = 1 : i64, sc.parallel_access}
    %add3A_327 = arith.constant 96 : i32
    %add3A_328 = arith.addi %add3A, %add3A_327 : i32
    %div3A_329 = arith.constant 8 : i32
    %div3A_330 = arith.divsi %add3A_328, %div3A_329 : i32
    %rem3A_331 = arith.constant 8 : i32
    %rem3A_332 = arith.remsi %add3A_328, %rem3A_331 : i32
    %mul3A_333 = arith.constant 128 : i32
    %mul3A_334 = arith.muli %div3A_330, %mul3A_333 : i32
    %mul3A_335 = arith.constant 16 : i32
    %mul3A_336 = arith.muli %rem3A_332, %mul3A_335 : i32
    %add3A_337 = arith.addi %mul3A_334, %mul3A_336 : i32
    %mul3A_338 = arith.constant 1024 : i32
    %mul3A_339 = arith.muli %add3A_337, %mul3A_338 : i32
    %mul3A_340 = arith.constant 16 : i32
    %mul3A_341 = arith.muli %rem3A_332, %mul3A_340 : i32
    %add3A_342 = arith.constant 0 : i32
    %add3A_343 = arith.addi %mul3A_341, %add3A_342 : i32
    %mul3A_344 = arith.constant 8 : i32
    %mul3A_345 = arith.muli %mul3A_344, %div3A_330 : i32
    %multiple_of3A_346 = tpu.assume_multiple %add3A_343, 4 : i32
    %dma_start3A_347 = arith.constant 0 : i32
    %dma_start3A_348 = arith.constant 0 : i32
    %dma_start3A_349 = arith.constant 0 : i32
    %dma_start3A_350 = tpu.memref_slice %arg12[%dma_start3A_347, %dma_start3A_348, %dma_start3A_349] : memref<8x16x128xf32, #tpu.memory_space<vmem>> -> memref<8x16x128xf32, #tpu.memory_space<vmem>>
    %dma_start3A_351 = arith.constant 0 : i32
    %dma_start3A_352 = tpu.memref_slice %arg5[%mul3A_345, %multiple_of3A_346, %dma_start3A_351] : memref<200x128x128xf32, #tpu.memory_space<hbm>> -> memref<8x16x128xf32, #tpu.memory_space<hbm>>
    %dma_start3A_353 = arith.constant 0 : i32
    %dma_start3A_354 = tpu.memref_slice %arg5[%mul3A_345, %multiple_of3A_346, %dma_start3A_353] : memref<200x128x128xf32, #tpu.memory_space<hbm>> -> memref<8x16x128xf32, #tpu.memory_space<hbm>>
    %dma_start3A_355 = arith.constant 0 : i32
    %dma_start3A_356 = arith.constant 0 : i32
    %dma_start3A_357 = arith.constant 0 : i32
    %dma_start3A_358 = tpu.memref_slice %arg12[%dma_start3A_355, %dma_start3A_356, %dma_start3A_357] : memref<8x16x128xf32, #tpu.memory_space<vmem>> -> memref<8x16x128xf32, #tpu.memory_space<vmem>>
    tpu.enqueue_dma source(%dma_start3A_358 : memref<8x16x128xf32, #tpu.memory_space<vmem>>) target(%dma_start3A_354 : memref<8x16x128xf32, #tpu.memory_space<hbm>>) target_semaphore(%arg18 : memref<!tpu.dma_semaphore, #tpu.memory_space<semaphore_mem>>)
    %mul3A_359 = arith.constant 16 : i32
    %mul3A_360 = arith.muli %div3A_5, %mul3A_359 : i32
    %add3A_361 = arith.constant 3072 : i32
    %add3A_362 = arith.addi %add3A_361, %mul3A_360 : i32
    %mul3A_363 = arith.constant 1024 : i32
    %mul3A_364 = arith.muli %add3A_362, %mul3A_363 : i32
    %mul3A_365 = arith.constant 4096 : i32
    %mul3A_366 = arith.muli %rem3A_4, %mul3A_365 : i32
    %add3A_367 = arith.addi %mul3A_364, %mul3A_366 : i32
    %multiple_of3A_368 = tpu.assume_multiple %add3A_367, 8 : i32
    %dma_start3A_369 = arith.constant 0 : i32
    %dma_start3A_370 = tpu.memref_slice %arg9[%dma_start3A_369] : memref<16384xi32, #tpu.memory_space<vmem>> -> memref<4096xi32, #tpu.memory_space<vmem>>
    %dma_start3A_371 = tpu.memref_slice %arg2[%multiple_of3A_368] : memref<3276800xi32, #tpu.memory_space<hbm>> -> memref<4096xi32, #tpu.memory_space<hbm>>
    %dma_start3A_372 = arith.constant 0 : i32
    %dma_start3A_373 = tpu.memref_slice %arg9[%dma_start3A_372] : memref<16384xi32, #tpu.memory_space<vmem>> -> memref<4096xi32, #tpu.memory_space<vmem>>
    %dma_start3A_374 = tpu.memref_slice %arg2[%multiple_of3A_368] : memref<3276800xi32, #tpu.memory_space<hbm>> -> memref<4096xi32, #tpu.memory_space<hbm>>
    tpu.enqueue_dma source(%dma_start3A_374 : memref<4096xi32, #tpu.memory_space<hbm>>) target(%dma_start3A_373 : memref<4096xi32, #tpu.memory_space<vmem>>) target_semaphore(%arg15 : memref<!tpu.dma_semaphore, #tpu.memory_space<semaphore_mem>>)
    %dma_wait3A_375 = arith.constant 0 : i32
    %dma_wait3A_376 = tpu.memref_slice %arg10[%dma_wait3A_375] : memref<16384xi32, #tpu.memory_space<vmem>> -> memref<16384xi32, #tpu.memory_space<vmem>>
    %dma_wait3A_377 = tpu.memref_slice %arg2[%multiple_of3A_238] : memref<3276800xi32, #tpu.memory_space<hbm>> -> memref<16384xi32, #tpu.memory_space<hbm>>
    %dma_wait3A_378 = arith.constant 0 : i32
    %dma_wait3A_379 = tpu.memref_slice %arg10[%dma_wait3A_378] : memref<16384xi32, #tpu.memory_space<vmem>> -> memref<16384xi32, #tpu.memory_space<vmem>>
    %dma_wait3A_380 = tpu.memref_slice %arg2[%multiple_of3A_238] : memref<3276800xi32, #tpu.memory_space<hbm>> -> memref<16384xi32, #tpu.memory_space<hbm>>
    tpu.wait_dma2 semaphore(%arg16 : memref<!tpu.dma_semaphore, #tpu.memory_space<semaphore_mem>>) src(%dma_wait3A_380 : memref<16384xi32, #tpu.memory_space<hbm>>) dst(%dma_wait3A_379 : memref<16384xi32, #tpu.memory_space<vmem>>)
    %dma_wait3A_381 = arith.constant 0 : i32
    %dma_wait3A_382 = arith.constant 0 : i32
    %dma_wait3A_383 = arith.constant 0 : i32
    %dma_wait3A_384 = tpu.memref_slice %arg13[%dma_wait3A_381, %dma_wait3A_382, %dma_wait3A_383] : memref<8x16x128xf32, #tpu.memory_space<vmem>> -> memref<8x16x128xf32, #tpu.memory_space<vmem>>
    %dma_wait3A_385 = arith.constant 0 : i32
    %dma_wait3A_386 = tpu.memref_slice %arg5[%mul3A_211, %multiple_of3A_212, %dma_wait3A_385] : memref<200x128x128xf32, #tpu.memory_space<hbm>> -> memref<8x16x128xf32, #tpu.memory_space<hbm>>
    %dma_wait3A_387 = arith.constant 0 : i32
    %dma_wait3A_388 = tpu.memref_slice %arg5[%mul3A_211, %multiple_of3A_212, %dma_wait3A_387] : memref<200x128x128xf32, #tpu.memory_space<hbm>> -> memref<8x16x128xf32, #tpu.memory_space<hbm>>
    %dma_wait3A_389 = arith.constant 0 : i32
    %dma_wait3A_390 = arith.constant 0 : i32
    %dma_wait3A_391 = arith.constant 0 : i32
    %dma_wait3A_392 = tpu.memref_slice %arg13[%dma_wait3A_389, %dma_wait3A_390, %dma_wait3A_391] : memref<8x16x128xf32, #tpu.memory_space<vmem>> -> memref<8x16x128xf32, #tpu.memory_space<vmem>>
    tpu.wait_dma2 semaphore(%arg19 : memref<!tpu.dma_semaphore, #tpu.memory_space<semaphore_mem>>) src(%dma_wait3A_392 : memref<8x16x128xf32, #tpu.memory_space<vmem>>) dst(%dma_wait3A_388 : memref<8x16x128xf32, #tpu.memory_space<hbm>>)
    %parallel_loop3A_393 = arith.constant 0 : i32
    %parallel_loop3A_394 = arith.constant 128 : i32
    %parallel_loop3A_395 = arith.constant 1 : i32
    scf.for %parallel_loop3A_569 = %parallel_loop3A_393 to %parallel_loop3A_394 step %parallel_loop3A_395  : i32 {
      %parallel_loop3A_570 = arith.constant 3 : i32
      %parallel_loop3A_571 = arith.shrui %parallel_loop3A_569, %parallel_loop3A_570 : i32
      %parallel_loop3A_572 = arith.constant 7 : i32
      %parallel_loop3A_573 = arith.andi %parallel_loop3A_569, %parallel_loop3A_572 : i32
      %parallel_loop3A_574 = arith.constant 1024 : i32
      %parallel_loop3A_575 = arith.muli %parallel_loop3A_571, %parallel_loop3A_574 : i32
      %parallel_loop3A_576 = arith.constant 16 : i32
      %parallel_loop3A_577 = arith.muli %parallel_loop3A_573, %parallel_loop3A_576 : i32
      %parallel_loop3A_578 = arith.addi %parallel_loop3A_575, %parallel_loop3A_577 : i32
      %parallel_loop3A_579 = arith.constant 0 : i32
      %parallel_loop3A_580 = arith.addi %parallel_loop3A_578, %parallel_loop3A_579 : i32
      %parallel_loop3A_581 = arith.index_cast %parallel_loop3A_580 : i32 to index
      %parallel_loop3A_582 = tpu.vector_load %arg10[%parallel_loop3A_581] {strides = array<i32>} : memref<16384xi32, #tpu.memory_space<vmem>>, vector<16xi32>,
      %parallel_loop3A_583 = tpu.vector_load_idx %arg8[%parallel_loop3A_582] : memref<16xf32, #tpu.memory_space<vmem>>[vector<16xi32>], vector<16xf32>,
      %parallel_loop3A_584 = arith.constant 16 : i32
      %parallel_loop3A_585 = arith.muli %parallel_loop3A_573, %parallel_loop3A_584 : i32
      %parallel_loop3A_586 = arith.constant 0 : i32
      %parallel_loop3A_587 = arith.index_cast %parallel_loop3A_586 : i32 to index
      %parallel_loop3A_588 = arith.index_cast %parallel_loop3A_571 : i32 to index
      %parallel_loop3A_589 = arith.index_cast %parallel_loop3A_585 : i32 to index
      %parallel_loop3A_590 = tpu.vector_load %arg13[%parallel_loop3A_587, %parallel_loop3A_588, %parallel_loop3A_589] {strides = array<i32>} : memref<8x16x128xf32, #tpu.memory_space<vmem>>, vector<16xf32>,
      tpu.vector_store %arg13[%parallel_loop3A_587, %parallel_loop3A_588, %parallel_loop3A_589], %parallel_loop3A_583 {strides = array<i32>} : memref<8x16x128xf32, #tpu.memory_space<vmem>>, vector<16xf32>,
      %parallel_loop3A_591 = arith.constant 128 : i32
      %parallel_loop3A_592 = arith.addi %parallel_loop3A_578, %parallel_loop3A_591 : i32
      %parallel_loop3A_593 = arith.index_cast %parallel_loop3A_592 : i32 to index
      %parallel_loop3A_594 = tpu.vector_load %arg10[%parallel_loop3A_593] {strides = array<i32>} : memref<16384xi32, #tpu.memory_space<vmem>>, vector<16xi32>,
      %parallel_loop3A_595 = tpu.vector_load_idx %arg8[%parallel_loop3A_594] : memref<16xf32, #tpu.memory_space<vmem>>[vector<16xi32>], vector<16xf32>,
      %parallel_loop3A_596 = arith.constant 16 : i32
      %parallel_loop3A_597 = arith.muli %parallel_loop3A_573, %parallel_loop3A_596 : i32
      %parallel_loop3A_598 = arith.constant 1 : i32
      %parallel_loop3A_599 = arith.index_cast %parallel_loop3A_598 : i32 to index
      %parallel_loop3A_600 = arith.index_cast %parallel_loop3A_571 : i32 to index
      %parallel_loop3A_601 = arith.index_cast %parallel_loop3A_597 : i32 to index
      %parallel_loop3A_602 = tpu.vector_load %arg13[%parallel_loop3A_599, %parallel_loop3A_600, %parallel_loop3A_601] {strides = array<i32>} : memref<8x16x128xf32, #tpu.memory_space<vmem>>, vector<16xf32>,
      tpu.vector_store %arg13[%parallel_loop3A_599, %parallel_loop3A_600, %parallel_loop3A_601], %parallel_loop3A_595 {strides = array<i32>} : memref<8x16x128xf32, #tpu.memory_space<vmem>>, vector<16xf32>,
      %parallel_loop3A_603 = arith.constant 256 : i32
      %parallel_loop3A_604 = arith.addi %parallel_loop3A_578, %parallel_loop3A_603 : i32
      %parallel_loop3A_605 = arith.index_cast %parallel_loop3A_604 : i32 to index
      %parallel_loop3A_606 = tpu.vector_load %arg10[%parallel_loop3A_605] {strides = array<i32>} : memref<16384xi32, #tpu.memory_space<vmem>>, vector<16xi32>,
      %parallel_loop3A_607 = tpu.vector_load_idx %arg8[%parallel_loop3A_606] : memref<16xf32, #tpu.memory_space<vmem>>[vector<16xi32>], vector<16xf32>,
      %parallel_loop3A_608 = arith.constant 16 : i32
      %parallel_loop3A_609 = arith.muli %parallel_loop3A_573, %parallel_loop3A_608 : i32
      %parallel_loop3A_610 = arith.constant 2 : i32
      %parallel_loop3A_611 = arith.index_cast %parallel_loop3A_610 : i32 to index
      %parallel_loop3A_612 = arith.index_cast %parallel_loop3A_571 : i32 to index
      %parallel_loop3A_613 = arith.index_cast %parallel_loop3A_609 : i32 to index
      %parallel_loop3A_614 = tpu.vector_load %arg13[%parallel_loop3A_611, %parallel_loop3A_612, %parallel_loop3A_613] {strides = array<i32>} : memref<8x16x128xf32, #tpu.memory_space<vmem>>, vector<16xf32>,
      tpu.vector_store %arg13[%parallel_loop3A_611, %parallel_loop3A_612, %parallel_loop3A_613], %parallel_loop3A_607 {strides = array<i32>} : memref<8x16x128xf32, #tpu.memory_space<vmem>>, vector<16xf32>,
      %parallel_loop3A_615 = arith.constant 384 : i32
      %parallel_loop3A_616 = arith.addi %parallel_loop3A_578, %parallel_loop3A_615 : i32
      %parallel_loop3A_617 = arith.index_cast %parallel_loop3A_616 : i32 to index
      %parallel_loop3A_618 = tpu.vector_load %arg10[%parallel_loop3A_617] {strides = array<i32>} : memref<16384xi32, #tpu.memory_space<vmem>>, vector<16xi32>,
      %parallel_loop3A_619 = tpu.vector_load_idx %arg8[%parallel_loop3A_618] : memref<16xf32, #tpu.memory_space<vmem>>[vector<16xi32>], vector<16xf32>,
      %parallel_loop3A_620 = arith.constant 16 : i32
      %parallel_loop3A_621 = arith.muli %parallel_loop3A_573, %parallel_loop3A_620 : i32
      %parallel_loop3A_622 = arith.constant 3 : i32
      %parallel_loop3A_623 = arith.index_cast %parallel_loop3A_622 : i32 to index
      %parallel_loop3A_624 = arith.index_cast %parallel_loop3A_571 : i32 to index
      %parallel_loop3A_625 = arith.index_cast %parallel_loop3A_621 : i32 to index
      %parallel_loop3A_626 = tpu.vector_load %arg13[%parallel_loop3A_623, %parallel_loop3A_624, %parallel_loop3A_625] {strides = array<i32>} : memref<8x16x128xf32, #tpu.memory_space<vmem>>, vector<16xf32>,
      tpu.vector_store %arg13[%parallel_loop3A_623, %parallel_loop3A_624, %parallel_loop3A_625], %parallel_loop3A_619 {strides = array<i32>} : memref<8x16x128xf32, #tpu.memory_space<vmem>>, vector<16xf32>,
      %parallel_loop3A_627 = arith.constant 512 : i32
      %parallel_loop3A_628 = arith.addi %parallel_loop3A_578, %parallel_loop3A_627 : i32
      %parallel_loop3A_629 = arith.index_cast %parallel_loop3A_628 : i32 to index
      %parallel_loop3A_630 = tpu.vector_load %arg10[%parallel_loop3A_629] {strides = array<i32>} : memref<16384xi32, #tpu.memory_space<vmem>>, vector<16xi32>,
      %parallel_loop3A_631 = tpu.vector_load_idx %arg8[%parallel_loop3A_630] : memref<16xf32, #tpu.memory_space<vmem>>[vector<16xi32>], vector<16xf32>,
      %parallel_loop3A_632 = arith.constant 16 : i32
      %parallel_loop3A_633 = arith.muli %parallel_loop3A_573, %parallel_loop3A_632 : i32
      %parallel_loop3A_634 = arith.constant 4 : i32
      %parallel_loop3A_635 = arith.index_cast %parallel_loop3A_634 : i32 to index
      %parallel_loop3A_636 = arith.index_cast %parallel_loop3A_571 : i32 to index
      %parallel_loop3A_637 = arith.index_cast %parallel_loop3A_633 : i32 to index
      %parallel_loop3A_638 = tpu.vector_load %arg13[%parallel_loop3A_635, %parallel_loop3A_636, %parallel_loop3A_637] {strides = array<i32>} : memref<8x16x128xf32, #tpu.memory_space<vmem>>, vector<16xf32>,
      tpu.vector_store %arg13[%parallel_loop3A_635, %parallel_loop3A_636, %parallel_loop3A_637], %parallel_loop3A_631 {strides = array<i32>} : memref<8x16x128xf32, #tpu.memory_space<vmem>>, vector<16xf32>,
      %parallel_loop3A_639 = arith.constant 640 : i32
      %parallel_loop3A_640 = arith.addi %parallel_loop3A_578, %parallel_loop3A_639 : i32
      %parallel_loop3A_641 = arith.index_cast %parallel_loop3A_640 : i32 to index
      %parallel_loop3A_642 = tpu.vector_load %arg10[%parallel_loop3A_641] {strides = array<i32>} : memref<16384xi32, #tpu.memory_space<vmem>>, vector<16xi32>,
      %parallel_loop3A_643 = tpu.vector_load_idx %arg8[%parallel_loop3A_642] : memref<16xf32, #tpu.memory_space<vmem>>[vector<16xi32>], vector<16xf32>,
      %parallel_loop3A_644 = arith.constant 16 : i32
      %parallel_loop3A_645 = arith.muli %parallel_loop3A_573, %parallel_loop3A_644 : i32
      %parallel_loop3A_646 = arith.constant 5 : i32
      %parallel_loop3A_647 = arith.index_cast %parallel_loop3A_646 : i32 to index
      %parallel_loop3A_648 = arith.index_cast %parallel_loop3A_571 : i32 to index
      %parallel_loop3A_649 = arith.index_cast %parallel_loop3A_645 : i32 to index
      %parallel_loop3A_650 = tpu.vector_load %arg13[%parallel_loop3A_647, %parallel_loop3A_648, %parallel_loop3A_649] {strides = array<i32>} : memref<8x16x128xf32, #tpu.memory_space<vmem>>, vector<16xf32>,
      tpu.vector_store %arg13[%parallel_loop3A_647, %parallel_loop3A_648, %parallel_loop3A_649], %parallel_loop3A_643 {strides = array<i32>} : memref<8x16x128xf32, #tpu.memory_space<vmem>>, vector<16xf32>,
      %parallel_loop3A_651 = arith.constant 768 : i32
      %parallel_loop3A_652 = arith.addi %parallel_loop3A_578, %parallel_loop3A_651 : i32
      %parallel_loop3A_653 = arith.index_cast %parallel_loop3A_652 : i32 to index
      %parallel_loop3A_654 = tpu.vector_load %arg10[%parallel_loop3A_653] {strides = array<i32>} : memref<16384xi32, #tpu.memory_space<vmem>>, vector<16xi32>,
      %parallel_loop3A_655 = tpu.vector_load_idx %arg8[%parallel_loop3A_654] : memref<16xf32, #tpu.memory_space<vmem>>[vector<16xi32>], vector<16xf32>,
      %parallel_loop3A_656 = arith.constant 16 : i32
      %parallel_loop3A_657 = arith.muli %parallel_loop3A_573, %parallel_loop3A_656 : i32
      %parallel_loop3A_658 = arith.constant 6 : i32
      %parallel_loop3A_659 = arith.index_cast %parallel_loop3A_658 : i32 to index
      %parallel_loop3A_660 = arith.index_cast %parallel_loop3A_571 : i32 to index
      %parallel_loop3A_661 = arith.index_cast %parallel_loop3A_657 : i32 to index
      %parallel_loop3A_662 = tpu.vector_load %arg13[%parallel_loop3A_659, %parallel_loop3A_660, %parallel_loop3A_661] {strides = array<i32>} : memref<8x16x128xf32, #tpu.memory_space<vmem>>, vector<16xf32>,
      tpu.vector_store %arg13[%parallel_loop3A_659, %parallel_loop3A_660, %parallel_loop3A_661], %parallel_loop3A_655 {strides = array<i32>} : memref<8x16x128xf32, #tpu.memory_space<vmem>>, vector<16xf32>,
      %parallel_loop3A_663 = arith.constant 896 : i32
      %parallel_loop3A_664 = arith.addi %parallel_loop3A_578, %parallel_loop3A_663 : i32
      %parallel_loop3A_665 = arith.index_cast %parallel_loop3A_664 : i32 to index
      %parallel_loop3A_666 = tpu.vector_load %arg10[%parallel_loop3A_665] {strides = array<i32>} : memref<16384xi32, #tpu.memory_space<vmem>>, vector<16xi32>,
      %parallel_loop3A_667 = tpu.vector_load_idx %arg8[%parallel_loop3A_666] : memref<16xf32, #tpu.memory_space<vmem>>[vector<16xi32>], vector<16xf32>,
      %parallel_loop3A_668 = arith.constant 16 : i32
      %parallel_loop3A_669 = arith.muli %parallel_loop3A_573, %parallel_loop3A_668 : i32
      %parallel_loop3A_670 = arith.constant 7 : i32
      %parallel_loop3A_671 = arith.index_cast %parallel_loop3A_670 : i32 to index
      %parallel_loop3A_672 = arith.index_cast %parallel_loop3A_571 : i32 to index
      %parallel_loop3A_673 = arith.index_cast %parallel_loop3A_669 : i32 to index
      %parallel_loop3A_674 = tpu.vector_load %arg13[%parallel_loop3A_671, %parallel_loop3A_672, %parallel_loop3A_673] {strides = array<i32>} : memref<8x16x128xf32, #tpu.memory_space<vmem>>, vector<16xf32>,
      tpu.vector_store %arg13[%parallel_loop3A_671, %parallel_loop3A_672, %parallel_loop3A_673], %parallel_loop3A_667 {strides = array<i32>} : memref<8x16x128xf32, #tpu.memory_space<vmem>>, vector<16xf32>,
    } {sc.loop_unroll_factor = 1 : i64, sc.parallel_access}
    %add3A_396 = arith.constant 128 : i32
    %add3A_397 = arith.addi %add3A, %add3A_396 : i32
    %div3A_398 = arith.constant 8 : i32
    %div3A_399 = arith.divsi %add3A_397, %div3A_398 : i32
    %rem3A_400 = arith.constant 8 : i32
    %rem3A_401 = arith.remsi %add3A_397, %rem3A_400 : i32
    %mul3A_402 = arith.constant 128 : i32
    %mul3A_403 = arith.muli %div3A_399, %mul3A_402 : i32
    %mul3A_404 = arith.constant 16 : i32
    %mul3A_405 = arith.muli %rem3A_401, %mul3A_404 : i32
    %add3A_406 = arith.addi %mul3A_403, %mul3A_405 : i32
    %mul3A_407 = arith.constant 1024 : i32
    %mul3A_408 = arith.muli %add3A_406, %mul3A_407 : i32
    %mul3A_409 = arith.constant 16 : i32
    %mul3A_410 = arith.muli %rem3A_401, %mul3A_409 : i32
    %add3A_411 = arith.constant 0 : i32
    %add3A_412 = arith.addi %mul3A_410, %add3A_411 : i32
    %mul3A_413 = arith.constant 8 : i32
    %mul3A_414 = arith.muli %mul3A_413, %div3A_399 : i32
    %multiple_of3A_415 = tpu.assume_multiple %add3A_412, 4 : i32
    %dma_start3A_416 = arith.constant 0 : i32
    %dma_start3A_417 = arith.constant 0 : i32
    %dma_start3A_418 = arith.constant 0 : i32
    %dma_start3A_419 = tpu.memref_slice %arg13[%dma_start3A_416, %dma_start3A_417, %dma_start3A_418] : memref<8x16x128xf32, #tpu.memory_space<vmem>> -> memref<8x16x128xf32, #tpu.memory_space<vmem>>
    %dma_start3A_420 = arith.constant 0 : i32
    %dma_start3A_421 = tpu.memref_slice %arg5[%mul3A_414, %multiple_of3A_415, %dma_start3A_420] : memref<200x128x128xf32, #tpu.memory_space<hbm>> -> memref<8x16x128xf32, #tpu.memory_space<hbm>>
    %dma_start3A_422 = arith.constant 0 : i32
    %dma_start3A_423 = tpu.memref_slice %arg5[%mul3A_414, %multiple_of3A_415, %dma_start3A_422] : memref<200x128x128xf32, #tpu.memory_space<hbm>> -> memref<8x16x128xf32, #tpu.memory_space<hbm>>
    %dma_start3A_424 = arith.constant 0 : i32
    %dma_start3A_425 = arith.constant 0 : i32
    %dma_start3A_426 = arith.constant 0 : i32
    %dma_start3A_427 = tpu.memref_slice %arg13[%dma_start3A_424, %dma_start3A_425, %dma_start3A_426] : memref<8x16x128xf32, #tpu.memory_space<vmem>> -> memref<8x16x128xf32, #tpu.memory_space<vmem>>
    tpu.enqueue_dma source(%dma_start3A_427 : memref<8x16x128xf32, #tpu.memory_space<vmem>>) target(%dma_start3A_423 : memref<8x16x128xf32, #tpu.memory_space<hbm>>) target_semaphore(%arg19 : memref<!tpu.dma_semaphore, #tpu.memory_space<semaphore_mem>>)
    %dma_wait3A_428 = arith.constant 0 : i32
    %dma_wait3A_429 = tpu.memref_slice %arg11[%dma_wait3A_428] : memref<16384xi32, #tpu.memory_space<vmem>> -> memref<16384xi32, #tpu.memory_space<vmem>>
    %dma_wait3A_430 = tpu.memref_slice %arg2[%multiple_of3A_299] : memref<3276800xi32, #tpu.memory_space<hbm>> -> memref<16384xi32, #tpu.memory_space<hbm>>
    %dma_wait3A_431 = arith.constant 0 : i32
    %dma_wait3A_432 = tpu.memref_slice %arg11[%dma_wait3A_431] : memref<16384xi32, #tpu.memory_space<vmem>> -> memref<16384xi32, #tpu.memory_space<vmem>>
    %dma_wait3A_433 = tpu.memref_slice %arg2[%multiple_of3A_299] : memref<3276800xi32, #tpu.memory_space<hbm>> -> memref<16384xi32, #tpu.memory_space<hbm>>
    tpu.wait_dma2 semaphore(%arg17 : memref<!tpu.dma_semaphore, #tpu.memory_space<semaphore_mem>>) src(%dma_wait3A_433 : memref<16384xi32, #tpu.memory_space<hbm>>) dst(%dma_wait3A_432 : memref<16384xi32, #tpu.memory_space<vmem>>)
    %dma_wait3A_434 = arith.constant 0 : i32
    %dma_wait3A_435 = arith.constant 0 : i32
    %dma_wait3A_436 = arith.constant 0 : i32
    %dma_wait3A_437 = tpu.memref_slice %arg14[%dma_wait3A_434, %dma_wait3A_435, %dma_wait3A_436] : memref<8x16x128xf32, #tpu.memory_space<vmem>> -> memref<8x16x128xf32, #tpu.memory_space<vmem>>
    %dma_wait3A_438 = arith.constant 0 : i32
    %dma_wait3A_439 = tpu.memref_slice %arg5[%mul3A_272, %multiple_of3A_273, %dma_wait3A_438] : memref<200x128x128xf32, #tpu.memory_space<hbm>> -> memref<8x16x128xf32, #tpu.memory_space<hbm>>
    %dma_wait3A_440 = arith.constant 0 : i32
    %dma_wait3A_441 = tpu.memref_slice %arg5[%mul3A_272, %multiple_of3A_273, %dma_wait3A_440] : memref<200x128x128xf32, #tpu.memory_space<hbm>> -> memref<8x16x128xf32, #tpu.memory_space<hbm>>
    %dma_wait3A_442 = arith.constant 0 : i32
    %dma_wait3A_443 = arith.constant 0 : i32
    %dma_wait3A_444 = arith.constant 0 : i32
    %dma_wait3A_445 = tpu.memref_slice %arg14[%dma_wait3A_442, %dma_wait3A_443, %dma_wait3A_444] : memref<8x16x128xf32, #tpu.memory_space<vmem>> -> memref<8x16x128xf32, #tpu.memory_space<vmem>>
    tpu.wait_dma2 semaphore(%arg20 : memref<!tpu.dma_semaphore, #tpu.memory_space<semaphore_mem>>) src(%dma_wait3A_445 : memref<8x16x128xf32, #tpu.memory_space<vmem>>) dst(%dma_wait3A_441 : memref<8x16x128xf32, #tpu.memory_space<hbm>>)
    %parallel_loop3A_446 = arith.constant 0 : i32
    %parallel_loop3A_447 = arith.constant 128 : i32
    %parallel_loop3A_448 = arith.constant 1 : i32
    scf.for %parallel_loop3A_569 = %parallel_loop3A_446 to %parallel_loop3A_447 step %parallel_loop3A_448  : i32 {
      %parallel_loop3A_570 = arith.constant 3 : i32
      %parallel_loop3A_571 = arith.shrui %parallel_loop3A_569, %parallel_loop3A_570 : i32
      %parallel_loop3A_572 = arith.constant 7 : i32
      %parallel_loop3A_573 = arith.andi %parallel_loop3A_569, %parallel_loop3A_572 : i32
      %parallel_loop3A_574 = arith.constant 1024 : i32
      %parallel_loop3A_575 = arith.muli %parallel_loop3A_571, %parallel_loop3A_574 : i32
      %parallel_loop3A_576 = arith.constant 16 : i32
      %parallel_loop3A_577 = arith.muli %parallel_loop3A_573, %parallel_loop3A_576 : i32
      %parallel_loop3A_578 = arith.addi %parallel_loop3A_575, %parallel_loop3A_577 : i32
      %parallel_loop3A_579 = arith.constant 0 : i32
      %parallel_loop3A_580 = arith.addi %parallel_loop3A_578, %parallel_loop3A_579 : i32
      %parallel_loop3A_581 = arith.index_cast %parallel_loop3A_580 : i32 to index
      %parallel_loop3A_582 = tpu.vector_load %arg11[%parallel_loop3A_581] {strides = array<i32>} : memref<16384xi32, #tpu.memory_space<vmem>>, vector<16xi32>,
      %parallel_loop3A_583 = tpu.vector_load_idx %arg8[%parallel_loop3A_582] : memref<16xf32, #tpu.memory_space<vmem>>[vector<16xi32>], vector<16xf32>,
      %parallel_loop3A_584 = arith.constant 16 : i32
      %parallel_loop3A_585 = arith.muli %parallel_loop3A_573, %parallel_loop3A_584 : i32
      %parallel_loop3A_586 = arith.constant 0 : i32
      %parallel_loop3A_587 = arith.index_cast %parallel_loop3A_586 : i32 to index
      %parallel_loop3A_588 = arith.index_cast %parallel_loop3A_571 : i32 to index
      %parallel_loop3A_589 = arith.index_cast %parallel_loop3A_585 : i32 to index
      %parallel_loop3A_590 = tpu.vector_load %arg14[%parallel_loop3A_587, %parallel_loop3A_588, %parallel_loop3A_589] {strides = array<i32>} : memref<8x16x128xf32, #tpu.memory_space<vmem>>, vector<16xf32>,
      tpu.vector_store %arg14[%parallel_loop3A_587, %parallel_loop3A_588, %parallel_loop3A_589], %parallel_loop3A_583 {strides = array<i32>} : memref<8x16x128xf32, #tpu.memory_space<vmem>>, vector<16xf32>,
      %parallel_loop3A_591 = arith.constant 128 : i32
      %parallel_loop3A_592 = arith.addi %parallel_loop3A_578, %parallel_loop3A_591 : i32
      %parallel_loop3A_593 = arith.index_cast %parallel_loop3A_592 : i32 to index
      %parallel_loop3A_594 = tpu.vector_load %arg11[%parallel_loop3A_593] {strides = array<i32>} : memref<16384xi32, #tpu.memory_space<vmem>>, vector<16xi32>,
      %parallel_loop3A_595 = tpu.vector_load_idx %arg8[%parallel_loop3A_594] : memref<16xf32, #tpu.memory_space<vmem>>[vector<16xi32>], vector<16xf32>,
      %parallel_loop3A_596 = arith.constant 16 : i32
      %parallel_loop3A_597 = arith.muli %parallel_loop3A_573, %parallel_loop3A_596 : i32
      %parallel_loop3A_598 = arith.constant 1 : i32
      %parallel_loop3A_599 = arith.index_cast %parallel_loop3A_598 : i32 to index
      %parallel_loop3A_600 = arith.index_cast %parallel_loop3A_571 : i32 to index
      %parallel_loop3A_601 = arith.index_cast %parallel_loop3A_597 : i32 to index
      %parallel_loop3A_602 = tpu.vector_load %arg14[%parallel_loop3A_599, %parallel_loop3A_600, %parallel_loop3A_601] {strides = array<i32>} : memref<8x16x128xf32, #tpu.memory_space<vmem>>, vector<16xf32>,
      tpu.vector_store %arg14[%parallel_loop3A_599, %parallel_loop3A_600, %parallel_loop3A_601], %parallel_loop3A_595 {strides = array<i32>} : memref<8x16x128xf32, #tpu.memory_space<vmem>>, vector<16xf32>,
      %parallel_loop3A_603 = arith.constant 256 : i32
      %parallel_loop3A_604 = arith.addi %parallel_loop3A_578, %parallel_loop3A_603 : i32
      %parallel_loop3A_605 = arith.index_cast %parallel_loop3A_604 : i32 to index
      %parallel_loop3A_606 = tpu.vector_load %arg11[%parallel_loop3A_605] {strides = array<i32>} : memref<16384xi32, #tpu.memory_space<vmem>>, vector<16xi32>,
      %parallel_loop3A_607 = tpu.vector_load_idx %arg8[%parallel_loop3A_606] : memref<16xf32, #tpu.memory_space<vmem>>[vector<16xi32>], vector<16xf32>,
      %parallel_loop3A_608 = arith.constant 16 : i32
      %parallel_loop3A_609 = arith.muli %parallel_loop3A_573, %parallel_loop3A_608 : i32
      %parallel_loop3A_610 = arith.constant 2 : i32
      %parallel_loop3A_611 = arith.index_cast %parallel_loop3A_610 : i32 to index
      %parallel_loop3A_612 = arith.index_cast %parallel_loop3A_571 : i32 to index
      %parallel_loop3A_613 = arith.index_cast %parallel_loop3A_609 : i32 to index
      %parallel_loop3A_614 = tpu.vector_load %arg14[%parallel_loop3A_611, %parallel_loop3A_612, %parallel_loop3A_613] {strides = array<i32>} : memref<8x16x128xf32, #tpu.memory_space<vmem>>, vector<16xf32>,
      tpu.vector_store %arg14[%parallel_loop3A_611, %parallel_loop3A_612, %parallel_loop3A_613], %parallel_loop3A_607 {strides = array<i32>} : memref<8x16x128xf32, #tpu.memory_space<vmem>>, vector<16xf32>,
      %parallel_loop3A_615 = arith.constant 384 : i32
      %parallel_loop3A_616 = arith.addi %parallel_loop3A_578, %parallel_loop3A_615 : i32
      %parallel_loop3A_617 = arith.index_cast %parallel_loop3A_616 : i32 to index
      %parallel_loop3A_618 = tpu.vector_load %arg11[%parallel_loop3A_617] {strides = array<i32>} : memref<16384xi32, #tpu.memory_space<vmem>>, vector<16xi32>,
      %parallel_loop3A_619 = tpu.vector_load_idx %arg8[%parallel_loop3A_618] : memref<16xf32, #tpu.memory_space<vmem>>[vector<16xi32>], vector<16xf32>,
      %parallel_loop3A_620 = arith.constant 16 : i32
      %parallel_loop3A_621 = arith.muli %parallel_loop3A_573, %parallel_loop3A_620 : i32
      %parallel_loop3A_622 = arith.constant 3 : i32
      %parallel_loop3A_623 = arith.index_cast %parallel_loop3A_622 : i32 to index
      %parallel_loop3A_624 = arith.index_cast %parallel_loop3A_571 : i32 to index
      %parallel_loop3A_625 = arith.index_cast %parallel_loop3A_621 : i32 to index
      %parallel_loop3A_626 = tpu.vector_load %arg14[%parallel_loop3A_623, %parallel_loop3A_624, %parallel_loop3A_625] {strides = array<i32>} : memref<8x16x128xf32, #tpu.memory_space<vmem>>, vector<16xf32>,
      tpu.vector_store %arg14[%parallel_loop3A_623, %parallel_loop3A_624, %parallel_loop3A_625], %parallel_loop3A_619 {strides = array<i32>} : memref<8x16x128xf32, #tpu.memory_space<vmem>>, vector<16xf32>,
      %parallel_loop3A_627 = arith.constant 512 : i32
      %parallel_loop3A_628 = arith.addi %parallel_loop3A_578, %parallel_loop3A_627 : i32
      %parallel_loop3A_629 = arith.index_cast %parallel_loop3A_628 : i32 to index
      %parallel_loop3A_630 = tpu.vector_load %arg11[%parallel_loop3A_629] {strides = array<i32>} : memref<16384xi32, #tpu.memory_space<vmem>>, vector<16xi32>,
      %parallel_loop3A_631 = tpu.vector_load_idx %arg8[%parallel_loop3A_630] : memref<16xf32, #tpu.memory_space<vmem>>[vector<16xi32>], vector<16xf32>,
      %parallel_loop3A_632 = arith.constant 16 : i32
      %parallel_loop3A_633 = arith.muli %parallel_loop3A_573, %parallel_loop3A_632 : i32
      %parallel_loop3A_634 = arith.constant 4 : i32
      %parallel_loop3A_635 = arith.index_cast %parallel_loop3A_634 : i32 to index
      %parallel_loop3A_636 = arith.index_cast %parallel_loop3A_571 : i32 to index
      %parallel_loop3A_637 = arith.index_cast %parallel_loop3A_633 : i32 to index
      %parallel_loop3A_638 = tpu.vector_load %arg14[%parallel_loop3A_635, %parallel_loop3A_636, %parallel_loop3A_637] {strides = array<i32>} : memref<8x16x128xf32, #tpu.memory_space<vmem>>, vector<16xf32>,
      tpu.vector_store %arg14[%parallel_loop3A_635, %parallel_loop3A_636, %parallel_loop3A_637], %parallel_loop3A_631 {strides = array<i32>} : memref<8x16x128xf32, #tpu.memory_space<vmem>>, vector<16xf32>,
      %parallel_loop3A_639 = arith.constant 640 : i32
      %parallel_loop3A_640 = arith.addi %parallel_loop3A_578, %parallel_loop3A_639 : i32
      %parallel_loop3A_641 = arith.index_cast %parallel_loop3A_640 : i32 to index
      %parallel_loop3A_642 = tpu.vector_load %arg11[%parallel_loop3A_641] {strides = array<i32>} : memref<16384xi32, #tpu.memory_space<vmem>>, vector<16xi32>,
      %parallel_loop3A_643 = tpu.vector_load_idx %arg8[%parallel_loop3A_642] : memref<16xf32, #tpu.memory_space<vmem>>[vector<16xi32>], vector<16xf32>,
      %parallel_loop3A_644 = arith.constant 16 : i32
      %parallel_loop3A_645 = arith.muli %parallel_loop3A_573, %parallel_loop3A_644 : i32
      %parallel_loop3A_646 = arith.constant 5 : i32
      %parallel_loop3A_647 = arith.index_cast %parallel_loop3A_646 : i32 to index
      %parallel_loop3A_648 = arith.index_cast %parallel_loop3A_571 : i32 to index
      %parallel_loop3A_649 = arith.index_cast %parallel_loop3A_645 : i32 to index
      %parallel_loop3A_650 = tpu.vector_load %arg14[%parallel_loop3A_647, %parallel_loop3A_648, %parallel_loop3A_649] {strides = array<i32>} : memref<8x16x128xf32, #tpu.memory_space<vmem>>, vector<16xf32>,
      tpu.vector_store %arg14[%parallel_loop3A_647, %parallel_loop3A_648, %parallel_loop3A_649], %parallel_loop3A_643 {strides = array<i32>} : memref<8x16x128xf32, #tpu.memory_space<vmem>>, vector<16xf32>,
      %parallel_loop3A_651 = arith.constant 768 : i32
      %parallel_loop3A_652 = arith.addi %parallel_loop3A_578, %parallel_loop3A_651 : i32
      %parallel_loop3A_653 = arith.index_cast %parallel_loop3A_652 : i32 to index
      %parallel_loop3A_654 = tpu.vector_load %arg11[%parallel_loop3A_653] {strides = array<i32>} : memref<16384xi32, #tpu.memory_space<vmem>>, vector<16xi32>,
      %parallel_loop3A_655 = tpu.vector_load_idx %arg8[%parallel_loop3A_654] : memref<16xf32, #tpu.memory_space<vmem>>[vector<16xi32>], vector<16xf32>,
      %parallel_loop3A_656 = arith.constant 16 : i32
      %parallel_loop3A_657 = arith.muli %parallel_loop3A_573, %parallel_loop3A_656 : i32
      %parallel_loop3A_658 = arith.constant 6 : i32
      %parallel_loop3A_659 = arith.index_cast %parallel_loop3A_658 : i32 to index
      %parallel_loop3A_660 = arith.index_cast %parallel_loop3A_571 : i32 to index
      %parallel_loop3A_661 = arith.index_cast %parallel_loop3A_657 : i32 to index
      %parallel_loop3A_662 = tpu.vector_load %arg14[%parallel_loop3A_659, %parallel_loop3A_660, %parallel_loop3A_661] {strides = array<i32>} : memref<8x16x128xf32, #tpu.memory_space<vmem>>, vector<16xf32>,
      tpu.vector_store %arg14[%parallel_loop3A_659, %parallel_loop3A_660, %parallel_loop3A_661], %parallel_loop3A_655 {strides = array<i32>} : memref<8x16x128xf32, #tpu.memory_space<vmem>>, vector<16xf32>,
      %parallel_loop3A_663 = arith.constant 896 : i32
      %parallel_loop3A_664 = arith.addi %parallel_loop3A_578, %parallel_loop3A_663 : i32
      %parallel_loop3A_665 = arith.index_cast %parallel_loop3A_664 : i32 to index
      %parallel_loop3A_666 = tpu.vector_load %arg11[%parallel_loop3A_665] {strides = array<i32>} : memref<16384xi32, #tpu.memory_space<vmem>>, vector<16xi32>,
      %parallel_loop3A_667 = tpu.vector_load_idx %arg8[%parallel_loop3A_666] : memref<16xf32, #tpu.memory_space<vmem>>[vector<16xi32>], vector<16xf32>,
      %parallel_loop3A_668 = arith.constant 16 : i32
      %parallel_loop3A_669 = arith.muli %parallel_loop3A_573, %parallel_loop3A_668 : i32
      %parallel_loop3A_670 = arith.constant 7 : i32
      %parallel_loop3A_671 = arith.index_cast %parallel_loop3A_670 : i32 to index
      %parallel_loop3A_672 = arith.index_cast %parallel_loop3A_571 : i32 to index
      %parallel_loop3A_673 = arith.index_cast %parallel_loop3A_669 : i32 to index
      %parallel_loop3A_674 = tpu.vector_load %arg14[%parallel_loop3A_671, %parallel_loop3A_672, %parallel_loop3A_673] {strides = array<i32>} : memref<8x16x128xf32, #tpu.memory_space<vmem>>, vector<16xf32>,
      tpu.vector_store %arg14[%parallel_loop3A_671, %parallel_loop3A_672, %parallel_loop3A_673], %parallel_loop3A_667 {strides = array<i32>} : memref<8x16x128xf32, #tpu.memory_space<vmem>>, vector<16xf32>,
    } {sc.loop_unroll_factor = 1 : i64, sc.parallel_access}
    %add3A_449 = arith.constant 160 : i32
    %add3A_450 = arith.addi %add3A, %add3A_449 : i32
    %div3A_451 = arith.constant 8 : i32
    %div3A_452 = arith.divsi %add3A_450, %div3A_451 : i32
    %rem3A_453 = arith.constant 8 : i32
    %rem3A_454 = arith.remsi %add3A_450, %rem3A_453 : i32
    %mul3A_455 = arith.constant 128 : i32
    %mul3A_456 = arith.muli %div3A_452, %mul3A_455 : i32
    %mul3A_457 = arith.constant 16 : i32
    %mul3A_458 = arith.muli %rem3A_454, %mul3A_457 : i32
    %add3A_459 = arith.addi %mul3A_456, %mul3A_458 : i32
    %mul3A_460 = arith.constant 1024 : i32
    %mul3A_461 = arith.muli %add3A_459, %mul3A_460 : i32
    %mul3A_462 = arith.constant 16 : i32
    %mul3A_463 = arith.muli %rem3A_454, %mul3A_462 : i32
    %add3A_464 = arith.constant 0 : i32
    %add3A_465 = arith.addi %mul3A_463, %add3A_464 : i32
    %mul3A_466 = arith.constant 8 : i32
    %mul3A_467 = arith.muli %mul3A_466, %div3A_452 : i32
    %multiple_of3A_468 = tpu.assume_multiple %add3A_465, 4 : i32
    %dma_start3A_469 = arith.constant 0 : i32
    %dma_start3A_470 = arith.constant 0 : i32
    %dma_start3A_471 = arith.constant 0 : i32
    %dma_start3A_472 = tpu.memref_slice %arg14[%dma_start3A_469, %dma_start3A_470, %dma_start3A_471] : memref<8x16x128xf32, #tpu.memory_space<vmem>> -> memref<8x16x128xf32, #tpu.memory_space<vmem>>
    %dma_start3A_473 = arith.constant 0 : i32
    %dma_start3A_474 = tpu.memref_slice %arg5[%mul3A_467, %multiple_of3A_468, %dma_start3A_473] : memref<200x128x128xf32, #tpu.memory_space<hbm>> -> memref<8x16x128xf32, #tpu.memory_space<hbm>>
    %dma_start3A_475 = arith.constant 0 : i32
    %dma_start3A_476 = tpu.memref_slice %arg5[%mul3A_467, %multiple_of3A_468, %dma_start3A_475] : memref<200x128x128xf32, #tpu.memory_space<hbm>> -> memref<8x16x128xf32, #tpu.memory_space<hbm>>
    %dma_start3A_477 = arith.constant 0 : i32
    %dma_start3A_478 = arith.constant 0 : i32
    %dma_start3A_479 = arith.constant 0 : i32
    %dma_start3A_480 = tpu.memref_slice %arg14[%dma_start3A_477, %dma_start3A_478, %dma_start3A_479] : memref<8x16x128xf32, #tpu.memory_space<vmem>> -> memref<8x16x128xf32, #tpu.memory_space<vmem>>
    tpu.enqueue_dma source(%dma_start3A_480 : memref<8x16x128xf32, #tpu.memory_space<vmem>>) target(%dma_start3A_476 : memref<8x16x128xf32, #tpu.memory_space<hbm>>) target_semaphore(%arg20 : memref<!tpu.dma_semaphore, #tpu.memory_space<semaphore_mem>>)
    %dma_wait3A_481 = arith.constant 0 : i32
    %dma_wait3A_482 = tpu.memref_slice %arg9[%dma_wait3A_481] : memref<16384xi32, #tpu.memory_space<vmem>> -> memref<4096xi32, #tpu.memory_space<vmem>>
    %dma_wait3A_483 = tpu.memref_slice %arg2[%multiple_of3A_368] : memref<3276800xi32, #tpu.memory_space<hbm>> -> memref<4096xi32, #tpu.memory_space<hbm>>
    %dma_wait3A_484 = arith.constant 0 : i32
    %dma_wait3A_485 = tpu.memref_slice %arg9[%dma_wait3A_484] : memref<16384xi32, #tpu.memory_space<vmem>> -> memref<4096xi32, #tpu.memory_space<vmem>>
    %dma_wait3A_486 = tpu.memref_slice %arg2[%multiple_of3A_368] : memref<3276800xi32, #tpu.memory_space<hbm>> -> memref<4096xi32, #tpu.memory_space<hbm>>
    tpu.wait_dma2 semaphore(%arg15 : memref<!tpu.dma_semaphore, #tpu.memory_space<semaphore_mem>>) src(%dma_wait3A_486 : memref<4096xi32, #tpu.memory_space<hbm>>) dst(%dma_wait3A_485 : memref<4096xi32, #tpu.memory_space<vmem>>)
    %dma_wait3A_487 = arith.constant 0 : i32
    %dma_wait3A_488 = arith.constant 0 : i32
    %dma_wait3A_489 = arith.constant 0 : i32
    %dma_wait3A_490 = tpu.memref_slice %arg12[%dma_wait3A_487, %dma_wait3A_488, %dma_wait3A_489] : memref<8x16x128xf32, #tpu.memory_space<vmem>> -> memref<8x16x128xf32, #tpu.memory_space<vmem>>
    %dma_wait3A_491 = arith.constant 0 : i32
    %dma_wait3A_492 = tpu.memref_slice %arg5[%mul3A_345, %multiple_of3A_346, %dma_wait3A_491] : memref<200x128x128xf32, #tpu.memory_space<hbm>> -> memref<8x16x128xf32, #tpu.memory_space<hbm>>
    %dma_wait3A_493 = arith.constant 0 : i32
    %dma_wait3A_494 = tpu.memref_slice %arg5[%mul3A_345, %multiple_of3A_346, %dma_wait3A_493] : memref<200x128x128xf32, #tpu.memory_space<hbm>> -> memref<8x16x128xf32, #tpu.memory_space<hbm>>
    %dma_wait3A_495 = arith.constant 0 : i32
    %dma_wait3A_496 = arith.constant 0 : i32
    %dma_wait3A_497 = arith.constant 0 : i32
    %dma_wait3A_498 = tpu.memref_slice %arg12[%dma_wait3A_495, %dma_wait3A_496, %dma_wait3A_497] : memref<8x16x128xf32, #tpu.memory_space<vmem>> -> memref<8x16x128xf32, #tpu.memory_space<vmem>>
    tpu.wait_dma2 semaphore(%arg18 : memref<!tpu.dma_semaphore, #tpu.memory_space<semaphore_mem>>) src(%dma_wait3A_498 : memref<8x16x128xf32, #tpu.memory_space<vmem>>) dst(%dma_wait3A_494 : memref<8x16x128xf32, #tpu.memory_space<hbm>>)
    %parallel_loop3A_499 = arith.constant 0 : i32
    %parallel_loop3A_500 = arith.constant 32 : i32
    %parallel_loop3A_501 = arith.constant 1 : i32
    scf.for %parallel_loop3A_569 = %parallel_loop3A_499 to %parallel_loop3A_500 step %parallel_loop3A_501  : i32 {
      %parallel_loop3A_570 = arith.constant 3 : i32
      %parallel_loop3A_571 = arith.shrui %parallel_loop3A_569, %parallel_loop3A_570 : i32
      %parallel_loop3A_572 = arith.constant 7 : i32
      %parallel_loop3A_573 = arith.andi %parallel_loop3A_569, %parallel_loop3A_572 : i32
      %parallel_loop3A_574 = arith.constant 1024 : i32
      %parallel_loop3A_575 = arith.muli %parallel_loop3A_571, %parallel_loop3A_574 : i32
      %parallel_loop3A_576 = arith.constant 16 : i32
      %parallel_loop3A_577 = arith.muli %parallel_loop3A_573, %parallel_loop3A_576 : i32
      %parallel_loop3A_578 = arith.addi %parallel_loop3A_575, %parallel_loop3A_577 : i32
      %parallel_loop3A_579 = arith.constant 0 : i32
      %parallel_loop3A_580 = arith.addi %parallel_loop3A_578, %parallel_loop3A_579 : i32
      %parallel_loop3A_581 = arith.index_cast %parallel_loop3A_580 : i32 to index
      %parallel_loop3A_582 = tpu.vector_load %arg9[%parallel_loop3A_581] {strides = array<i32>} : memref<16384xi32, #tpu.memory_space<vmem>>, vector<16xi32>,
      %parallel_loop3A_583 = tpu.vector_load_idx %arg8[%parallel_loop3A_582] : memref<16xf32, #tpu.memory_space<vmem>>[vector<16xi32>], vector<16xf32>,
      %parallel_loop3A_584 = arith.constant 16 : i32
      %parallel_loop3A_585 = arith.muli %parallel_loop3A_573, %parallel_loop3A_584 : i32
      %parallel_loop3A_586 = arith.constant 0 : i32
      %parallel_loop3A_587 = arith.index_cast %parallel_loop3A_586 : i32 to index
      %parallel_loop3A_588 = arith.index_cast %parallel_loop3A_571 : i32 to index
      %parallel_loop3A_589 = arith.index_cast %parallel_loop3A_585 : i32 to index
      %parallel_loop3A_590 = tpu.vector_load %arg12[%parallel_loop3A_587, %parallel_loop3A_588, %parallel_loop3A_589] {strides = array<i32>} : memref<8x16x128xf32, #tpu.memory_space<vmem>>, vector<16xf32>,
      tpu.vector_store %arg12[%parallel_loop3A_587, %parallel_loop3A_588, %parallel_loop3A_589], %parallel_loop3A_583 {strides = array<i32>} : memref<8x16x128xf32, #tpu.memory_space<vmem>>, vector<16xf32>,
      %parallel_loop3A_591 = arith.constant 128 : i32
      %parallel_loop3A_592 = arith.addi %parallel_loop3A_578, %parallel_loop3A_591 : i32
      %parallel_loop3A_593 = arith.index_cast %parallel_loop3A_592 : i32 to index
      %parallel_loop3A_594 = tpu.vector_load %arg9[%parallel_loop3A_593] {strides = array<i32>} : memref<16384xi32, #tpu.memory_space<vmem>>, vector<16xi32>,
      %parallel_loop3A_595 = tpu.vector_load_idx %arg8[%parallel_loop3A_594] : memref<16xf32, #tpu.memory_space<vmem>>[vector<16xi32>], vector<16xf32>,
      %parallel_loop3A_596 = arith.constant 16 : i32
      %parallel_loop3A_597 = arith.muli %parallel_loop3A_573, %parallel_loop3A_596 : i32
      %parallel_loop3A_598 = arith.constant 1 : i32
      %parallel_loop3A_599 = arith.index_cast %parallel_loop3A_598 : i32 to index
      %parallel_loop3A_600 = arith.index_cast %parallel_loop3A_571 : i32 to index
      %parallel_loop3A_601 = arith.index_cast %parallel_loop3A_597 : i32 to index
      %parallel_loop3A_602 = tpu.vector_load %arg12[%parallel_loop3A_599, %parallel_loop3A_600, %parallel_loop3A_601] {strides = array<i32>} : memref<8x16x128xf32, #tpu.memory_space<vmem>>, vector<16xf32>,
      tpu.vector_store %arg12[%parallel_loop3A_599, %parallel_loop3A_600, %parallel_loop3A_601], %parallel_loop3A_595 {strides = array<i32>} : memref<8x16x128xf32, #tpu.memory_space<vmem>>, vector<16xf32>,
      %parallel_loop3A_603 = arith.constant 256 : i32
      %parallel_loop3A_604 = arith.addi %parallel_loop3A_578, %parallel_loop3A_603 : i32
      %parallel_loop3A_605 = arith.index_cast %parallel_loop3A_604 : i32 to index
      %parallel_loop3A_606 = tpu.vector_load %arg9[%parallel_loop3A_605] {strides = array<i32>} : memref<16384xi32, #tpu.memory_space<vmem>>, vector<16xi32>,
      %parallel_loop3A_607 = tpu.vector_load_idx %arg8[%parallel_loop3A_606] : memref<16xf32, #tpu.memory_space<vmem>>[vector<16xi32>], vector<16xf32>,
      %parallel_loop3A_608 = arith.constant 16 : i32
      %parallel_loop3A_609 = arith.muli %parallel_loop3A_573, %parallel_loop3A_608 : i32
      %parallel_loop3A_610 = arith.constant 2 : i32
      %parallel_loop3A_611 = arith.index_cast %parallel_loop3A_610 : i32 to index
      %parallel_loop3A_612 = arith.index_cast %parallel_loop3A_571 : i32 to index
      %parallel_loop3A_613 = arith.index_cast %parallel_loop3A_609 : i32 to index
      %parallel_loop3A_614 = tpu.vector_load %arg12[%parallel_loop3A_611, %parallel_loop3A_612, %parallel_loop3A_613] {strides = array<i32>} : memref<8x16x128xf32, #tpu.memory_space<vmem>>, vector<16xf32>,
      tpu.vector_store %arg12[%parallel_loop3A_611, %parallel_loop3A_612, %parallel_loop3A_613], %parallel_loop3A_607 {strides = array<i32>} : memref<8x16x128xf32, #tpu.memory_space<vmem>>, vector<16xf32>,
      %parallel_loop3A_615 = arith.constant 384 : i32
      %parallel_loop3A_616 = arith.addi %parallel_loop3A_578, %parallel_loop3A_615 : i32
      %parallel_loop3A_617 = arith.index_cast %parallel_loop3A_616 : i32 to index
      %parallel_loop3A_618 = tpu.vector_load %arg9[%parallel_loop3A_617] {strides = array<i32>} : memref<16384xi32, #tpu.memory_space<vmem>>, vector<16xi32>,
      %parallel_loop3A_619 = tpu.vector_load_idx %arg8[%parallel_loop3A_618] : memref<16xf32, #tpu.memory_space<vmem>>[vector<16xi32>], vector<16xf32>,
      %parallel_loop3A_620 = arith.constant 16 : i32
      %parallel_loop3A_621 = arith.muli %parallel_loop3A_573, %parallel_loop3A_620 : i32
      %parallel_loop3A_622 = arith.constant 3 : i32
      %parallel_loop3A_623 = arith.index_cast %parallel_loop3A_622 : i32 to index
      %parallel_loop3A_624 = arith.index_cast %parallel_loop3A_571 : i32 to index
      %parallel_loop3A_625 = arith.index_cast %parallel_loop3A_621 : i32 to index
      %parallel_loop3A_626 = tpu.vector_load %arg12[%parallel_loop3A_623, %parallel_loop3A_624, %parallel_loop3A_625] {strides = array<i32>} : memref<8x16x128xf32, #tpu.memory_space<vmem>>, vector<16xf32>,
      tpu.vector_store %arg12[%parallel_loop3A_623, %parallel_loop3A_624, %parallel_loop3A_625], %parallel_loop3A_619 {strides = array<i32>} : memref<8x16x128xf32, #tpu.memory_space<vmem>>, vector<16xf32>,
      %parallel_loop3A_627 = arith.constant 512 : i32
      %parallel_loop3A_628 = arith.addi %parallel_loop3A_578, %parallel_loop3A_627 : i32
      %parallel_loop3A_629 = arith.index_cast %parallel_loop3A_628 : i32 to index
      %parallel_loop3A_630 = tpu.vector_load %arg9[%parallel_loop3A_629] {strides = array<i32>} : memref<16384xi32, #tpu.memory_space<vmem>>, vector<16xi32>,
      %parallel_loop3A_631 = tpu.vector_load_idx %arg8[%parallel_loop3A_630] : memref<16xf32, #tpu.memory_space<vmem>>[vector<16xi32>], vector<16xf32>,
      %parallel_loop3A_632 = arith.constant 16 : i32
      %parallel_loop3A_633 = arith.muli %parallel_loop3A_573, %parallel_loop3A_632 : i32
      %parallel_loop3A_634 = arith.constant 4 : i32
      %parallel_loop3A_635 = arith.index_cast %parallel_loop3A_634 : i32 to index
      %parallel_loop3A_636 = arith.index_cast %parallel_loop3A_571 : i32 to index
      %parallel_loop3A_637 = arith.index_cast %parallel_loop3A_633 : i32 to index
      %parallel_loop3A_638 = tpu.vector_load %arg12[%parallel_loop3A_635, %parallel_loop3A_636, %parallel_loop3A_637] {strides = array<i32>} : memref<8x16x128xf32, #tpu.memory_space<vmem>>, vector<16xf32>,
      tpu.vector_store %arg12[%parallel_loop3A_635, %parallel_loop3A_636, %parallel_loop3A_637], %parallel_loop3A_631 {strides = array<i32>} : memref<8x16x128xf32, #tpu.memory_space<vmem>>, vector<16xf32>,
      %parallel_loop3A_639 = arith.constant 640 : i32
      %parallel_loop3A_640 = arith.addi %parallel_loop3A_578, %parallel_loop3A_639 : i32
      %parallel_loop3A_641 = arith.index_cast %parallel_loop3A_640 : i32 to index
      %parallel_loop3A_642 = tpu.vector_load %arg9[%parallel_loop3A_641] {strides = array<i32>} : memref<16384xi32, #tpu.memory_space<vmem>>, vector<16xi32>,
      %parallel_loop3A_643 = tpu.vector_load_idx %arg8[%parallel_loop3A_642] : memref<16xf32, #tpu.memory_space<vmem>>[vector<16xi32>], vector<16xf32>,
      %parallel_loop3A_644 = arith.constant 16 : i32
      %parallel_loop3A_645 = arith.muli %parallel_loop3A_573, %parallel_loop3A_644 : i32
      %parallel_loop3A_646 = arith.constant 5 : i32
      %parallel_loop3A_647 = arith.index_cast %parallel_loop3A_646 : i32 to index
      %parallel_loop3A_648 = arith.index_cast %parallel_loop3A_571 : i32 to index
      %parallel_loop3A_649 = arith.index_cast %parallel_loop3A_645 : i32 to index
      %parallel_loop3A_650 = tpu.vector_load %arg12[%parallel_loop3A_647, %parallel_loop3A_648, %parallel_loop3A_649] {strides = array<i32>} : memref<8x16x128xf32, #tpu.memory_space<vmem>>, vector<16xf32>,
      tpu.vector_store %arg12[%parallel_loop3A_647, %parallel_loop3A_648, %parallel_loop3A_649], %parallel_loop3A_643 {strides = array<i32>} : memref<8x16x128xf32, #tpu.memory_space<vmem>>, vector<16xf32>,
      %parallel_loop3A_651 = arith.constant 768 : i32
      %parallel_loop3A_652 = arith.addi %parallel_loop3A_578, %parallel_loop3A_651 : i32
      %parallel_loop3A_653 = arith.index_cast %parallel_loop3A_652 : i32 to index
      %parallel_loop3A_654 = tpu.vector_load %arg9[%parallel_loop3A_653] {strides = array<i32>} : memref<16384xi32, #tpu.memory_space<vmem>>, vector<16xi32>,
      %parallel_loop3A_655 = tpu.vector_load_idx %arg8[%parallel_loop3A_654] : memref<16xf32, #tpu.memory_space<vmem>>[vector<16xi32>], vector<16xf32>,
      %parallel_loop3A_656 = arith.constant 16 : i32
      %parallel_loop3A_657 = arith.muli %parallel_loop3A_573, %parallel_loop3A_656 : i32
      %parallel_loop3A_658 = arith.constant 6 : i32
      %parallel_loop3A_659 = arith.index_cast %parallel_loop3A_658 : i32 to index
      %parallel_loop3A_660 = arith.index_cast %parallel_loop3A_571 : i32 to index
      %parallel_loop3A_661 = arith.index_cast %parallel_loop3A_657 : i32 to index
      %parallel_loop3A_662 = tpu.vector_load %arg12[%parallel_loop3A_659, %parallel_loop3A_660, %parallel_loop3A_661] {strides = array<i32>} : memref<8x16x128xf32, #tpu.memory_space<vmem>>, vector<16xf32>,
      tpu.vector_store %arg12[%parallel_loop3A_659, %parallel_loop3A_660, %parallel_loop3A_661], %parallel_loop3A_655 {strides = array<i32>} : memref<8x16x128xf32, #tpu.memory_space<vmem>>, vector<16xf32>,
      %parallel_loop3A_663 = arith.constant 896 : i32
      %parallel_loop3A_664 = arith.addi %parallel_loop3A_578, %parallel_loop3A_663 : i32
      %parallel_loop3A_665 = arith.index_cast %parallel_loop3A_664 : i32 to index
      %parallel_loop3A_666 = tpu.vector_load %arg9[%parallel_loop3A_665] {strides = array<i32>} : memref<16384xi32, #tpu.memory_space<vmem>>, vector<16xi32>,
      %parallel_loop3A_667 = tpu.vector_load_idx %arg8[%parallel_loop3A_666] : memref<16xf32, #tpu.memory_space<vmem>>[vector<16xi32>], vector<16xf32>,
      %parallel_loop3A_668 = arith.constant 16 : i32
      %parallel_loop3A_669 = arith.muli %parallel_loop3A_573, %parallel_loop3A_668 : i32
      %parallel_loop3A_670 = arith.constant 7 : i32
      %parallel_loop3A_671 = arith.index_cast %parallel_loop3A_670 : i32 to index
      %parallel_loop3A_672 = arith.index_cast %parallel_loop3A_571 : i32 to index
      %parallel_loop3A_673 = arith.index_cast %parallel_loop3A_669 : i32 to index
      %parallel_loop3A_674 = tpu.vector_load %arg12[%parallel_loop3A_671, %parallel_loop3A_672, %parallel_loop3A_673] {strides = array<i32>} : memref<8x16x128xf32, #tpu.memory_space<vmem>>, vector<16xf32>,
      tpu.vector_store %arg12[%parallel_loop3A_671, %parallel_loop3A_672, %parallel_loop3A_673], %parallel_loop3A_667 {strides = array<i32>} : memref<8x16x128xf32, #tpu.memory_space<vmem>>, vector<16xf32>,
    } {sc.loop_unroll_factor = 1 : i64, sc.parallel_access}
    %mul3A_502 = arith.constant 16 : i32
    %mul3A_503 = arith.muli %div3A_5, %mul3A_502 : i32
    %add3A_504 = arith.constant 3072 : i32
    %add3A_505 = arith.addi %add3A_504, %mul3A_503 : i32
    %mul3A_506 = arith.constant 1024 : i32
    %mul3A_507 = arith.muli %add3A_505, %mul3A_506 : i32
    %mul3A_508 = arith.constant 4096 : i32
    %mul3A_509 = arith.muli %rem3A_4, %mul3A_508 : i32
    %add3A_510 = arith.addi %mul3A_507, %mul3A_509 : i32
    %mul3A_511 = arith.constant 16 : i32
    %mul3A_512 = arith.muli %div3A_5, %mul3A_511 : i32
    %mul3A_513 = arith.constant 4 : i32
    %mul3A_514 = arith.muli %rem3A_4, %mul3A_513 : i32
    %add3A_515 = arith.addi %mul3A_512, %mul3A_514 : i32
    %multiple_of3A_516 = tpu.assume_multiple %add3A_515, 4 : i32
    %dma_start3A_517 = arith.constant 0 : i32
    %dma_start3A_518 = arith.constant 0 : i32
    %dma_start3A_519 = arith.constant 0 : i32
    %dma_start3A_520 = tpu.memref_slice %arg12[%dma_start3A_517, %dma_start3A_518, %dma_start3A_519] : memref<8x16x128xf32, #tpu.memory_space<vmem>> -> memref<8x4x128xf32, #tpu.memory_space<vmem>>
    %dma_start3A_521 = arith.constant 192 : i32
    %dma_start3A_522 = arith.constant 0 : i32
    %dma_start3A_523 = tpu.memref_slice %arg5[%dma_start3A_521, %multiple_of3A_516, %dma_start3A_522] : memref<200x128x128xf32, #tpu.memory_space<hbm>> -> memref<8x4x128xf32, #tpu.memory_space<hbm>>
    %dma_start3A_524 = arith.constant 192 : i32
    %dma_start3A_525 = arith.constant 0 : i32
    %dma_start3A_526 = tpu.memref_slice %arg5[%dma_start3A_524, %multiple_of3A_516, %dma_start3A_525] : memref<200x128x128xf32, #tpu.memory_space<hbm>> -> memref<8x4x128xf32, #tpu.memory_space<hbm>>
    %dma_start3A_527 = arith.constant 0 : i32
    %dma_start3A_528 = arith.constant 0 : i32
    %dma_start3A_529 = arith.constant 0 : i32
    %dma_start3A_530 = tpu.memref_slice %arg12[%dma_start3A_527, %dma_start3A_528, %dma_start3A_529] : memref<8x16x128xf32, #tpu.memory_space<vmem>> -> memref<8x4x128xf32, #tpu.memory_space<vmem>>
    tpu.enqueue_dma source(%dma_start3A_530 : memref<8x4x128xf32, #tpu.memory_space<vmem>>) target(%dma_start3A_526 : memref<8x4x128xf32, #tpu.memory_space<hbm>>) target_semaphore(%arg18 : memref<!tpu.dma_semaphore, #tpu.memory_space<semaphore_mem>>)
    %dma_wait3A_531 = arith.constant 0 : i32
    %dma_wait3A_532 = arith.constant 0 : i32
    %dma_wait3A_533 = arith.constant 0 : i32
    %dma_wait3A_534 = tpu.memref_slice %arg13[%dma_wait3A_531, %dma_wait3A_532, %dma_wait3A_533] : memref<8x16x128xf32, #tpu.memory_space<vmem>> -> memref<8x16x128xf32, #tpu.memory_space<vmem>>
    %dma_wait3A_535 = arith.constant 0 : i32
    %dma_wait3A_536 = tpu.memref_slice %arg5[%mul3A_414, %multiple_of3A_415, %dma_wait3A_535] : memref<200x128x128xf32, #tpu.memory_space<hbm>> -> memref<8x16x128xf32, #tpu.memory_space<hbm>>
    %dma_wait3A_537 = arith.constant 0 : i32
    %dma_wait3A_538 = tpu.memref_slice %arg5[%mul3A_414, %multiple_of3A_415, %dma_wait3A_537] : memref<200x128x128xf32, #tpu.memory_space<hbm>> -> memref<8x16x128xf32, #tpu.memory_space<hbm>>
    %dma_wait3A_539 = arith.constant 0 : i32
    %dma_wait3A_540 = arith.constant 0 : i32
    %dma_wait3A_541 = arith.constant 0 : i32
    %dma_wait3A_542 = tpu.memref_slice %arg13[%dma_wait3A_539, %dma_wait3A_540, %dma_wait3A_541] : memref<8x16x128xf32, #tpu.memory_space<vmem>> -> memref<8x16x128xf32, #tpu.memory_space<vmem>>
    tpu.wait_dma2 semaphore(%arg19 : memref<!tpu.dma_semaphore, #tpu.memory_space<semaphore_mem>>) src(%dma_wait3A_542 : memref<8x16x128xf32, #tpu.memory_space<vmem>>) dst(%dma_wait3A_538 : memref<8x16x128xf32, #tpu.memory_space<hbm>>)
    %dma_wait3A_543 = arith.constant 0 : i32
    %dma_wait3A_544 = arith.constant 0 : i32
    %dma_wait3A_545 = arith.constant 0 : i32
    %dma_wait3A_546 = tpu.memref_slice %arg14[%dma_wait3A_543, %dma_wait3A_544, %dma_wait3A_545] : memref<8x16x128xf32, #tpu.memory_space<vmem>> -> memref<8x16x128xf32, #tpu.memory_space<vmem>>
    %dma_wait3A_547 = arith.constant 0 : i32
    %dma_wait3A_548 = tpu.memref_slice %arg5[%mul3A_467, %multiple_of3A_468, %dma_wait3A_547] : memref<200x128x128xf32, #tpu.memory_space<hbm>> -> memref<8x16x128xf32, #tpu.memory_space<hbm>>
    %dma_wait3A_549 = arith.constant 0 : i32
    %dma_wait3A_550 = tpu.memref_slice %arg5[%mul3A_467, %multiple_of3A_468, %dma_wait3A_549] : memref<200x128x128xf32, #tpu.memory_space<hbm>> -> memref<8x16x128xf32, #tpu.memory_space<hbm>>
    %dma_wait3A_551 = arith.constant 0 : i32
    %dma_wait3A_552 = arith.constant 0 : i32
    %dma_wait3A_553 = arith.constant 0 : i32
    %dma_wait3A_554 = tpu.memref_slice %arg14[%dma_wait3A_551, %dma_wait3A_552, %dma_wait3A_553] : memref<8x16x128xf32, #tpu.memory_space<vmem>> -> memref<8x16x128xf32, #tpu.memory_space<vmem>>
    tpu.wait_dma2 semaphore(%arg20 : memref<!tpu.dma_semaphore, #tpu.memory_space<semaphore_mem>>) src(%dma_wait3A_554 : memref<8x16x128xf32, #tpu.memory_space<vmem>>) dst(%dma_wait3A_550 : memref<8x16x128xf32, #tpu.memory_space<hbm>>)
    %dma_wait3A_555 = arith.constant 0 : i32
    %dma_wait3A_556 = arith.constant 0 : i32
    %dma_wait3A_557 = arith.constant 0 : i32
    %dma_wait3A_558 = tpu.memref_slice %arg12[%dma_wait3A_555, %dma_wait3A_556, %dma_wait3A_557] : memref<8x16x128xf32, #tpu.memory_space<vmem>> -> memref<8x4x128xf32, #tpu.memory_space<vmem>>
    %dma_wait3A_559 = arith.constant 192 : i32
    %dma_wait3A_560 = arith.constant 0 : i32
    %dma_wait3A_561 = tpu.memref_slice %arg5[%dma_wait3A_559, %multiple_of3A_516, %dma_wait3A_560] : memref<200x128x128xf32, #tpu.memory_space<hbm>> -> memref<8x4x128xf32, #tpu.memory_space<hbm>>
    %dma_wait3A_562 = arith.constant 192 : i32
    %dma_wait3A_563 = arith.constant 0 : i32
    %dma_wait3A_564 = tpu.memref_slice %arg5[%dma_wait3A_562, %multiple_of3A_516, %dma_wait3A_563] : memref<200x128x128xf32, #tpu.memory_space<hbm>> -> memref<8x4x128xf32, #tpu.memory_space<hbm>>
    %dma_wait3A_565 = arith.constant 0 : i32
    %dma_wait3A_566 = arith.constant 0 : i32
    %dma_wait3A_567 = arith.constant 0 : i32
    %dma_wait3A_568 = tpu.memref_slice %arg12[%dma_wait3A_565, %dma_wait3A_566, %dma_wait3A_567] : memref<8x16x128xf32, #tpu.memory_space<vmem>> -> memref<8x4x128xf32, #tpu.memory_space<vmem>>
    tpu.wait_dma2 semaphore(%arg18 : memref<!tpu.dma_semaphore, #tpu.memory_space<semaphore_mem>>) src(%dma_wait3A_568 : memref<8x4x128xf32, #tpu.memory_space<vmem>>) dst(%dma_wait3A_564 : memref<8x4x128xf32, #tpu.memory_space<hbm>>)
    return
  }
}

</mosaic_0001>

<sc_bundles>
// kernel: kernel.3.cloned.1.call-start
scs
__scs_entry_jumppad:
0x0: {  	(pc) =	sbr.rel $0x88, $3  }
0x1: {  	(tag) =	ssettag $0x0;
	lr =	simm.s32 $0x1  }
0x2: {  	[smem:$0x3F9D] =	sst lr;
	_ =	strace $0xD0000000  }
0x3: {  	_ = 	snop  }
0x4: {  	_ = 	snop  }
0x5: {  	_ = 	snop  }
0x6: {  	_ = 	snop  }
0x7: {  	_ = 	snop  }
__scs_overlays_trampoline_lowered:
0x8: {  	[smem:$0x3FAC] =	sst s0  }
0x9: {  	[smem:$0x3FAD] =	sst s1  }
0xa: {  	[smem:$0x3FAE] =	sst s2  }
0xb: {  	[smem:$0x3FAF] =	sst s3  }
0xc: {  	[smem:$0x3FB0] =	sst s4  }
0xd: {  	[smem:$0x3FB1] =	sst s5  }
0xe: {  	[smem:$0x3FB2] =	sst s6  }
0xf: {  	[smem:$0x3FB3] =	sst s7  }
0x10: {  	[smem:$0x3FB4] =	sst s8  }
0x11: {  	[smem:$0x3FB5] =	sst s9;
	s0 =	simm.s32 @!p0 $0x0  }
0x12: {  	s1 =	sld [smem:$0x3F9B];
	s0 =	simm.s32 @p0 $0x1  }
0x13: {  	[smem:$0x3FB6] =	sst s0;
	s0 =	simm.s32 @!p1 $0x0  }
0x14: {  	s2 =	sld [smem:$0x3F9A];
	s0 =	simm.s32 @p1 $0x1  }
0x15: {  	[smem:$0x3FB7] =	sst s0;
	s0 =	simm.s32 @!p2 $0x0  }
0x16: {  	s3 =	sld [smem:$0x3FDB];
	s0 =	simm.s32 @p2 $0x1  }
0x17: {  	s4 =	simm.s32 $0x1BF5;
	[smem:$0x3FB9] =	sst s0  }
0x18: {  	s0 =	sld [smem:$0x3F9C];
	_ =	swait.ge [sflag:s4], $0x0  }
0x19: {  	s7 =	sld [smem:$0x3F9D]  }
0x1a: {  	s8 =	sadd.s32 $0xFFFFE003, lr  }
0x1b: {  	s9 =	sadd.s32 $0xFFFFFEF7, lr;
	s5 =	simm.s32 $0xFFFFFFFF;
	p2 =	slt.u32 s8, $0xFFFFF086  }
0x1c: {  	p1 =	slt.u32 s9, $0xF7A;
	s5 =	simm.s32 @!p2 $0x0  }
0x1d: {  	s5 =	simm.s32 @p1 $0x1;
	p0 =	seq.s32 s7, s2  }
0x1e: {  	s7 =	smul.u32 @!p0 $0xF7A, s2;
	p2 =	seq.s32 @!p0 s5, $0x0  }
0x1f: {  	s9 =	smul.u32 $0xF7A, s1;
	s8 =	simm.s32 @!p0 $0x1BF5;
	p2 =	por !p2, p0  }
0x20: {  	[sflag:s8] =	ssyncset.s32 @!p0 $0xFFFFF086;
	s6 =	sadd.s32 @!p0 s3, s7;
	s7 =	simm.s32 @!p0 $0x108  }
0x21: {  	s3 =	sadd.s32 s3, s9;
	s6 =	sadd.s32 @!p0 $0x88, s6;
	s7 =	simm.s32 @p2 $0x1082  }
0x22: {  	[simem:s7], [sflag:s8] =	dma.local @!p0 [hbm:s6], $0xF7A  }
0x23: {  	s9 =	sor.u32 $0xD0000000, s2;
	s6 =	simm.s32 $0x108;
	_ =	swait.ge @!p0 [sflag:s8], $0x0  }
0x24: {  	s3 =	sadd.s32 $0x88, s3;
	s6 =	simm.s32 @!p1 $0x1082;
	[sflag:s4] =	ssyncset.s32 $0xFFFFF086  }
0x25: {  	[simem:s6], [sflag:s4] =	dma.local [hbm:s3], $0xF7A  }
0x26: {  	[smem:$0x3F9D] =	sst s1;
	(tag) =	ssettag s2;
	_ =	strace s9  }
0x27: {  	s1 =	sld [smem:$0x3FAD]  }
0x28: {  	s2 =	sld [smem:$0x3FAE]  }
0x29: {  	s4 =	sld [smem:$0x3FB0]  }
0x2a: {  	p0 =	seq.s32 s5, $0x0;
	s5 =	sld [smem:$0x3FB1]  }
0x2b: {  	s6 =	sld [smem:$0x3FB2]  }
0x2c: {  	s7 =	sld [smem:$0x3FB3]  }
0x2d: {  	s3 =	simm.s32 $0x108;
	s8 =	sld [smem:$0x3FB4]  }
0x2e: {  	s3 =	simm.s32 @!p0 $0x1082;
	s9 =	sld [smem:$0x3FB5]  }
0x2f: {  	lr =	sadd.s32 s0, s3;
	s0 =	sld [smem:$0x3FAC]  }
0x30: {  	s3 =	sld [smem:$0x3FAF]  }
0x31: {  	[smem:$0x3FB8] =	sst s10  }
0x32: {  	s10 =	sld [smem:$0x3FB6];
	_ =	sdelay $0x3  }
0x33: {  	p0 =	seq.s32 s10, $0x1;
	s10 =	sld [smem:$0x3FB8];
	_ =	sdelay $0x3  }
0x34: {  	[smem:$0x3FB8] =	sst s10  }
0x35: {  	s10 =	sld [smem:$0x3FB7];
	_ =	sdelay $0x3  }
0x36: {  	p1 =	seq.s32 s10, $0x1;
	s10 =	sld [smem:$0x3FB8];
	_ =	sdelay $0x3  }
0x37: {  	[smem:$0x3FB8] =	sst s10  }
0x38: {  	s10 =	sld [smem:$0x3FB9]  }
0x39: {  	_ = 	snop;
	(pc) =	sbr.ind lr, $3  }
0x3a: {  	_ = 	snop  }
0x3b: {  	_ = 	snop  }
0x3c: {  	p2 =	seq.s32 s10, $0x1;
	s10 =	sld [smem:$0x3FB8]  }
0x3d: {  	_ =	shalt  }
0x3e: {  	_ =	shalt  }
0x3f: {  	_ =	shalt  }
0x40: {  	_ =	shalt  }
0x41: {  	_ =	shalt  }
0x42: {  	_ =	shalt  }
0x43: {  	_ =	shalt  }
0x44: {  	_ =	shalt  }
0x45: {  	_ =	shalt  }
0x46: {  	_ =	shalt  }
0x47: {  	_ =	shalt  }
0x48: {  	_ =	shalt  }
0x49: {  	_ =	shalt  }
0x4a: {  	_ =	shalt  }
0x4b: {  	_ =	shalt  }
0x4c: {  	_ =	shalt  }
0x4d: {  	_ =	shalt  }
0x4e: {  	_ =	shalt  }
0x4f: {  	_ =	shalt  }
0x50: {  	_ =	shalt  }
0x51: {  	_ =	shalt  }
0x52: {  	_ =	shalt  }
0x53: {  	_ =	shalt  }
0x54: {  	_ =	shalt  }
0x55: {  	_ =	shalt  }
0x56: {  	_ =	shalt  }
0x57: {  	_ =	shalt  }
0x58: {  	_ =	shalt  }
0x59: {  	_ =	shalt  }
0x5a: {  	_ =	shalt  }
0x5b: {  	_ =	shalt  }
0x5c: {  	_ =	shalt  }
0x5d: {  	_ =	shalt  }
0x5e: {  	_ =	shalt  }
0x5f: {  	_ =	shalt  }
0x60: {  	_ =	shalt  }
0x61: {  	_ =	shalt  }
0x62: {  	_ =	shalt  }
0x63: {  	_ =	shalt  }
0x64: {  	_ =	shalt  }
0x65: {  	_ =	shalt  }
0x66: {  	_ =	shalt  }
0x67: {  	_ =	shalt  }
0x68: {  	_ =	shalt  }
0x69: {  	_ =	shalt  }
0x6a: {  	_ =	shalt  }
0x6b: {  	_ =	shalt  }
0x6c: {  	_ =	shalt  }
0x6d: {  	_ =	shalt  }
0x6e: {  	_ =	shalt  }
0x6f: {  	_ =	shalt  }
0x70: {  	_ =	shalt  }
0x71: {  	_ =	shalt  }
0x72: {  	_ =	shalt  }
0x73: {  	_ =	shalt  }
0x74: {  	_ =	shalt  }
0x75: {  	_ =	shalt  }
0x76: {  	_ =	shalt  }
0x77: {  	_ =	shalt  }
0x78: {  	_ =	shalt  }
0x79: {  	_ =	shalt  }
0x7a: {  	_ =	shalt  }
0x7b: {  	_ =	shalt  }
0x7c: {  	_ =	shalt  }
0x7d: {  	_ =	shalt  }
0x7e: {  	_ =	shalt  }
0x7f: {  	_ =	shalt  }
0x80: {  	_ =	shalt  }
0x81: {  	_ =	shalt  }
0x82: {  	_ =	shalt  }
0x83: {  	_ =	shalt  }
0x84: {  	_ =	shalt  }
0x85: {  	_ =	shalt  }
0x86: {  	_ =	shalt  }
0x87: {  	_ =	shalt  }
.Lfunc_end0:
.L_simem_size_0:
called_computation_lowered:
.L_overlay_start_0:
0x88: {  	s2 =	sld [smem:$0x3FD9]  }
0x89: {  	s3 =	sld [smem:$0x3FFE];
	_ =	sdelay $0x1  }
0x8a: {  	s1 =	srdreg.scid  }
0x8b: {  	s0 =	sand.u32 $0x1, s1  }
0x8c: {  	s17 =	sshll.u32 s0, $0xA;
	s2 =	sadd.s32 s3, s2  }
0x8d: {  	s2 =	sadd.s32 s2, s17  }
0x8e: {  	[smem:$0x3FC4] =	sst s2  }
0x8f: {  	_ = 	snop  }
0x90: {  	s2 =	sld [smem:$0x3FC9]  }
0x91: {  	s18 =	sld [smem:$0x3FD0];
	(tm) =	ssettm $0x1  }
0x92: {  	s4 =	sld [smem:$0x3FFB];
	_ =	sdelay $0x3  }
0x93: {  	_ =	strace s4  }
0x94: {  	s4 =	sld [smem:$0x3FFC];
	_ =	sdelay $0x3  }
0x95: {  	_ =	strace s4  }
0x96: {  	s4 =	sld [smem:$0x3FFD];
	_ =	sdelay $0x3  }
0x97: {  	_ =	strace s4  }
0x98: {  	_ =	strace $0x8FFFFFFF  }
0x99: {  	s19 =	sld [smem:$0x3FDB];
	_ =	sdelay $0x1  }
0x9a: {  	s5 =	simm.s32 $_scs_section_size  }
0x9b: {  	s6 =	simm.s32 $_size__tile_overlayer_lowered;
	s7 =	simm.s32 $_tile_overlayer_lowered  }
0x9c: {  	s22 =	simm.s32 $0x1BFF;
	s21 =	sshll.u32 s7, $0x1;
	s4 =	sadd.s32 s5, s19  }
0x9d: {  	s8 =	simm.s32 $0x0;
	s20 =	sshll.u32 s6, $0x1;
	s6 =	sadd.s32 s21, s4  }
0x9e: {  	[timem:s8], [sflag:s22] =	dma.local [hbm:s6], s20  }
0x9f: {  	_ =	swait.ge [sflag:s22], s20  }
0xa0: {  	s5 =	ssub.s32 $0x0, s20;
	[sflag:s22] =	ssyncset.done $0x0  }
0xa1: {  	[sflag:s22] =	ssyncadd.s32 s5;
	_ =	sdelay $0x1  }
0xa2: {  	s23 =	simm.s32 $0x1B8B  }
0xa3: {  	_ =	swait.ge [sflag:s23], $0x1  }
0xa4: {  	[sflag:s23] =	ssyncset.done $0x0  }
0xa5: {  	s25 =	simm.s32 $0x1B8E;
	s24 =	sld [smem:$0x3FFE];
	[sflag:s23] =	ssyncadd.s32 $0xFFFFFFFF  }
0xa6: {  	s26 =	simm.s32 $execute0_lowered;
	[smem:$0x3FD2] =	sst s25  }
0xa7: {  	s6 =	sshll.u32 s26, $0x1;
	_ =	strace $0x80000046;
	[dreg:$0x1] =	wrdreg $0xFFFFFFFF  }
0xa8: {  	s28 =	simm.s32 $_size_execute0_lowered;
	s4 =	sadd.s32 s4, s6;
	[dreg:$0x0] =	wrdreg $0x0  }
0xa9: {  	s6 =	sshll.u32 s28, $0x1;
	[dreg:$0x2] =	wrdreg s4  }
0xaa: {  	[dreg:$0x3] =	wrdreg s6  }
0xab: {  	[dreg:$0x4] =	wrdreg $0xC0  }
0xac: {  	_ =	task [dreg:s8], $0x5FFFF  }
0xad: {  	[dreg:$0x1] =	wrdreg $0xFFFFFFFF  }
0xae: {  	[dreg:$0x0] =	wrdreg $0x60  }
0xaf: {  	[dreg:$0x2] =	wrdreg s2  }
0xb0: {  	[dreg:$0x3] =	wrdreg s24  }
0xb1: {  	[dreg:$0x4] =	wrdreg s18  }
0xb2: {  	[dreg:$0x5] =	wrdreg $0x9  }
0xb3: {  	_ =	task.clear_ibuf [dreg:s8], $0x6FFFF;
	_ =	strace $0x90000046  }
0xb4: {  	s29 =	simm.s32 $0x9;
	_ =	strace $0x80000048  }
0xb5: {  	_ =	swait.ge [sflag:s29], $0x1  }
0xb6: {  	[sflag:s29] =	ssyncadd.s32 $0xFFFFFFFF  }
0xb7: {  	_ =	strace $0x90000048  }
0xb8: {  	_ =	sfence  }
0xb9: {  	s30 =	sld [smem:$0x0];
	_ =	sdelay $0x2  }
0xba: {  	s31 =	sshll.u32 s1, $0xD;
	s1 =	sshrl.u32 s1, $0x2  }
0xbb: {  	s3 =	sand.u32 $0x4000, s31;
	s1 =	sadd.s32 s1, s30  }
0xbc: {  	s0 =	sor.u32 s3, s0;
	s1 =	sshll.u32 s1, $0x11  }
0xbd: {  	s0 =	sor.u32 s1, s0  }
0xbe: {  	s0 =	sadd.s32 $0x8F2B, s0  }
0xbf: {  	[sflag:s0] =	ssyncadd.remote.s32 $0x1  }
0xc0: {  	_ =	sfence.sel $0xFFFF  }
0xc1: {  	[dreg:$0x0] =	wrdreg $0xFFFFFFFF;
	(pc) =	sbr.abs _section_cstart, $3  }
0xc2: {  	[dreg:$0x1] =	wrdreg $0xFFFFFFFF  }
0xc3: {  	_ =	task.clear_ibuf [dreg:s8], $0x2FFFF;
	_ =	strace $0x9FFFFFFF  }
0xc4: {  	(tm) =	ssettm $0x7FFFFFFF  }
0xc5: {  	_ =	shalt  }
tec
execute0_lowered:
.L_overlay_start_1:
0x0: {  	(tag) =	ssettag $0x1  }
0x1: {  	s1 =	rddreg [dreg:$0x0]  }
0x2: {  	s3 =	rddreg [dreg:$0x1]  }
0x3: {  	s0 =	rddreg [dreg:$0x2];
	s2 =	simm.s32 $0x0  }
0x4: {  	s4 =	srdreg.scid;
	s14 =	stileid.u32;
	s28 =	simm.s32 $0x800  }
0x5: {  	s29 =	simm.s32 $0x4000;
	s31 =	simm.s32 $0x2;
	[smem:$0x7FF] =	sst s2  }
0x6: {  	s4 =	sand.u32 $0x1, s4;
	s5 =	sshll.u32 s14, $0x1;
	s6 =	sadd.s32 $0x400, s3  }
0x7: {  	s7 =	sshll.u32 s14, $0xF;
	s3 =	sadd.s32 $0x600, s3;
	s22 =	sshll.u32 s14, $0xA  }
0x8: {  	_ =	strace $0x80000047;
	s5 =	sor.u32 s4, s5;
	[dreg:$0x4] =	wrdreg s6  }
0x9: {  	[dreg:$0x5] =	wrdreg s3;
	s24 =	sand.u32 $0x60000, s7;
	s4 =	ssub.s32 $0x2, s4  }
0xa: {  	s23 =	sand.u32 $0x7, s5;
	s9 =	sor.u32 $0x80000, s24;
	s10 =	sshrl.u32 s4, $0x1  }
0xb: {  	s30 =	sor.u32 $0x100000, s24;
	s12 =	sor.u32 $0x180000, s24;
	s19 =	sor.u32 $0x200000, s24  }
0xc: {  	s3 =	sor.u32 $0x280000, s24;
	s5 =	sshll.u32 s5, $0x9;
	s25 =	sshll.u32 s23, $0xE  }
0xd: {  	s4 =	ssub.s32 s4, s10;
	s6 =	sshll.u32 s23, $0xB;
	s5 =	sand.u32 $0x600, s5  }
0xe: {  	s8 =	sor.u32 s24, s25;
	s11 =	sor.u32 s9, s25;
	s15 =	sor.u32 s30, s25  }
0xf: {  	s16 =	sor.u32 s24, s6;
	s13 =	sor.u32 s12, s25;
	s9 =	sor.u32 s9, s6  }
0x10: {  	s20 =	sor.u32 s19, s25;
	s7 =	sor.u32 s3, s25;
	s23 =	sor.u32 s12, s6  }
0x11: {  	s25 =	sor.u32 s19, s6;
	s3 =	sor.u32 s3, s6;
	s8 =	sshrl.u32 s8, $0x3  }
0x12: {  	s26 =	sshrl.u32 s11, $0x3;
	s10 =	sshrl.u32 s15, $0x3;
	s8 =	sadd.s32 s1, s8  }
0x13: {  	s11 =	sshrl.u32 s16, $0x3;
	s10 =	sadd.s32 s1, s10;
	[dreg:$0x6] =	wrdreg s8  }
0x14: {  	s9 =	sshrl.u32 s9, $0x3;
	s17 =	sadd.s32 s0, s11;
	[dreg:$0x8] =	wrdreg s10  }
0x15: {  	s7 =	sshrl.u32 s7, $0x3;
	s9 =	sadd.s32 s0, s9;
	[dreg:$0x9] =	wrdreg s17  }
0x16: {  	s18 =	sshrl.u32 s13, $0x3;
	s7 =	sadd.s32 s1, s7;
	[dreg:$0xb] =	wrdreg s9  }
0x17: {  	s21 =	sshrl.u32 s20, $0x3;
	s8 =	sadd.s32 s1, s26;
	[dreg:$0xe] =	wrdreg s7  }
0x18: {  	s3 =	sshrl.u32 s3, $0x3;
	s10 =	sadd.s32 s1, s18;
	[dreg:$0x7] =	wrdreg s8  }
0x19: {  	v0 =	vimm.s32 $0xFC9630;
	s9 =	sadd.s32 s1, s21;
	s26 =	sadd.s32 s0, s3;
	[dreg:$0xa] =	wrdreg s10  }
0x1a: {  	v1 =	vimm.s32 $0xDA741;
	vm0 =	vcmask $0x1700;
	v0 =	vunpack.c.l.s4.s8 v0;
	s7 =	simm.s32 $0x0;
	s8 =	sor.u32 s30, s6;
	[dreg:$0xc] =	wrdreg s9  }
0x1b: {  	v2 =	vimm.s32 $0xEB852;
	v4 =	vimm.s32 $0x131000;
	v1 =	vunpack.c.l.s4.s8 v1;
	s9 =	sshrl.u32 s23, $0x3;
	[dreg:$0x12] =	wrdreg s26;
	s8 =	sshrl.u32 s8, $0x3  }
0x1c: {  	v5 =	vimm.s32 $0x141100;
	v2 =	vunpack.c.l.s4.s8 v2;
	v0 =	vunpack.c.0.s8.s32 v0;
	s30 =	smax.u32 s4, $0x1;
	s26 =	simm.s32 $0x100;
	s8 =	sadd.s32 s0, s8  }
0x1d: {  	vm1 =	vcmask $0x2314;
	v4 =	vunpack.c.0.s8.s32 v4;
	v3 =	vunpack.c.0.s8.s32 v1;
	s4 =	simm.s32 $0x4;
	[dreg:$0xd] =	wrdreg s8;
	s8 =	sand.u32 $0x3800, s22  }
0x1e: {  	v5 =	vunpack.c.0.s8.s32 v5;
	v2 =	vunpack.c.0.s8.s32 v2;
	v0 =	vand.u32 $0xF, v0;
	s24 =	sadd.s32 s0, s9;
	[dreg:$0x13] =	wrdreg s30;
	s5 =	sor.u32 s5, s8  }
0x1f: {  	v3 =	vand.u32 $0xF, v3;
	v0 =	vnsel vm0, $0x0, v0;
	vm0 =	vcmask $0x1B18;
	s6 =	simm.s32 $0x6;
	[dreg:$0xf] =	wrdreg s24;
	s1 =	sadd.s32 s5, s1  }
0x20: {  	v2 =	vand.u32 $0xF, v2;
	v0 =	vsel vm0, $0x12, v0;
	vm0 =	vcmask $0x1300;
	s22 =	simm.s32 $0x7;
	s5 =	sshrl.u32 s5, $0x3;
	s1 =	sadd.s32 $0x60000, s1  }
0x21: {  	v1 =	vimm.s32 $0x1;
	v3 =	vnsel vm0, $0x0, v3;
	v6 =	vnsel vm0, $0x0, v2;
	[dreg:$0x10] =	wrdreg s1;
	s1 =	sshrl.u32 s25, $0x3;
	s25 =	simm.s32 $0x1  }
0x22: {  	vm0 =	vmmov $0x7f;
	v2 =	vsel vm1, v4, v3;
	v3 =	vimm.s32 $0x2;
	s1 =	sadd.s32 s0, s1;
	s0 =	sadd.s32 s5, s0;
	s5 =	simm.s32 $0x5  }
0x23: {  	v4 =	vsel vm1, v5, v6;
	v5 =	vimm.s32 $0x3;
	v6 =	vimm.s32 $0x4;
	[dreg:$0x11] =	wrdreg s1;
	s18 =	sadd.s32 $0x60000, s0;
	s1 =	simm.s32 $0x3  }
.LBB2_1:
0x24: {  	s0 =	rddreg [dreg:$0x6];
	s3 =	simm.s32 $0x180  }
0x25: {  	[tilespmem:s3], [sflag:$0x1] =	stream.linear.gather [hbm4b:s0+s2], $0x4000, $0x38;
	[tilespmem:$0x18180] =	vst v63  }
0x26: {  	s9 =	rddreg [dreg:$0x7];
	s10 =	simm.s32 $0x4180  }
0x27: {  	[tilespmem:s10], [sflag:$0x2] =	stream.linear.gather [hbm4b:s9+s2], $0x4000, $0x38;
	[tilespmem:$0x18180] =	vst v63  }
0x28: {  	s11 =	rddreg [dreg:$0x4]  }
0x29: {  	[tilespmem:s2], [sflag:$0x7] =	stream.linear.gather [hbm4b:s11+s2], $0x80, $0x38;
	[tilespmem:$0x18180] =	vst v63  }
0x2a: {  	_ =	swait.ge [sflag:s22], $0x80  }
0x2b: {  	[sflag:s22] =	ssyncset.done $0x0  }
0x2c: {  	s13 =	simm.s32 $0x80;
	s12 =	rddreg [dreg:$0x5];
	[sflag:s22] =	ssyncadd.s32 $0xFFFFFF80  }
0x2d: {  	[tilespmem:s13], [sflag:$0x7] =	stream.linear.gather [hbm4b:s12+s2], $0x80, $0x38;
	[tilespmem:$0x18180] =	vst v63  }
0x2e: {  	_ =	swait.ge [sflag:s22], $0x80  }
0x2f: {  	[sflag:s22] =	ssyncset.done $0x0  }
0x30: {  	[sflag:s22] =	ssyncadd.s32 $0xFFFFFF80  }
0x31: {  	v7 =	vld.idx.msk [tilespmem:v0+s2+$0x0], $0xffff  }
0x32: {  	v8 =	vld.idx.msk [tilespmem:v1+s13+$0x0], $0xffff  }
0x33: {  	v9 =	vld.idx.msk [tilespmem:v2+s2+$0x0], $0xffff  }
0x34: {  	v10 =	vld.idx.msk [tilespmem:v3+s13+$0x0], $0xffff  }
0x35: {  	v11 =	vld.idx.msk [tilespmem:v4+s2+$0x0], $0xffff  }
0x36: {  	v12 =	vld.idx.msk [tilespmem:v5+s13+$0x0], $0xffff;
	_ =	sdelay $0x2  }
0x37: {  	v7 =	vmul.f32 v8, v7;
	v8 =	vmul.f32 v10, v9  }
0x38: {  	v9 =	vld.idx.msk [tilespmem:v6+s13+$0x0], $0xffff  }
0x39: {  	v7 =	vadd.f32 v8, v7;
	v8 =	vmul.f32 v12, v11;
	_ =	sdelay $0x1  }
0x3a: {  	v7 =	vadd.f32 v8, v7;
	_ =	sdelay $0x1  }
0x3b: {  	v7 =	vadd.f32 v7, v9;
	_ =	sdelay $0x1  }
0x3c: {  	v7 =	vsub.f32 $0.0e+00, v7;
	_ =	sdelay $0x1  }
0x3d: {  	v7 =	vmul.f32 $1.442695020e+00, v7;
	_ =	sdelay $0x1  }
0x3e: {  	(erf) = vpow2.f32 v7;
	_ =	sdelay $0x8  }
0x3f: {  	v7 =	vpop (erf)  }
0x40: {  	v7 =	vadd.f32 $1.000000000e+00, v7;
	_ =	sdelay $0x1  }
0x41: {  	(erf) = vrcp.f32 v7;
	_ =	sdelay $0x8  }
0x42: {  	v7 =	vpop (erf)  }
0x43: {  	v7 =	vnsel vm0, $0x0, v7  }
0x44: {  	s15 =	simm.s32 $0x8180;
	s14 =	rddreg [dreg:$0x8];
	[tilespmem:$0x100] =	vst v7  }
0x45: {  	[tilespmem:s15], [sflag:$0x3] =	stream.linear.gather [hbm4b:s14+s2], $0x4000, $0x38;
	[tilespmem:$0x18180] =	vst v63  }
0x46: {  	s16 =	simm.s32 $0x0;
	_ =	swait.ge [sflag:s25], $0x4000  }
0x47: {  	s17 =	sand.u32 $0x70, s2;
	s0 =	sand.u32 $0x3FFFFC00, s16;
	[sflag:s25] =	ssyncset.done $0x0  }
0x48: {  	s16 =	sor.u32 s17, s0;
	[sflag:s25] =	ssyncadd.s32 $0xFFFFC000  }
0x49: {  	v7 =	vld [tilespmem:s16+$0x180];
	_ =	sdelay $0x7  }
0x4a: {  	v7 =	vld.idx.msk [tilespmem:v7+s26+$0x0], $0xffff;
	_ =	sdelay $0x1  }
0x4b: {  	s19 =	simm.s32 $0x0  }
0x4c: {  	s0 =	sand.u32 $0x3FFFFF80, s19  }
0x4d: {  	s9 =	simm.s32 $0x10;
	s10 =	simm.s32 $0x80;
	s8 =	sor.u32 s17, s0  }
0x4e: {  	s20 =	sand.u32 $0x70, s9;
	s21 =	sand.u32 $0x3FFFFC00, s10;
	[tilespmem:s8+$0xC180] =	vst v7  }
0x4f: {  	s21 =	sor.u32 s20, s21;
	v7 =	vld [tilespmem:s16+$0x200]  }
0x50: {  	v8 =	vld [tilespmem:s21+$0x180];
	_ =	sdelay $0x6  }
0x51: {  	v7 =	vld.idx.msk [tilespmem:v7+s26+$0x0], $0xffff  }
0x52: {  	v8 =	vld.idx.msk [tilespmem:v8+s26+$0x0], $0xffff;
	_ =	sdelay $0x1  }
0x53: {  	s23 =	simm.s32 $0x10  }
0x54: {  	s3 =	sand.u32 $0x3FFFFF80, s23  }
0x55: {  	s24 =	simm.s32 $0x20;
	s11 =	simm.s32 $0x100;
	s9 =	sor.u32 s20, s3;
	[tilespmem:s8+$0xC980] =	vst v7  }
0x56: {  	s10 =	sand.u32 $0x70, s24;
	s14 =	sand.u32 $0x3FFFFC00, s11;
	[tilespmem:s9+$0xC180] =	vst v8;
	v7 =	vld [tilespmem:s16+$0x280]  }
0x57: {  	s11 =	sor.u32 s10, s14;
	v8 =	vld [tilespmem:s21+$0x200]  }
0x58: {  	v9 =	vld [tilespmem:s11+$0x180];
	_ =	sdelay $0x5  }
0x59: {  	v7 =	vld.idx.msk [tilespmem:v7+s26+$0x0], $0xffff  }
0x5a: {  	v8 =	vld.idx.msk [tilespmem:v8+s26+$0x0], $0xffff  }
0x5b: {  	v9 =	vld.idx.msk [tilespmem:v9+s26+$0x0], $0xffff;
	_ =	sdelay $0x1  }
0x5c: {  	s15 =	simm.s32 $0x20  }
0x5d: {  	s3 =	sand.u32 $0x3FFFFF80, s15;
	[tilespmem:s8+$0xD180] =	vst v7  }
0x5e: {  	s12 =	simm.s32 $0x30;
	s13 =	simm.s32 $0x180;
	s10 =	sor.u32 s10, s3;
	[tilespmem:s9+$0xC980] =	vst v8;
	v7 =	vld [tilespmem:s16+$0x300]  }
0x5f: {  	s17 =	sand.u32 $0x70, s12;
	s19 =	sand.u32 $0x3FFFFC00, s13;
	[tilespmem:s10+$0xC180] =	vst v9;
	v8 =	vld [tilespmem:s21+$0x280]  }
0x60: {  	s24 =	sor.u32 s17, s19;
	v9 =	vld [tilespmem:s11+$0x200]  }
0x61: {  	v10 =	vld [tilespmem:s24+$0x180];
	_ =	sdelay $0x4  }
0x62: {  	v7 =	vld.idx.msk [tilespmem:v7+s26+$0x0], $0xffff  }
0x63: {  	v8 =	vld.idx.msk [tilespmem:v8+s26+$0x0], $0xffff  }
0x64: {  	v9 =	vld.idx.msk [tilespmem:v9+s26+$0x0], $0xffff  }
0x65: {  	v10 =	vld.idx.msk [tilespmem:v10+s26+$0x0], $0xffff;
	_ =	sdelay $0x1  }
0x66: {  	s20 =	simm.s32 $0x30;
	[tilespmem:s8+$0xD980] =	vst v7  }
0x67: {  	s3 =	sand.u32 $0x3FFFFF80, s20;
	[tilespmem:s9+$0xD180] =	vst v8;
	v7 =	vld [tilespmem:s16+$0x380]  }
0x68: {  	s23 =	simm.s32 $0x40;
	s14 =	simm.s32 $0x200;
	s12 =	sor.u32 s17, s3;
	[tilespmem:s10+$0xC980] =	vst v9;
	v8 =	vld [tilespmem:s21+$0x300]  }
0x69: {  	s13 =	sand.u32 $0x70, s23;
	s15 =	sand.u32 $0x3FFFFC00, s14;
	[tilespmem:s12+$0xC180] =	vst v10;
	v9 =	vld [tilespmem:s11+$0x280]  }
0x6a: {  	s14 =	sor.u32 s13, s15;
	v10 =	vld [tilespmem:s24+$0x200]  }
0x6b: {  	v11 =	vld [tilespmem:s14+$0x180];
	_ =	sdelay $0x3  }
0x6c: {  	v7 =	vld.idx.msk [tilespmem:v7+s26+$0x0], $0xffff  }
0x6d: {  	s17 =	simm.s32 $0x40;
	v8 =	vld.idx.msk [tilespmem:v8+s26+$0x0], $0xffff  }
0x6e: {  	s15 =	simm.s32 $0x50;
	s3 =	sand.u32 $0x3FFFFF80, s17;
	s17 =	simm.s32 $0x280;
	v9 =	vld.idx.msk [tilespmem:v9+s26+$0x0], $0xffff  }
0x6f: {  	s0 =	sand.u32 $0x70, s15;
	s19 =	sand.u32 $0x3FFFFC00, s17;
	v10 =	vld.idx.msk [tilespmem:v10+s26+$0x0], $0xffff  }
0x70: {  	s15 =	sor.u32 s0, s19;
	v11 =	vld.idx.msk [tilespmem:v11+s26+$0x0], $0xffff  }
0x71: {  	v12 =	vld [tilespmem:s15+$0x180];
	[tilespmem:s8+$0xE180] =	vst v7  }
0x72: {  	[tilespmem:s9+$0xD980] =	vst v8;
	v7 =	vld [tilespmem:s16+$0x400]  }
0x73: {  	[tilespmem:s10+$0xD180] =	vst v9;
	v8 =	vld [tilespmem:s21+$0x380]  }
0x74: {  	s13 =	sor.u32 s13, s3;
	[tilespmem:s12+$0xC980] =	vst v10;
	v9 =	vld [tilespmem:s11+$0x300]  }
0x75: {  	[tilespmem:s13+$0xC180] =	vst v11;
	v10 =	vld [tilespmem:s24+$0x280]  }
0x76: {  	v11 =	vld [tilespmem:s14+$0x200];
	_ =	sdelay $0x2  }
0x77: {  	v12 =	vld.idx.msk [tilespmem:v12+s26+$0x0], $0xffff  }
0x78: {  	v7 =	vld.idx.msk [tilespmem:v7+s26+$0x0], $0xffff  }
0x79: {  	s20 =	simm.s32 $0x50;
	v8 =	vld.idx.msk [tilespmem:v8+s26+$0x0], $0xffff  }
0x7a: {  	s3 =	sand.u32 $0x3FFFFF80, s20;
	v9 =	vld.idx.msk [tilespmem:v9+s26+$0x0], $0xffff  }
0x7b: {  	s0 =	sor.u32 s0, s3;
	v10 =	vld.idx.msk [tilespmem:v10+s26+$0x0], $0xffff  }
0x7c: {  	[tilespmem:s0+$0xC180] =	vst v12;
	v11 =	vld.idx.msk [tilespmem:v11+s26+$0x0], $0xffff  }
0x7d: {  	v12 =	vld [tilespmem:s15+$0x200];
	[tilespmem:s8+$0xE980] =	vst v7  }
0x7e: {  	[tilespmem:s9+$0xE180] =	vst v8;
	v7 =	vld [tilespmem:s16+$0x480]  }
0x7f: {  	[tilespmem:s10+$0xD980] =	vst v9;
	v8 =	vld [tilespmem:s21+$0x400]  }
0x80: {  	s23 =	simm.s32 $0x60;
	s19 =	simm.s32 $0x300;
	[tilespmem:s12+$0xD180] =	vst v10;
	v9 =	vld [tilespmem:s11+$0x380]  }
0x81: {  	s20 =	sand.u32 $0x70, s23;
	s19 =	sand.u32 $0x3FFFFC00, s19;
	[tilespmem:s13+$0xC980] =	vst v11;
	v10 =	vld [tilespmem:s24+$0x300]  }
0x82: {  	s3 =	sor.u32 s20, s19;
	v11 =	vld [tilespmem:s14+$0x280]  }
0x83: {  	v13 =	vld [tilespmem:s3+$0x180];
	_ =	sdelay $0x1  }
0x84: {  	v12 =	vld.idx.msk [tilespmem:v12+s26+$0x0], $0xffff  }
0x85: {  	v7 =	vld.idx.msk [tilespmem:v7+s26+$0x0], $0xffff  }
0x86: {  	v8 =	vld.idx.msk [tilespmem:v8+s26+$0x0], $0xffff  }
0x87: {  	v9 =	vld.idx.msk [tilespmem:v9+s26+$0x0], $0xffff  }
0x88: {  	v10 =	vld.idx.msk [tilespmem:v10+s26+$0x0], $0xffff  }
0x89: {  	v14 =	vld.idx.msk [tilespmem:v11+s26+$0x0], $0xffff  }
0x8a: {  	v11 =	vld.idx.msk [tilespmem:v13+s26+$0x0], $0xffff;
	[tilespmem:s8+$0xF180] =	vst v7  }
0x8b: {  	[tilespmem:s9+$0xE980] =	vst v8;
	v7 =	vld [tilespmem:s16+$0x500]  }
0x8c: {  	[tilespmem:s10+$0xE180] =	vst v9;
	v8 =	vld [tilespmem:s21+$0x480]  }
0x8d: {  	s23 =	simm.s32 $0x60;
	[tilespmem:s12+$0xD980] =	vst v10;
	v9 =	vld [tilespmem:s11+$0x400]  }
0x8e: {  	s30 =	simm.s32 $0x380;
	s17 =	simm.s32 $0x7;
	[tilespmem:s13+$0xD180] =	vst v14;
	v10 =	vld [tilespmem:s24+$0x380];
	s16 =	sand.u32 $0x3FFFFF80, s23  }
0x8f: {  	s19 =	simm.s32 $0x70;
	[tilespmem:s0+$0xC980] =	vst v12;
	v12 =	vld [tilespmem:s14+$0x300];
	s16 =	sor.u32 s20, s16;
	s20 =	simm.s32 $0x8  }
.LBB2_2:
0x90: {  	p0 =	sne.s32 s20, $0x7F;
	s23 =	sand.u32 $0x70, s19;
	s30 =	sand.u32 $0x3FFFFC00, s30;
	[tilespmem:s16+$0xC180] =	vst v11;
	v11 =	vld [tilespmem:s15+$0x280]  }
0x91: {  	s30 =	sor.u32 s23, s30;
	v13 =	vld [tilespmem:s3+$0x200]  }
0x92: {  	v14 =	vld [tilespmem:s30+$0x180]  }
0x93: {  	v7 =	vld.idx.msk [tilespmem:v7+s26+$0x0], $0xffff  }
0x94: {  	v8 =	vld.idx.msk [tilespmem:v8+s26+$0x0], $0xffff  }
0x95: {  	v9 =	vld.idx.msk [tilespmem:v9+s26+$0x0], $0xffff  }
0x96: {  	v10 =	vld.idx.msk [tilespmem:v10+s26+$0x0], $0xffff  }
0x97: {  	v12 =	vld.idx.msk [tilespmem:v12+s26+$0x0], $0xffff  }
0x98: {  	v15 =	vld.idx.msk [tilespmem:v11+s26+$0x0], $0xffff  }
0x99: {  	v13 =	vld.idx.msk [tilespmem:v13+s26+$0x0], $0xffff;
	[tilespmem:s8+$0xF980] =	vst v7;
	s8 =	smov.u32 s9;
	s9 =	smov.u32 s10;
	s10 =	smov.u32 s12  }
0x9a: {  	s12 =	smov.u32 s13;
	s13 =	smov.u32 s0;
	s0 =	smov.u32 s16;
	v11 =	vld.idx.msk [tilespmem:v14+s26+$0x0], $0xffff;
	[tilespmem:s8+$0xF180] =	vst v8  }
.Ltmp0:
0x9b: {  	[tilespmem:s9+$0xE980] =	vst v9;
	v7 =	vld [tilespmem:s21+$0x500];
	s21 =	smov.u32 s11;
	s11 =	smov.u32 s24;
	(pc) =	sbr.rel @p0 .LBB2_2-.Ltmp0, $4  }
0x9c: {  	s24 =	smov.u32 s14;
	s14 =	smov.u32 s15;
	s15 =	smov.u32 s3;
	[tilespmem:s10+$0xE180] =	vst v10;
	v8 =	vld [tilespmem:s21+$0x480]  }
0x9d: {  	s16 =	sshll.u32 s17, $0x4;
	s17 =	smov.u32 s20;
	s3 =	smov.u32 s30;
	[tilespmem:s12+$0xD980] =	vst v12;
	v9 =	vld [tilespmem:s11+$0x400]  }
0x9e: {  	s19 =	sadd.s32 $0x10, s19;
	s16 =	sand.u32 $0x3FFFFF80, s16;
	[tilespmem:s13+$0xD180] =	vst v15;
	v10 =	vld [tilespmem:s24+$0x380]  }
0x9f: {  	s20 =	sadd.s32 $0x1, s20;
	s30 =	sshll.u32 s17, $0x7;
	s16 =	sor.u32 s23, s16;
	[tilespmem:s0+$0xC980] =	vst v13;
	v12 =	vld [tilespmem:s14+$0x300]  }
0xa0: {  	s20 =	sand.u32 $0x70, s19;
	s23 =	sand.u32 $0x3FFFFC00, s30  }
0xa1: {  	s19 =	sor.u32 s20, s23  }
0xa2: {  	v13 =	vld [tilespmem:s19+$0x180];
	_ =	sdelay $0x7  }
0xa3: {  	v13 =	vld.idx.msk [tilespmem:v13+s26+$0x0], $0xffff;
	_ =	sdelay $0x1  }
0xa4: {  	s17 =	sshll.u32 s17, $0x4  }
0xa5: {  	[tilespmem:s16+$0xC180] =	vst v11;
	s17 =	sand.u32 $0x3FFFFF80, s17  }
0xa6: {  	v11 =	vld [tilespmem:s3+$0x200];
	s17 =	sor.u32 s20, s17  }
0xa7: {  	[tilespmem:s17+$0xC180] =	vst v13  }
0xa8: {  	v13 =	vld [tilespmem:s19+$0x200];
	_ =	sdelay $0x5  }
0xa9: {  	v11 =	vld.idx.msk [tilespmem:v11+s26+$0x0], $0xffff;
	_ =	sdelay $0x1  }
0xaa: {  	v13 =	vld.idx.msk [tilespmem:v13+s26+$0x0], $0xffff;
	_ =	sdelay $0x2  }
0xab: {  	v14 =	vld [tilespmem:s15+$0x280];
	[tilespmem:s16+$0xC980] =	vst v11  }
0xac: {  	v11 =	vld [tilespmem:s3+$0x280]  }
0xad: {  	[tilespmem:s17+$0xC980] =	vst v13  }
0xae: {  	v13 =	vld [tilespmem:s19+$0x280];
	_ =	sdelay $0x4  }
0xaf: {  	v14 =	vld.idx.msk [tilespmem:v14+s26+$0x0], $0xffff  }
0xb0: {  	v11 =	vld.idx.msk [tilespmem:v11+s26+$0x0], $0xffff;
	_ =	sdelay $0x1  }
0xb1: {  	v13 =	vld.idx.msk [tilespmem:v13+s26+$0x0], $0xffff;
	_ =	sdelay $0x1  }
0xb2: {  	[tilespmem:s0+$0xD180] =	vst v14  }
0xb3: {  	v14 =	vld [tilespmem:s15+$0x300];
	[tilespmem:s16+$0xD180] =	vst v11  }
0xb4: {  	v11 =	vld [tilespmem:s3+$0x300]  }
0xb5: {  	[tilespmem:s17+$0xD180] =	vst v13  }
0xb6: {  	v13 =	vld [tilespmem:s19+$0x300];
	_ =	sdelay $0x3  }
0xb7: {  	v12 =	vld.idx.msk [tilespmem:v12+s26+$0x0], $0xffff  }
0xb8: {  	v14 =	vld.idx.msk [tilespmem:v14+s26+$0x0], $0xffff  }
0xb9: {  	v11 =	vld.idx.msk [tilespmem:v11+s26+$0x0], $0xffff;
	_ =	sdelay $0x1  }
0xba: {  	v13 =	vld.idx.msk [tilespmem:v13+s26+$0x0], $0xffff  }
0xbb: {  	[tilespmem:s13+$0xD980] =	vst v12  }
0xbc: {  	v12 =	vld [tilespmem:s14+$0x380];
	[tilespmem:s0+$0xD980] =	vst v14  }
0xbd: {  	v14 =	vld [tilespmem:s15+$0x380];
	[tilespmem:s16+$0xD980] =	vst v11  }
0xbe: {  	v11 =	vld [tilespmem:s3+$0x380]  }
0xbf: {  	[tilespmem:s17+$0xD980] =	vst v13  }
0xc0: {  	v13 =	vld [tilespmem:s19+$0x380];
	_ =	sdelay $0x2  }
0xc1: {  	v10 =	vld.idx.msk [tilespmem:v10+s26+$0x0], $0xffff  }
0xc2: {  	v12 =	vld.idx.msk [tilespmem:v12+s26+$0x0], $0xffff  }
0xc3: {  	v14 =	vld.idx.msk [tilespmem:v14+s26+$0x0], $0xffff  }
0xc4: {  	v11 =	vld.idx.msk [tilespmem:v11+s26+$0x0], $0xffff;
	_ =	sdelay $0x1  }
0xc5: {  	[tilespmem:s12+$0xE180] =	vst v10;
	v13 =	vld.idx.msk [tilespmem:v13+s26+$0x0], $0xffff  }
0xc6: {  	v10 =	vld [tilespmem:s24+$0x400];
	[tilespmem:s13+$0xE180] =	vst v12  }
0xc7: {  	v12 =	vld [tilespmem:s14+$0x400];
	[tilespmem:s0+$0xE180] =	vst v14  }
0xc8: {  	v14 =	vld [tilespmem:s15+$0x400];
	[tilespmem:s16+$0xE180] =	vst v11  }
0xc9: {  	v11 =	vld [tilespmem:s3+$0x400]  }
0xca: {  	[tilespmem:s17+$0xE180] =	vst v13  }
0xcb: {  	v13 =	vld [tilespmem:s19+$0x400];
	_ =	sdelay $0x1  }
0xcc: {  	v9 =	vld.idx.msk [tilespmem:v9+s26+$0x0], $0xffff  }
0xcd: {  	v10 =	vld.idx.msk [tilespmem:v10+s26+$0x0], $0xffff  }
0xce: {  	v12 =	vld.idx.msk [tilespmem:v12+s26+$0x0], $0xffff  }
0xcf: {  	v14 =	vld.idx.msk [tilespmem:v14+s26+$0x0], $0xffff  }
0xd0: {  	v11 =	vld.idx.msk [tilespmem:v11+s26+$0x0], $0xffff  }
0xd1: {  	v8 =	vld.idx.msk [tilespmem:v8+s26+$0x0], $0xffff;
	[tilespmem:s10+$0xE980] =	vst v9  }
0xd2: {  	[tilespmem:s12+$0xE980] =	vst v10;
	v9 =	vld.idx.msk [tilespmem:v13+s26+$0x0], $0xffff  }
0xd3: {  	v10 =	vld [tilespmem:s24+$0x480];
	[tilespmem:s13+$0xE980] =	vst v12  }
0xd4: {  	v12 =	vld [tilespmem:s14+$0x480];
	[tilespmem:s0+$0xE980] =	vst v14  }
0xd5: {  	v14 =	vld [tilespmem:s15+$0x480];
	[tilespmem:s16+$0xE980] =	vst v11  }
0xd6: {  	v11 =	vld [tilespmem:s3+$0x480]  }
0xd7: {  	v13 =	vld [tilespmem:s11+$0x480];
	[tilespmem:s17+$0xE980] =	vst v9  }
0xd8: {  	v9 =	vld [tilespmem:s19+$0x480]  }
0xd9: {  	v7 =	vld.idx.msk [tilespmem:v7+s26+$0x0], $0xffff;
	[tilespmem:s9+$0xF180] =	vst v8  }
0xda: {  	v8 =	vld [tilespmem:s21+$0x500]  }
0xdb: {  	v10 =	vld.idx.msk [tilespmem:v10+s26+$0x0], $0xffff  }
0xdc: {  	v12 =	vld.idx.msk [tilespmem:v12+s26+$0x0], $0xffff  }
0xdd: {  	v14 =	vld.idx.msk [tilespmem:v14+s26+$0x0], $0xffff  }
0xde: {  	v11 =	vld.idx.msk [tilespmem:v11+s26+$0x0], $0xffff  }
0xdf: {  	v13 =	vld.idx.msk [tilespmem:v13+s26+$0x0], $0xffff  }
0xe0: {  	[tilespmem:s12+$0xF180] =	vst v10;
	v9 =	vld.idx.msk [tilespmem:v9+s26+$0x0], $0xffff  }
0xe1: {  	v10 =	vld [tilespmem:s24+$0x500];
	[tilespmem:s13+$0xF180] =	vst v12  }
0xe2: {  	v12 =	vld [tilespmem:s14+$0x500];
	[tilespmem:s0+$0xF180] =	vst v14  }
0xe3: {  	v14 =	vld [tilespmem:s15+$0x500];
	[tilespmem:s16+$0xF180] =	vst v11  }
0xe4: {  	v11 =	vld [tilespmem:s3+$0x500];
	[tilespmem:s10+$0xF180] =	vst v13  }
0xe5: {  	v13 =	vld [tilespmem:s11+$0x500];
	[tilespmem:s17+$0xF180] =	vst v9  }
0xe6: {  	v9 =	vld [tilespmem:s19+$0x500]  }
0xe7: {  	v8 =	vld.idx.msk [tilespmem:v8+s26+$0x0], $0xffff;
	_ =	sdelay $0x1  }
0xe8: {  	v10 =	vld.idx.msk [tilespmem:v10+s26+$0x0], $0xffff  }
0xe9: {  	v12 =	vld.idx.msk [tilespmem:v12+s26+$0x0], $0xffff  }
0xea: {  	[tilespmem:s8+$0xF980] =	vst v7;
	v7 =	vld.idx.msk [tilespmem:v14+s26+$0x0], $0xffff  }
0xeb: {  	[tilespmem:s9+$0xF980] =	vst v8;
	v8 =	vld.idx.msk [tilespmem:v11+s26+$0x0], $0xffff  }
0xec: {  	v13 =	vld.idx.msk [tilespmem:v13+s26+$0x0], $0xffff  }
0xed: {  	[tilespmem:s12+$0xF980] =	vst v10;
	v9 =	vld.idx.msk [tilespmem:v9+s26+$0x0], $0xffff  }
0xee: {  	[tilespmem:s13+$0xF980] =	vst v12  }
0xef: {  	[tilespmem:s0+$0xF980] =	vst v7  }
0xf0: {  	[tilespmem:s16+$0xF980] =	vst v8  }
0xf1: {  	[tilespmem:s10+$0xF980] =	vst v13  }
0xf2: {  	[tilespmem:s17+$0xF980] =	vst v9  }
0xf3: {  	s8 =	simm.s32 $0xC180;
	s0 =	rddreg [dreg:$0x9]  }
0xf4: {  	[hbm4b:s0+s28] =	stream.strided.scatter [tilespmem:s8], [sflag:$0x4], $0x4000, s29, s28, $0x38;
	[tilespmem:$0x18180] =	vst v63  }
0xf5: {  	s9 =	simm.s32 $0x0;
	s11 =	simm.s32 $0x180;
	s10 =	rddreg [dreg:$0xa]  }
0xf6: {  	[tilespmem:s11], [sflag:$0x1] =	stream.linear.gather [hbm4b:s10+s9], $0x4000, $0x38;
	[tilespmem:$0x18180] =	vst v63  }
0xf7: {  	s12 =	simm.s32 $0x0;
	_ =	swait.ge [sflag:s31], $0x4000  }
0xf8: {  	s3 =	sand.u32 $0x3FFFFC00, s12;
	s0 =	sand.u32 $0x70, s9;
	[sflag:s31] =	ssyncset.done $0x0  }
0xf9: {  	s16 =	sor.u32 s0, s3;
	[sflag:s31] =	ssyncadd.s32 $0xFFFFC000  }
0xfa: {  	v7 =	vld [tilespmem:s16+$0x4180];
	_ =	sdelay $0x7  }
0xfb: {  	v7 =	vld.idx.msk [tilespmem:v7+s26+$0x0], $0xffff;
	_ =	sdelay $0x1  }
0xfc: {  	s13 =	simm.s32 $0x0  }
0xfd: {  	s3 =	sand.u32 $0x3FFFFF80, s13  }
0xfe: {  	s14 =	simm.s32 $0x10;
	s15 =	simm.s32 $0x80;
	s8 =	sor.u32 s0, s3  }
0xff: {  	s19 =	sand.u32 $0x3FFFFC00, s15;
	s17 =	sand.u32 $0x70, s14;
	[tilespmem:s8+$0x10180] =	vst v7  }
0x100: {  	s21 =	sor.u32 s17, s19;
	v7 =	vld [tilespmem:s16+$0x4200]  }
0x101: {  	v8 =	vld [tilespmem:s21+$0x4180];
	_ =	sdelay $0x6  }
0x102: {  	v7 =	vld.idx.msk [tilespmem:v7+s26+$0x0], $0xffff  }
0x103: {  	v8 =	vld.idx.msk [tilespmem:v8+s26+$0x0], $0xffff;
	_ =	sdelay $0x1  }
0x104: {  	s20 =	simm.s32 $0x10  }
0x105: {  	s3 =	sand.u32 $0x3FFFFF80, s20  }
0x106: {  	s23 =	simm.s32 $0x20;
	s24 =	simm.s32 $0x100;
	s9 =	sor.u32 s17, s3;
	[tilespmem:s8+$0x10980] =	vst v7  }
0x107: {  	s10 =	sand.u32 $0x70, s23;
	s11 =	sand.u32 $0x3FFFFC00, s24;
	[tilespmem:s9+$0x10180] =	vst v8;
	v7 =	vld [tilespmem:s16+$0x4280]  }
0x108: {  	s11 =	sor.u32 s10, s11;
	v8 =	vld [tilespmem:s21+$0x4200]  }
0x109: {  	v9 =	vld [tilespmem:s11+$0x4180];
	_ =	sdelay $0x5  }
0x10a: {  	v7 =	vld.idx.msk [tilespmem:v7+s26+$0x0], $0xffff  }
0x10b: {  	v8 =	vld.idx.msk [tilespmem:v8+s26+$0x0], $0xffff  }
0x10c: {  	v9 =	vld.idx.msk [tilespmem:v9+s26+$0x0], $0xffff;
	_ =	sdelay $0x1  }
0x10d: {  	s12 =	simm.s32 $0x20  }
0x10e: {  	s3 =	sand.u32 $0x3FFFFF80, s12;
	[tilespmem:s8+$0x11180] =	vst v7  }
0x10f: {  	s14 =	simm.s32 $0x180;
	s13 =	simm.s32 $0x30;
	s10 =	sor.u32 s10, s3;
	[tilespmem:s9+$0x10980] =	vst v8;
	v7 =	vld [tilespmem:s16+$0x4300]  }
0x110: {  	s15 =	sand.u32 $0x70, s13;
	s17 =	sand.u32 $0x3FFFFC00, s14;
	[tilespmem:s10+$0x10180] =	vst v9;
	v8 =	vld [tilespmem:s21+$0x4280]  }
0x111: {  	s24 =	sor.u32 s15, s17;
	v9 =	vld [tilespmem:s11+$0x4200]  }
0x112: {  	v10 =	vld [tilespmem:s24+$0x4180];
	_ =	sdelay $0x4  }
0x113: {  	v7 =	vld.idx.msk [tilespmem:v7+s26+$0x0], $0xffff  }
0x114: {  	v8 =	vld.idx.msk [tilespmem:v8+s26+$0x0], $0xffff  }
0x115: {  	v9 =	vld.idx.msk [tilespmem:v9+s26+$0x0], $0xffff  }
0x116: {  	v10 =	vld.idx.msk [tilespmem:v10+s26+$0x0], $0xffff;
	_ =	sdelay $0x1  }
0x117: {  	s19 =	simm.s32 $0x30;
	[tilespmem:s8+$0x11980] =	vst v7  }
0x118: {  	s3 =	sand.u32 $0x3FFFFF80, s19;
	[tilespmem:s9+$0x11180] =	vst v8;
	v7 =	vld [tilespmem:s16+$0x4380]  }
0x119: {  	s20 =	simm.s32 $0x40;
	s23 =	simm.s32 $0x200;
	s12 =	sor.u32 s15, s3;
	[tilespmem:s10+$0x10980] =	vst v9;
	v8 =	vld [tilespmem:s21+$0x4300]  }
0x11a: {  	s13 =	sand.u32 $0x70, s20;
	s15 =	sand.u32 $0x3FFFFC00, s23;
	[tilespmem:s12+$0x10180] =	vst v10;
	v9 =	vld [tilespmem:s11+$0x4280]  }
0x11b: {  	s14 =	sor.u32 s13, s15;
	v10 =	vld [tilespmem:s24+$0x4200]  }
0x11c: {  	v11 =	vld [tilespmem:s14+$0x4180];
	_ =	sdelay $0x3  }
0x11d: {  	v7 =	vld.idx.msk [tilespmem:v7+s26+$0x0], $0xffff  }
0x11e: {  	v8 =	vld.idx.msk [tilespmem:v8+s26+$0x0], $0xffff  }
0x11f: {  	s20 =	simm.s32 $0x280;
	s19 =	simm.s32 $0x50;
	v9 =	vld.idx.msk [tilespmem:v9+s26+$0x0], $0xffff  }
0x120: {  	s23 =	sand.u32 $0x70, s19;
	s15 =	sand.u32 $0x3FFFFC00, s20;
	v10 =	vld.idx.msk [tilespmem:v10+s26+$0x0], $0xffff  }
0x121: {  	s15 =	sor.u32 s23, s15;
	v11 =	vld.idx.msk [tilespmem:v11+s26+$0x0], $0xffff  }
0x122: {  	v12 =	vld [tilespmem:s15+$0x4180];
	[tilespmem:s8+$0x12180] =	vst v7  }
0x123: {  	s17 =	simm.s32 $0x40;
	[tilespmem:s9+$0x11980] =	vst v8;
	v7 =	vld [tilespmem:s16+$0x4400]  }
0x124: {  	s3 =	sand.u32 $0x3FFFFF80, s17;
	[tilespmem:s10+$0x11180] =	vst v9;
	v8 =	vld [tilespmem:s21+$0x4380]  }
0x125: {  	s13 =	sor.u32 s13, s3;
	[tilespmem:s12+$0x10980] =	vst v10;
	v9 =	vld [tilespmem:s11+$0x4300]  }
0x126: {  	[tilespmem:s13+$0x10180] =	vst v11;
	v10 =	vld [tilespmem:s24+$0x4280]  }
0x127: {  	v11 =	vld [tilespmem:s14+$0x4200];
	_ =	sdelay $0x2  }
0x128: {  	v12 =	vld.idx.msk [tilespmem:v12+s26+$0x0], $0xffff  }
0x129: {  	v7 =	vld.idx.msk [tilespmem:v7+s26+$0x0], $0xffff  }
0x12a: {  	s17 =	simm.s32 $0x50;
	v8 =	vld.idx.msk [tilespmem:v8+s26+$0x0], $0xffff  }
0x12b: {  	s3 =	sand.u32 $0x3FFFFF80, s17;
	v9 =	vld.idx.msk [tilespmem:v9+s26+$0x0], $0xffff  }
0x12c: {  	s0 =	sor.u32 s23, s3;
	v10 =	vld.idx.msk [tilespmem:v10+s26+$0x0], $0xffff  }
0x12d: {  	[tilespmem:s0+$0x10180] =	vst v12;
	v11 =	vld.idx.msk [tilespmem:v11+s26+$0x0], $0xffff  }
0x12e: {  	v12 =	vld [tilespmem:s15+$0x4200];
	[tilespmem:s8+$0x12980] =	vst v7  }
0x12f: {  	[tilespmem:s9+$0x12180] =	vst v8;
	v7 =	vld [tilespmem:s16+$0x4480]  }
0x130: {  	[tilespmem:s10+$0x11980] =	vst v9;
	v8 =	vld [tilespmem:s21+$0x4400]  }
0x131: {  	s19 =	simm.s32 $0x60;
	s20 =	simm.s32 $0x300;
	[tilespmem:s12+$0x11180] =	vst v10;
	v9 =	vld [tilespmem:s11+$0x4380]  }
0x132: {  	s23 =	sand.u32 $0x70, s19;
	s19 =	sand.u32 $0x3FFFFC00, s20;
	[tilespmem:s13+$0x10980] =	vst v11;
	v10 =	vld [tilespmem:s24+$0x4300]  }
0x133: {  	s3 =	sor.u32 s23, s19;
	v11 =	vld [tilespmem:s14+$0x4280]  }
0x134: {  	v13 =	vld [tilespmem:s3+$0x4180];
	_ =	sdelay $0x1  }
0x135: {  	v12 =	vld.idx.msk [tilespmem:v12+s26+$0x0], $0xffff  }
0x136: {  	v7 =	vld.idx.msk [tilespmem:v7+s26+$0x0], $0xffff  }
0x137: {  	v8 =	vld.idx.msk [tilespmem:v8+s26+$0x0], $0xffff  }
0x138: {  	v9 =	vld.idx.msk [tilespmem:v9+s26+$0x0], $0xffff  }
0x139: {  	v10 =	vld.idx.msk [tilespmem:v10+s26+$0x0], $0xffff  }
0x13a: {  	v14 =	vld.idx.msk [tilespmem:v11+s26+$0x0], $0xffff  }
0x13b: {  	v11 =	vld.idx.msk [tilespmem:v13+s26+$0x0], $0xffff;
	[tilespmem:s8+$0x13180] =	vst v7  }
0x13c: {  	[tilespmem:s9+$0x12980] =	vst v8;
	v7 =	vld [tilespmem:s16+$0x4500]  }
0x13d: {  	[tilespmem:s10+$0x12180] =	vst v9;
	v8 =	vld [tilespmem:s21+$0x4480]  }
0x13e: {  	s20 =	simm.s32 $0x60;
	[tilespmem:s12+$0x11980] =	vst v10;
	v9 =	vld [tilespmem:s11+$0x4400]  }
0x13f: {  	s30 =	simm.s32 $0x380;
	s17 =	simm.s32 $0x7;
	[tilespmem:s13+$0x11180] =	vst v14;
	v10 =	vld [tilespmem:s24+$0x4380];
	s16 =	sand.u32 $0x3FFFFF80, s20  }
0x140: {  	s19 =	simm.s32 $0x70;
	[tilespmem:s0+$0x10980] =	vst v12;
	v12 =	vld [tilespmem:s14+$0x4300];
	s20 =	simm.s32 $0x8;
	s16 =	sor.u32 s23, s16  }
.LBB2_4:
0x141: {  	p0 =	sne.s32 s20, $0x7F;
	s23 =	sand.u32 $0x70, s19;
	s30 =	sand.u32 $0x3FFFFC00, s30;
	[tilespmem:s16+$0x10180] =	vst v11;
	v11 =	vld [tilespmem:s15+$0x4280]  }
0x142: {  	s30 =	sor.u32 s23, s30;
	v13 =	vld [tilespmem:s3+$0x4200]  }
0x143: {  	v14 =	vld [tilespmem:s30+$0x4180]  }
0x144: {  	v7 =	vld.idx.msk [tilespmem:v7+s26+$0x0], $0xffff  }
0x145: {  	v8 =	vld.idx.msk [tilespmem:v8+s26+$0x0], $0xffff  }
0x146: {  	v9 =	vld.idx.msk [tilespmem:v9+s26+$0x0], $0xffff  }
0x147: {  	v10 =	vld.idx.msk [tilespmem:v10+s26+$0x0], $0xffff  }
0x148: {  	v12 =	vld.idx.msk [tilespmem:v12+s26+$0x0], $0xffff  }
0x149: {  	v15 =	vld.idx.msk [tilespmem:v11+s26+$0x0], $0xffff  }
0x14a: {  	v13 =	vld.idx.msk [tilespmem:v13+s26+$0x0], $0xffff;
	[tilespmem:s8+$0x13980] =	vst v7;
	s8 =	smov.u32 s9;
	s9 =	smov.u32 s10;
	s10 =	smov.u32 s12  }
0x14b: {  	s12 =	smov.u32 s13;
	s13 =	smov.u32 s0;
	s0 =	smov.u32 s16;
	v11 =	vld.idx.msk [tilespmem:v14+s26+$0x0], $0xffff;
	[tilespmem:s8+$0x13180] =	vst v8  }
.Ltmp1:
0x14c: {  	[tilespmem:s9+$0x12980] =	vst v9;
	v7 =	vld [tilespmem:s21+$0x4500];
	s21 =	smov.u32 s11;
	s11 =	smov.u32 s24;
	(pc) =	sbr.rel @p0 .LBB2_4-.Ltmp1, $4  }
0x14d: {  	s24 =	smov.u32 s14;
	s14 =	smov.u32 s15;
	s15 =	smov.u32 s3;
	[tilespmem:s10+$0x12180] =	vst v10;
	v8 =	vld [tilespmem:s21+$0x4480]  }
0x14e: {  	s16 =	sshll.u32 s17, $0x4;
	s17 =	smov.u32 s20;
	s3 =	smov.u32 s30;
	[tilespmem:s12+$0x11980] =	vst v12;
	v9 =	vld [tilespmem:s11+$0x4400]  }
0x14f: {  	s19 =	sadd.s32 $0x10, s19;
	s16 =	sand.u32 $0x3FFFFF80, s16;
	[tilespmem:s13+$0x11180] =	vst v15;
	v10 =	vld [tilespmem:s24+$0x4380]  }
0x150: {  	s20 =	sadd.s32 $0x1, s20;
	s30 =	sshll.u32 s17, $0x7;
	s16 =	sor.u32 s23, s16;
	[tilespmem:s0+$0x10980] =	vst v13;
	v12 =	vld [tilespmem:s14+$0x4300]  }
0x151: {  	s20 =	sand.u32 $0x70, s19;
	s23 =	sand.u32 $0x3FFFFC00, s30  }
0x152: {  	s19 =	sor.u32 s20, s23  }
0x153: {  	v13 =	vld [tilespmem:s19+$0x4180];
	_ =	sdelay $0x7  }
0x154: {  	v13 =	vld.idx.msk [tilespmem:v13+s26+$0x0], $0xffff;
	_ =	sdelay $0x1  }
0x155: {  	s17 =	sshll.u32 s17, $0x4  }
0x156: {  	[tilespmem:s16+$0x10180] =	vst v11;
	s17 =	sand.u32 $0x3FFFFF80, s17  }
0x157: {  	v11 =	vld [tilespmem:s3+$0x4200];
	s17 =	sor.u32 s20, s17  }
0x158: {  	[tilespmem:s17+$0x10180] =	vst v13  }
0x159: {  	v13 =	vld [tilespmem:s19+$0x4200];
	_ =	sdelay $0x5  }
0x15a: {  	v11 =	vld.idx.msk [tilespmem:v11+s26+$0x0], $0xffff;
	_ =	sdelay $0x1  }
0x15b: {  	v13 =	vld.idx.msk [tilespmem:v13+s26+$0x0], $0xffff;
	_ =	sdelay $0x2  }
0x15c: {  	v14 =	vld [tilespmem:s15+$0x4280];
	[tilespmem:s16+$0x10980] =	vst v11  }
0x15d: {  	v11 =	vld [tilespmem:s3+$0x4280]  }
0x15e: {  	[tilespmem:s17+$0x10980] =	vst v13  }
0x15f: {  	v13 =	vld [tilespmem:s19+$0x4280];
	_ =	sdelay $0x4  }
0x160: {  	v14 =	vld.idx.msk [tilespmem:v14+s26+$0x0], $0xffff  }
0x161: {  	v11 =	vld.idx.msk [tilespmem:v11+s26+$0x0], $0xffff;
	_ =	sdelay $0x1  }
0x162: {  	v13 =	vld.idx.msk [tilespmem:v13+s26+$0x0], $0xffff;
	_ =	sdelay $0x1  }
0x163: {  	[tilespmem:s0+$0x11180] =	vst v14  }
0x164: {  	v14 =	vld [tilespmem:s15+$0x4300];
	[tilespmem:s16+$0x11180] =	vst v11  }
0x165: {  	v11 =	vld [tilespmem:s3+$0x4300]  }
0x166: {  	[tilespmem:s17+$0x11180] =	vst v13  }
0x167: {  	v13 =	vld [tilespmem:s19+$0x4300];
	_ =	sdelay $0x3  }
0x168: {  	v12 =	vld.idx.msk [tilespmem:v12+s26+$0x0], $0xffff  }
0x169: {  	v14 =	vld.idx.msk [tilespmem:v14+s26+$0x0], $0xffff  }
0x16a: {  	v11 =	vld.idx.msk [tilespmem:v11+s26+$0x0], $0xffff;
	_ =	sdelay $0x1  }
0x16b: {  	v13 =	vld.idx.msk [tilespmem:v13+s26+$0x0], $0xffff  }
0x16c: {  	[tilespmem:s13+$0x11980] =	vst v12  }
0x16d: {  	v12 =	vld [tilespmem:s14+$0x4380];
	[tilespmem:s0+$0x11980] =	vst v14  }
0x16e: {  	v14 =	vld [tilespmem:s15+$0x4380];
	[tilespmem:s16+$0x11980] =	vst v11  }
0x16f: {  	v11 =	vld [tilespmem:s3+$0x4380]  }
0x170: {  	[tilespmem:s17+$0x11980] =	vst v13  }
0x171: {  	v13 =	vld [tilespmem:s19+$0x4380];
	_ =	sdelay $0x2  }
0x172: {  	v10 =	vld.idx.msk [tilespmem:v10+s26+$0x0], $0xffff  }
0x173: {  	v12 =	vld.idx.msk [tilespmem:v12+s26+$0x0], $0xffff  }
0x174: {  	v14 =	vld.idx.msk [tilespmem:v14+s26+$0x0], $0xffff  }
0x175: {  	v11 =	vld.idx.msk [tilespmem:v11+s26+$0x0], $0xffff;
	_ =	sdelay $0x1  }
0x176: {  	[tilespmem:s12+$0x12180] =	vst v10;
	v13 =	vld.idx.msk [tilespmem:v13+s26+$0x0], $0xffff  }
0x177: {  	v10 =	vld [tilespmem:s24+$0x4400];
	[tilespmem:s13+$0x12180] =	vst v12  }
0x178: {  	v12 =	vld [tilespmem:s14+$0x4400];
	[tilespmem:s0+$0x12180] =	vst v14  }
0x179: {  	v14 =	vld [tilespmem:s15+$0x4400];
	[tilespmem:s16+$0x12180] =	vst v11  }
0x17a: {  	v11 =	vld [tilespmem:s3+$0x4400]  }
0x17b: {  	[tilespmem:s17+$0x12180] =	vst v13  }
0x17c: {  	v13 =	vld [tilespmem:s19+$0x4400];
	_ =	sdelay $0x1  }
0x17d: {  	v9 =	vld.idx.msk [tilespmem:v9+s26+$0x0], $0xffff  }
0x17e: {  	v10 =	vld.idx.msk [tilespmem:v10+s26+$0x0], $0xffff  }
0x17f: {  	v12 =	vld.idx.msk [tilespmem:v12+s26+$0x0], $0xffff  }
0x180: {  	v14 =	vld.idx.msk [tilespmem:v14+s26+$0x0], $0xffff  }
0x181: {  	v11 =	vld.idx.msk [tilespmem:v11+s26+$0x0], $0xffff  }
0x182: {  	v8 =	vld.idx.msk [tilespmem:v8+s26+$0x0], $0xffff;
	[tilespmem:s10+$0x12980] =	vst v9  }
0x183: {  	[tilespmem:s12+$0x12980] =	vst v10;
	v9 =	vld.idx.msk [tilespmem:v13+s26+$0x0], $0xffff  }
0x184: {  	v10 =	vld [tilespmem:s24+$0x4480];
	[tilespmem:s13+$0x12980] =	vst v12  }
0x185: {  	v12 =	vld [tilespmem:s14+$0x4480];
	[tilespmem:s0+$0x12980] =	vst v14  }
0x186: {  	v14 =	vld [tilespmem:s15+$0x4480];
	[tilespmem:s16+$0x12980] =	vst v11  }
0x187: {  	v11 =	vld [tilespmem:s3+$0x4480]  }
0x188: {  	v13 =	vld [tilespmem:s11+$0x4480];
	[tilespmem:s17+$0x12980] =	vst v9  }
0x189: {  	v9 =	vld [tilespmem:s19+$0x4480]  }
0x18a: {  	v7 =	vld.idx.msk [tilespmem:v7+s26+$0x0], $0xffff;
	[tilespmem:s9+$0x13180] =	vst v8  }
0x18b: {  	v8 =	vld [tilespmem:s21+$0x4500]  }
0x18c: {  	v10 =	vld.idx.msk [tilespmem:v10+s26+$0x0], $0xffff  }
0x18d: {  	v12 =	vld.idx.msk [tilespmem:v12+s26+$0x0], $0xffff  }
0x18e: {  	v14 =	vld.idx.msk [tilespmem:v14+s26+$0x0], $0xffff  }
0x18f: {  	v11 =	vld.idx.msk [tilespmem:v11+s26+$0x0], $0xffff  }
0x190: {  	v13 =	vld.idx.msk [tilespmem:v13+s26+$0x0], $0xffff  }
0x191: {  	[tilespmem:s12+$0x13180] =	vst v10;
	v9 =	vld.idx.msk [tilespmem:v9+s26+$0x0], $0xffff  }
0x192: {  	v10 =	vld [tilespmem:s24+$0x4500];
	[tilespmem:s13+$0x13180] =	vst v12  }
0x193: {  	v12 =	vld [tilespmem:s14+$0x4500];
	[tilespmem:s0+$0x13180] =	vst v14  }
0x194: {  	v14 =	vld [tilespmem:s15+$0x4500];
	[tilespmem:s16+$0x13180] =	vst v11  }
0x195: {  	v11 =	vld [tilespmem:s3+$0x4500];
	[tilespmem:s10+$0x13180] =	vst v13  }
0x196: {  	v13 =	vld [tilespmem:s11+$0x4500];
	[tilespmem:s17+$0x13180] =	vst v9  }
0x197: {  	v9 =	vld [tilespmem:s19+$0x4500]  }
0x198: {  	v8 =	vld.idx.msk [tilespmem:v8+s26+$0x0], $0xffff;
	_ =	sdelay $0x1  }
0x199: {  	v10 =	vld.idx.msk [tilespmem:v10+s26+$0x0], $0xffff  }
0x19a: {  	v12 =	vld.idx.msk [tilespmem:v12+s26+$0x0], $0xffff  }
0x19b: {  	[tilespmem:s8+$0x13980] =	vst v7;
	v7 =	vld.idx.msk [tilespmem:v14+s26+$0x0], $0xffff  }
0x19c: {  	[tilespmem:s9+$0x13980] =	vst v8;
	v8 =	vld.idx.msk [tilespmem:v11+s26+$0x0], $0xffff  }
0x19d: {  	v13 =	vld.idx.msk [tilespmem:v13+s26+$0x0], $0xffff  }
0x19e: {  	[tilespmem:s12+$0x13980] =	vst v10;
	v9 =	vld.idx.msk [tilespmem:v9+s26+$0x0], $0xffff  }
0x19f: {  	[tilespmem:s13+$0x13980] =	vst v12  }
0x1a0: {  	[tilespmem:s0+$0x13980] =	vst v7  }
0x1a1: {  	[tilespmem:s16+$0x13980] =	vst v8  }
0x1a2: {  	[tilespmem:s10+$0x13980] =	vst v13  }
0x1a3: {  	[tilespmem:s17+$0x13980] =	vst v9  }
0x1a4: {  	s8 =	simm.s32 $0x10180;
	s0 =	rddreg [dreg:$0xb]  }
0x1a5: {  	[hbm4b:s0+s28] =	stream.strided.scatter [tilespmem:s8], [sflag:$0x5], $0x4000, s29, s28, $0x38;
	[tilespmem:$0x18180] =	vst v63  }
0x1a6: {  	s9 =	simm.s32 $0x0;
	s11 =	simm.s32 $0x4180;
	s10 =	rddreg [dreg:$0xc]  }
0x1a7: {  	[tilespmem:s11], [sflag:$0x2] =	stream.linear.gather [hbm4b:s10+s9], $0x4000, $0x38;
	[tilespmem:$0x18180] =	vst v63  }
0x1a8: {  	s12 =	simm.s32 $0x0;
	_ =	swait.ge [sflag:s1], $0x4000  }
0x1a9: {  	s3 =	sand.u32 $0x3FFFFC00, s12;
	s0 =	sand.u32 $0x70, s9;
	[sflag:s1] =	ssyncset.done $0x0  }
0x1aa: {  	s16 =	sor.u32 s0, s3;
	[sflag:s1] =	ssyncadd.s32 $0xFFFFC000  }
0x1ab: {  	v7 =	vld [tilespmem:s16+$0x8180];
	_ =	sdelay $0x7  }
0x1ac: {  	v7 =	vld.idx.msk [tilespmem:v7+s26+$0x0], $0xffff;
	_ =	sdelay $0x1  }
0x1ad: {  	s13 =	simm.s32 $0x0  }
0x1ae: {  	s3 =	sand.u32 $0x3FFFFF80, s13  }
0x1af: {  	s14 =	simm.s32 $0x10;
	s15 =	simm.s32 $0x80;
	s8 =	sor.u32 s0, s3  }
0x1b0: {  	s19 =	sand.u32 $0x3FFFFC00, s15;
	s17 =	sand.u32 $0x70, s14;
	[tilespmem:s8+$0x14180] =	vst v7  }
0x1b1: {  	s21 =	sor.u32 s17, s19;
	v7 =	vld [tilespmem:s16+$0x8200]  }
0x1b2: {  	v8 =	vld [tilespmem:s21+$0x8180];
	_ =	sdelay $0x6  }
0x1b3: {  	v7 =	vld.idx.msk [tilespmem:v7+s26+$0x0], $0xffff  }
0x1b4: {  	v8 =	vld.idx.msk [tilespmem:v8+s26+$0x0], $0xffff;
	_ =	sdelay $0x1  }
0x1b5: {  	s20 =	simm.s32 $0x10  }
0x1b6: {  	s3 =	sand.u32 $0x3FFFFF80, s20  }
0x1b7: {  	s23 =	simm.s32 $0x20;
	s24 =	simm.s32 $0x100;
	s9 =	sor.u32 s17, s3;
	[tilespmem:s8+$0x14980] =	vst v7  }
0x1b8: {  	s10 =	sand.u32 $0x70, s23;
	s11 =	sand.u32 $0x3FFFFC00, s24;
	[tilespmem:s9+$0x14180] =	vst v8;
	v7 =	vld [tilespmem:s16+$0x8280]  }
0x1b9: {  	s11 =	sor.u32 s10, s11;
	v8 =	vld [tilespmem:s21+$0x8200]  }
0x1ba: {  	v9 =	vld [tilespmem:s11+$0x8180];
	_ =	sdelay $0x5  }
0x1bb: {  	v7 =	vld.idx.msk [tilespmem:v7+s26+$0x0], $0xffff  }
0x1bc: {  	v8 =	vld.idx.msk [tilespmem:v8+s26+$0x0], $0xffff  }
0x1bd: {  	v9 =	vld.idx.msk [tilespmem:v9+s26+$0x0], $0xffff;
	_ =	sdelay $0x1  }
0x1be: {  	s12 =	simm.s32 $0x20  }
0x1bf: {  	s3 =	sand.u32 $0x3FFFFF80, s12;
	[tilespmem:s8+$0x15180] =	vst v7  }
0x1c0: {  	s14 =	simm.s32 $0x180;
	s13 =	simm.s32 $0x30;
	s10 =	sor.u32 s10, s3;
	[tilespmem:s9+$0x14980] =	vst v8;
	v7 =	vld [tilespmem:s16+$0x8300]  }
0x1c1: {  	s15 =	sand.u32 $0x70, s13;
	s17 =	sand.u32 $0x3FFFFC00, s14;
	[tilespmem:s10+$0x14180] =	vst v9;
	v8 =	vld [tilespmem:s21+$0x8280]  }
0x1c2: {  	s24 =	sor.u32 s15, s17;
	v9 =	vld [tilespmem:s11+$0x8200]  }
0x1c3: {  	v10 =	vld [tilespmem:s24+$0x8180];
	_ =	sdelay $0x4  }
0x1c4: {  	v7 =	vld.idx.msk [tilespmem:v7+s26+$0x0], $0xffff  }
0x1c5: {  	v8 =	vld.idx.msk [tilespmem:v8+s26+$0x0], $0xffff  }
0x1c6: {  	v9 =	vld.idx.msk [tilespmem:v9+s26+$0x0], $0xffff  }
0x1c7: {  	v10 =	vld.idx.msk [tilespmem:v10+s26+$0x0], $0xffff;
	_ =	sdelay $0x1  }
0x1c8: {  	s19 =	simm.s32 $0x30;
	[tilespmem:s8+$0x15980] =	vst v7  }
0x1c9: {  	s3 =	sand.u32 $0x3FFFFF80, s19;
	[tilespmem:s9+$0x15180] =	vst v8;
	v7 =	vld [tilespmem:s16+$0x8380]  }
0x1ca: {  	s20 =	simm.s32 $0x40;
	s23 =	simm.s32 $0x200;
	s12 =	sor.u32 s15, s3;
	[tilespmem:s10+$0x14980] =	vst v9;
	v8 =	vld [tilespmem:s21+$0x8300]  }
0x1cb: {  	s13 =	sand.u32 $0x70, s20;
	s15 =	sand.u32 $0x3FFFFC00, s23;
	[tilespmem:s12+$0x14180] =	vst v10;
	v9 =	vld [tilespmem:s11+$0x8280]  }
0x1cc: {  	s14 =	sor.u32 s13, s15;
	v10 =	vld [tilespmem:s24+$0x8200]  }
0x1cd: {  	v11 =	vld [tilespmem:s14+$0x8180];
	_ =	sdelay $0x3  }
0x1ce: {  	v7 =	vld.idx.msk [tilespmem:v7+s26+$0x0], $0xffff  }
0x1cf: {  	v8 =	vld.idx.msk [tilespmem:v8+s26+$0x0], $0xffff  }
0x1d0: {  	s20 =	simm.s32 $0x280;
	s19 =	simm.s32 $0x50;
	v9 =	vld.idx.msk [tilespmem:v9+s26+$0x0], $0xffff  }
0x1d1: {  	s23 =	sand.u32 $0x70, s19;
	s15 =	sand.u32 $0x3FFFFC00, s20;
	v10 =	vld.idx.msk [tilespmem:v10+s26+$0x0], $0xffff  }
0x1d2: {  	s15 =	sor.u32 s23, s15;
	v11 =	vld.idx.msk [tilespmem:v11+s26+$0x0], $0xffff  }
0x1d3: {  	v12 =	vld [tilespmem:s15+$0x8180];
	[tilespmem:s8+$0x16180] =	vst v7  }
0x1d4: {  	s17 =	simm.s32 $0x40;
	[tilespmem:s9+$0x15980] =	vst v8;
	v7 =	vld [tilespmem:s16+$0x8400]  }
0x1d5: {  	s3 =	sand.u32 $0x3FFFFF80, s17;
	[tilespmem:s10+$0x15180] =	vst v9;
	v8 =	vld [tilespmem:s21+$0x8380]  }
0x1d6: {  	s13 =	sor.u32 s13, s3;
	[tilespmem:s12+$0x14980] =	vst v10;
	v9 =	vld [tilespmem:s11+$0x8300]  }
0x1d7: {  	[tilespmem:s13+$0x14180] =	vst v11;
	v10 =	vld [tilespmem:s24+$0x8280]  }
0x1d8: {  	v11 =	vld [tilespmem:s14+$0x8200];
	_ =	sdelay $0x2  }
0x1d9: {  	v12 =	vld.idx.msk [tilespmem:v12+s26+$0x0], $0xffff  }
0x1da: {  	v7 =	vld.idx.msk [tilespmem:v7+s26+$0x0], $0xffff  }
0x1db: {  	s17 =	simm.s32 $0x50;
	v8 =	vld.idx.msk [tilespmem:v8+s26+$0x0], $0xffff  }
0x1dc: {  	s3 =	sand.u32 $0x3FFFFF80, s17;
	v9 =	vld.idx.msk [tilespmem:v9+s26+$0x0], $0xffff  }
0x1dd: {  	s0 =	sor.u32 s23, s3;
	v10 =	vld.idx.msk [tilespmem:v10+s26+$0x0], $0xffff  }
0x1de: {  	[tilespmem:s0+$0x14180] =	vst v12;
	v11 =	vld.idx.msk [tilespmem:v11+s26+$0x0], $0xffff  }
0x1df: {  	v12 =	vld [tilespmem:s15+$0x8200];
	[tilespmem:s8+$0x16980] =	vst v7  }
0x1e0: {  	[tilespmem:s9+$0x16180] =	vst v8;
	v7 =	vld [tilespmem:s16+$0x8480]  }
0x1e1: {  	[tilespmem:s10+$0x15980] =	vst v9;
	v8 =	vld [tilespmem:s21+$0x8400]  }
0x1e2: {  	s19 =	simm.s32 $0x60;
	s20 =	simm.s32 $0x300;
	[tilespmem:s12+$0x15180] =	vst v10;
	v9 =	vld [tilespmem:s11+$0x8380]  }
0x1e3: {  	s23 =	sand.u32 $0x70, s19;
	s19 =	sand.u32 $0x3FFFFC00, s20;
	[tilespmem:s13+$0x14980] =	vst v11;
	v10 =	vld [tilespmem:s24+$0x8300]  }
0x1e4: {  	s3 =	sor.u32 s23, s19;
	v11 =	vld [tilespmem:s14+$0x8280]  }
0x1e5: {  	v13 =	vld [tilespmem:s3+$0x8180];
	_ =	sdelay $0x1  }
0x1e6: {  	v12 =	vld.idx.msk [tilespmem:v12+s26+$0x0], $0xffff  }
0x1e7: {  	v7 =	vld.idx.msk [tilespmem:v7+s26+$0x0], $0xffff  }
0x1e8: {  	v8 =	vld.idx.msk [tilespmem:v8+s26+$0x0], $0xffff  }
0x1e9: {  	v9 =	vld.idx.msk [tilespmem:v9+s26+$0x0], $0xffff  }
0x1ea: {  	v10 =	vld.idx.msk [tilespmem:v10+s26+$0x0], $0xffff  }
0x1eb: {  	v14 =	vld.idx.msk [tilespmem:v11+s26+$0x0], $0xffff  }
0x1ec: {  	v11 =	vld.idx.msk [tilespmem:v13+s26+$0x0], $0xffff;
	[tilespmem:s8+$0x17180] =	vst v7  }
0x1ed: {  	[tilespmem:s9+$0x16980] =	vst v8;
	v7 =	vld [tilespmem:s16+$0x8500]  }
0x1ee: {  	[tilespmem:s10+$0x16180] =	vst v9;
	v8 =	vld [tilespmem:s21+$0x8480]  }
0x1ef: {  	s20 =	simm.s32 $0x60;
	[tilespmem:s12+$0x15980] =	vst v10;
	v9 =	vld [tilespmem:s11+$0x8400]  }
0x1f0: {  	s30 =	simm.s32 $0x380;
	s17 =	simm.s32 $0x7;
	[tilespmem:s13+$0x15180] =	vst v14;
	v10 =	vld [tilespmem:s24+$0x8380];
	s16 =	sand.u32 $0x3FFFFF80, s20  }
0x1f1: {  	s19 =	simm.s32 $0x70;
	[tilespmem:s0+$0x14980] =	vst v12;
	v12 =	vld [tilespmem:s14+$0x8300];
	s20 =	simm.s32 $0x8;
	s16 =	sor.u32 s23, s16  }
.LBB2_6:
0x1f2: {  	p0 =	sne.s32 s20, $0x7F;
	s23 =	sand.u32 $0x70, s19;
	s30 =	sand.u32 $0x3FFFFC00, s30;
	[tilespmem:s16+$0x14180] =	vst v11;
	v11 =	vld [tilespmem:s15+$0x8280]  }
0x1f3: {  	s30 =	sor.u32 s23, s30;
	v13 =	vld [tilespmem:s3+$0x8200]  }
0x1f4: {  	v14 =	vld [tilespmem:s30+$0x8180]  }
0x1f5: {  	v7 =	vld.idx.msk [tilespmem:v7+s26+$0x0], $0xffff  }
0x1f6: {  	v8 =	vld.idx.msk [tilespmem:v8+s26+$0x0], $0xffff  }
0x1f7: {  	v9 =	vld.idx.msk [tilespmem:v9+s26+$0x0], $0xffff  }
0x1f8: {  	v10 =	vld.idx.msk [tilespmem:v10+s26+$0x0], $0xffff  }
0x1f9: {  	v12 =	vld.idx.msk [tilespmem:v12+s26+$0x0], $0xffff  }
0x1fa: {  	v15 =	vld.idx.msk [tilespmem:v11+s26+$0x0], $0xffff  }
0x1fb: {  	v13 =	vld.idx.msk [tilespmem:v13+s26+$0x0], $0xffff;
	[tilespmem:s8+$0x17980] =	vst v7;
	s8 =	smov.u32 s9;
	s9 =	smov.u32 s10;
	s10 =	smov.u32 s12  }
0x1fc: {  	s12 =	smov.u32 s13;
	s13 =	smov.u32 s0;
	s0 =	smov.u32 s16;
	v11 =	vld.idx.msk [tilespmem:v14+s26+$0x0], $0xffff;
	[tilespmem:s8+$0x17180] =	vst v8  }
.Ltmp2:
0x1fd: {  	[tilespmem:s9+$0x16980] =	vst v9;
	v7 =	vld [tilespmem:s21+$0x8500];
	s21 =	smov.u32 s11;
	s11 =	smov.u32 s24;
	(pc) =	sbr.rel @p0 .LBB2_6-.Ltmp2, $4  }
0x1fe: {  	s24 =	smov.u32 s14;
	s14 =	smov.u32 s15;
	s15 =	smov.u32 s3;
	[tilespmem:s10+$0x16180] =	vst v10;
	v8 =	vld [tilespmem:s21+$0x8480]  }
0x1ff: {  	s16 =	sshll.u32 s17, $0x4;
	s17 =	smov.u32 s20;
	s3 =	smov.u32 s30;
	[tilespmem:s12+$0x15980] =	vst v12;
	v9 =	vld [tilespmem:s11+$0x8400]  }
0x200: {  	s19 =	sadd.s32 $0x10, s19;
	s16 =	sand.u32 $0x3FFFFF80, s16;
	[tilespmem:s13+$0x15180] =	vst v15;
	v10 =	vld [tilespmem:s24+$0x8380]  }
0x201: {  	s20 =	sadd.s32 $0x1, s20;
	s30 =	sshll.u32 s17, $0x7;
	s16 =	sor.u32 s23, s16;
	[tilespmem:s0+$0x14980] =	vst v13;
	v12 =	vld [tilespmem:s14+$0x8300]  }
0x202: {  	s20 =	sand.u32 $0x70, s19;
	s23 =	sand.u32 $0x3FFFFC00, s30  }
0x203: {  	s19 =	sor.u32 s20, s23  }
0x204: {  	v13 =	vld [tilespmem:s19+$0x8180];
	_ =	sdelay $0x7  }
0x205: {  	v13 =	vld.idx.msk [tilespmem:v13+s26+$0x0], $0xffff;
	_ =	sdelay $0x1  }
0x206: {  	s17 =	sshll.u32 s17, $0x4  }
0x207: {  	[tilespmem:s16+$0x14180] =	vst v11;
	s17 =	sand.u32 $0x3FFFFF80, s17  }
0x208: {  	v11 =	vld [tilespmem:s3+$0x8200];
	s17 =	sor.u32 s20, s17  }
0x209: {  	[tilespmem:s17+$0x14180] =	vst v13  }
0x20a: {  	v13 =	vld [tilespmem:s19+$0x8200];
	_ =	sdelay $0x5  }
0x20b: {  	v11 =	vld.idx.msk [tilespmem:v11+s26+$0x0], $0xffff;
	_ =	sdelay $0x1  }
0x20c: {  	v13 =	vld.idx.msk [tilespmem:v13+s26+$0x0], $0xffff;
	_ =	sdelay $0x2  }
0x20d: {  	v14 =	vld [tilespmem:s15+$0x8280];
	[tilespmem:s16+$0x14980] =	vst v11  }
0x20e: {  	v11 =	vld [tilespmem:s3+$0x8280]  }
0x20f: {  	[tilespmem:s17+$0x14980] =	vst v13  }
0x210: {  	v13 =	vld [tilespmem:s19+$0x8280];
	_ =	sdelay $0x4  }
0x211: {  	v14 =	vld.idx.msk [tilespmem:v14+s26+$0x0], $0xffff  }
0x212: {  	v11 =	vld.idx.msk [tilespmem:v11+s26+$0x0], $0xffff;
	_ =	sdelay $0x1  }
0x213: {  	v13 =	vld.idx.msk [tilespmem:v13+s26+$0x0], $0xffff;
	_ =	sdelay $0x1  }
0x214: {  	[tilespmem:s0+$0x15180] =	vst v14  }
0x215: {  	v14 =	vld [tilespmem:s15+$0x8300];
	[tilespmem:s16+$0x15180] =	vst v11  }
0x216: {  	v11 =	vld [tilespmem:s3+$0x8300]  }
0x217: {  	[tilespmem:s17+$0x15180] =	vst v13  }
0x218: {  	v13 =	vld [tilespmem:s19+$0x8300];
	_ =	sdelay $0x3  }
0x219: {  	v12 =	vld.idx.msk [tilespmem:v12+s26+$0x0], $0xffff  }
0x21a: {  	v14 =	vld.idx.msk [tilespmem:v14+s26+$0x0], $0xffff  }
0x21b: {  	v11 =	vld.idx.msk [tilespmem:v11+s26+$0x0], $0xffff;
	_ =	sdelay $0x1  }
0x21c: {  	v13 =	vld.idx.msk [tilespmem:v13+s26+$0x0], $0xffff  }
0x21d: {  	[tilespmem:s13+$0x15980] =	vst v12  }
0x21e: {  	v12 =	vld [tilespmem:s14+$0x8380];
	[tilespmem:s0+$0x15980] =	vst v14  }
0x21f: {  	v14 =	vld [tilespmem:s15+$0x8380];
	[tilespmem:s16+$0x15980] =	vst v11  }
0x220: {  	v11 =	vld [tilespmem:s3+$0x8380]  }
0x221: {  	[tilespmem:s17+$0x15980] =	vst v13  }
0x222: {  	v13 =	vld [tilespmem:s19+$0x8380];
	_ =	sdelay $0x2  }
0x223: {  	v10 =	vld.idx.msk [tilespmem:v10+s26+$0x0], $0xffff  }
0x224: {  	v12 =	vld.idx.msk [tilespmem:v12+s26+$0x0], $0xffff  }
0x225: {  	v14 =	vld.idx.msk [tilespmem:v14+s26+$0x0], $0xffff  }
0x226: {  	v11 =	vld.idx.msk [tilespmem:v11+s26+$0x0], $0xffff;
	_ =	sdelay $0x1  }
0x227: {  	[tilespmem:s12+$0x16180] =	vst v10;
	v13 =	vld.idx.msk [tilespmem:v13+s26+$0x0], $0xffff  }
0x228: {  	v10 =	vld [tilespmem:s24+$0x8400];
	[tilespmem:s13+$0x16180] =	vst v12  }
0x229: {  	v12 =	vld [tilespmem:s14+$0x8400];
	[tilespmem:s0+$0x16180] =	vst v14  }
0x22a: {  	v14 =	vld [tilespmem:s15+$0x8400];
	[tilespmem:s16+$0x16180] =	vst v11  }
0x22b: {  	v11 =	vld [tilespmem:s3+$0x8400]  }
0x22c: {  	[tilespmem:s17+$0x16180] =	vst v13  }
0x22d: {  	v13 =	vld [tilespmem:s19+$0x8400];
	_ =	sdelay $0x1  }
0x22e: {  	v9 =	vld.idx.msk [tilespmem:v9+s26+$0x0], $0xffff  }
0x22f: {  	v10 =	vld.idx.msk [tilespmem:v10+s26+$0x0], $0xffff  }
0x230: {  	v12 =	vld.idx.msk [tilespmem:v12+s26+$0x0], $0xffff  }
0x231: {  	v14 =	vld.idx.msk [tilespmem:v14+s26+$0x0], $0xffff  }
0x232: {  	v11 =	vld.idx.msk [tilespmem:v11+s26+$0x0], $0xffff  }
0x233: {  	v8 =	vld.idx.msk [tilespmem:v8+s26+$0x0], $0xffff;
	[tilespmem:s10+$0x16980] =	vst v9  }
0x234: {  	[tilespmem:s12+$0x16980] =	vst v10;
	v9 =	vld.idx.msk [tilespmem:v13+s26+$0x0], $0xffff  }
0x235: {  	v10 =	vld [tilespmem:s24+$0x8480];
	[tilespmem:s13+$0x16980] =	vst v12  }
0x236: {  	v12 =	vld [tilespmem:s14+$0x8480];
	[tilespmem:s0+$0x16980] =	vst v14  }
0x237: {  	v14 =	vld [tilespmem:s15+$0x8480];
	[tilespmem:s16+$0x16980] =	vst v11  }
0x238: {  	v11 =	vld [tilespmem:s3+$0x8480]  }
0x239: {  	v13 =	vld [tilespmem:s11+$0x8480];
	[tilespmem:s17+$0x16980] =	vst v9  }
0x23a: {  	v9 =	vld [tilespmem:s19+$0x8480]  }
0x23b: {  	v7 =	vld.idx.msk [tilespmem:v7+s26+$0x0], $0xffff;
	[tilespmem:s9+$0x17180] =	vst v8  }
0x23c: {  	v8 =	vld [tilespmem:s21+$0x8500]  }
0x23d: {  	v10 =	vld.idx.msk [tilespmem:v10+s26+$0x0], $0xffff  }
0x23e: {  	v12 =	vld.idx.msk [tilespmem:v12+s26+$0x0], $0xffff  }
0x23f: {  	v14 =	vld.idx.msk [tilespmem:v14+s26+$0x0], $0xffff  }
0x240: {  	v11 =	vld.idx.msk [tilespmem:v11+s26+$0x0], $0xffff  }
0x241: {  	v13 =	vld.idx.msk [tilespmem:v13+s26+$0x0], $0xffff  }
0x242: {  	[tilespmem:s12+$0x17180] =	vst v10;
	v9 =	vld.idx.msk [tilespmem:v9+s26+$0x0], $0xffff  }
0x243: {  	v10 =	vld [tilespmem:s24+$0x8500];
	[tilespmem:s13+$0x17180] =	vst v12  }
0x244: {  	v12 =	vld [tilespmem:s14+$0x8500];
	[tilespmem:s0+$0x17180] =	vst v14  }
0x245: {  	v14 =	vld [tilespmem:s15+$0x8500];
	[tilespmem:s16+$0x17180] =	vst v11  }
0x246: {  	v11 =	vld [tilespmem:s3+$0x8500];
	[tilespmem:s10+$0x17180] =	vst v13  }
0x247: {  	v13 =	vld [tilespmem:s11+$0x8500];
	[tilespmem:s17+$0x17180] =	vst v9  }
0x248: {  	v9 =	vld [tilespmem:s19+$0x8500]  }
0x249: {  	v8 =	vld.idx.msk [tilespmem:v8+s26+$0x0], $0xffff;
	_ =	sdelay $0x1  }
0x24a: {  	v10 =	vld.idx.msk [tilespmem:v10+s26+$0x0], $0xffff  }
0x24b: {  	v12 =	vld.idx.msk [tilespmem:v12+s26+$0x0], $0xffff  }
0x24c: {  	[tilespmem:s8+$0x17980] =	vst v7;
	v7 =	vld.idx.msk [tilespmem:v14+s26+$0x0], $0xffff  }
0x24d: {  	[tilespmem:s9+$0x17980] =	vst v8;
	v8 =	vld.idx.msk [tilespmem:v11+s26+$0x0], $0xffff  }
0x24e: {  	v13 =	vld.idx.msk [tilespmem:v13+s26+$0x0], $0xffff  }
0x24f: {  	[tilespmem:s12+$0x17980] =	vst v10;
	v9 =	vld.idx.msk [tilespmem:v9+s26+$0x0], $0xffff  }
0x250: {  	[tilespmem:s13+$0x17980] =	vst v12  }
0x251: {  	[tilespmem:s0+$0x17980] =	vst v7  }
0x252: {  	[tilespmem:s16+$0x17980] =	vst v8  }
0x253: {  	[tilespmem:s10+$0x17980] =	vst v13  }
0x254: {  	[tilespmem:s17+$0x17980] =	vst v9  }
0x255: {  	s8 =	simm.s32 $0x14180;
	s0 =	rddreg [dreg:$0xd]  }
0x256: {  	[hbm4b:s0+s28] =	stream.strided.scatter [tilespmem:s8], [sflag:$0x6], $0x4000, s29, s28, $0x38;
	[tilespmem:$0x18180] =	vst v63  }
0x257: {  	s9 =	simm.s32 $0x0;
	s11 =	simm.s32 $0x8180;
	s10 =	rddreg [dreg:$0xe]  }
0x258: {  	[tilespmem:s11], [sflag:$0x3] =	stream.linear.gather [hbm4b:s10+s9], $0x4000, $0x38;
	[tilespmem:$0x18180] =	vst v63  }
0x259: {  	_ =	swait.ge [sflag:s25], $0x4000  }
0x25a: {  	[sflag:s25] =	ssyncset.done $0x0  }
0x25b: {  	[sflag:s25] =	ssyncadd.s32 $0xFFFFC000  }
0x25c: {  	s12 =	simm.s32 $0x0;
	_ =	swait.ge [sflag:s4], $0x4000  }
0x25d: {  	s3 =	sand.u32 $0x3FFFFC00, s12;
	s0 =	sand.u32 $0x70, s9;
	[sflag:s4] =	ssyncset.done $0x0  }
0x25e: {  	s16 =	sor.u32 s0, s3;
	[sflag:s4] =	ssyncadd.s32 $0xFFFFC000  }
0x25f: {  	v7 =	vld [tilespmem:s16+$0x180];
	_ =	sdelay $0x7  }
0x260: {  	v7 =	vld.idx.msk [tilespmem:v7+s26+$0x0], $0xffff;
	_ =	sdelay $0x1  }
0x261: {  	s13 =	simm.s32 $0x0  }
0x262: {  	s3 =	sand.u32 $0x3FFFFF80, s13  }
0x263: {  	s14 =	simm.s32 $0x10;
	s15 =	simm.s32 $0x80;
	s8 =	sor.u32 s0, s3  }
0x264: {  	s19 =	sand.u32 $0x3FFFFC00, s15;
	s17 =	sand.u32 $0x70, s14;
	[tilespmem:s8+$0xC180] =	vst v7  }
0x265: {  	s21 =	sor.u32 s17, s19;
	v7 =	vld [tilespmem:s16+$0x200]  }
0x266: {  	v8 =	vld [tilespmem:s21+$0x180];
	_ =	sdelay $0x6  }
0x267: {  	v7 =	vld.idx.msk [tilespmem:v7+s26+$0x0], $0xffff  }
0x268: {  	v8 =	vld.idx.msk [tilespmem:v8+s26+$0x0], $0xffff;
	_ =	sdelay $0x1  }
0x269: {  	s20 =	simm.s32 $0x10  }
0x26a: {  	s3 =	sand.u32 $0x3FFFFF80, s20  }
0x26b: {  	s23 =	simm.s32 $0x20;
	s24 =	simm.s32 $0x100;
	s9 =	sor.u32 s17, s3;
	[tilespmem:s8+$0xC980] =	vst v7  }
0x26c: {  	s10 =	sand.u32 $0x70, s23;
	s11 =	sand.u32 $0x3FFFFC00, s24;
	[tilespmem:s9+$0xC180] =	vst v8;
	v7 =	vld [tilespmem:s16+$0x280]  }
0x26d: {  	s11 =	sor.u32 s10, s11;
	v8 =	vld [tilespmem:s21+$0x200]  }
0x26e: {  	v9 =	vld [tilespmem:s11+$0x180];
	_ =	sdelay $0x5  }
0x26f: {  	v7 =	vld.idx.msk [tilespmem:v7+s26+$0x0], $0xffff  }
0x270: {  	v8 =	vld.idx.msk [tilespmem:v8+s26+$0x0], $0xffff  }
0x271: {  	v9 =	vld.idx.msk [tilespmem:v9+s26+$0x0], $0xffff;
	_ =	sdelay $0x1  }
0x272: {  	s12 =	simm.s32 $0x20  }
0x273: {  	s3 =	sand.u32 $0x3FFFFF80, s12;
	[tilespmem:s8+$0xD180] =	vst v7  }
0x274: {  	s14 =	simm.s32 $0x180;
	s13 =	simm.s32 $0x30;
	s10 =	sor.u32 s10, s3;
	[tilespmem:s9+$0xC980] =	vst v8;
	v7 =	vld [tilespmem:s16+$0x300]  }
0x275: {  	s15 =	sand.u32 $0x70, s13;
	s17 =	sand.u32 $0x3FFFFC00, s14;
	[tilespmem:s10+$0xC180] =	vst v9;
	v8 =	vld [tilespmem:s21+$0x280]  }
0x276: {  	s24 =	sor.u32 s15, s17;
	v9 =	vld [tilespmem:s11+$0x200]  }
0x277: {  	v10 =	vld [tilespmem:s24+$0x180];
	_ =	sdelay $0x4  }
0x278: {  	v7 =	vld.idx.msk [tilespmem:v7+s26+$0x0], $0xffff  }
0x279: {  	v8 =	vld.idx.msk [tilespmem:v8+s26+$0x0], $0xffff  }
0x27a: {  	v9 =	vld.idx.msk [tilespmem:v9+s26+$0x0], $0xffff  }
0x27b: {  	v10 =	vld.idx.msk [tilespmem:v10+s26+$0x0], $0xffff;
	_ =	sdelay $0x1  }
0x27c: {  	s19 =	simm.s32 $0x30;
	[tilespmem:s8+$0xD980] =	vst v7  }
0x27d: {  	s3 =	sand.u32 $0x3FFFFF80, s19;
	[tilespmem:s9+$0xD180] =	vst v8;
	v7 =	vld [tilespmem:s16+$0x380]  }
0x27e: {  	s20 =	simm.s32 $0x40;
	s23 =	simm.s32 $0x200;
	s12 =	sor.u32 s15, s3;
	[tilespmem:s10+$0xC980] =	vst v9;
	v8 =	vld [tilespmem:s21+$0x300]  }
0x27f: {  	s17 =	sand.u32 $0x3FFFFC00, s23;
	s15 =	sand.u32 $0x70, s20;
	[tilespmem:s12+$0xC180] =	vst v10;
	v9 =	vld [tilespmem:s11+$0x280]  }
0x280: {  	s14 =	sor.u32 s15, s17;
	v10 =	vld [tilespmem:s24+$0x200]  }
0x281: {  	v11 =	vld [tilespmem:s14+$0x180];
	_ =	sdelay $0x3  }
0x282: {  	v7 =	vld.idx.msk [tilespmem:v7+s26+$0x0], $0xffff  }
0x283: {  	s19 =	simm.s32 $0x40;
	v8 =	vld.idx.msk [tilespmem:v8+s26+$0x0], $0xffff  }
0x284: {  	s23 =	simm.s32 $0x280;
	s3 =	sand.u32 $0x3FFFFF80, s19;
	s20 =	simm.s32 $0x50;
	v9 =	vld.idx.msk [tilespmem:v9+s26+$0x0], $0xffff  }
0x285: {  	s0 =	sand.u32 $0x70, s20;
	s17 =	sand.u32 $0x3FFFFC00, s23;
	v10 =	vld.idx.msk [tilespmem:v10+s26+$0x0], $0xffff  }
0x286: {  	s13 =	sor.u32 s15, s3;
	s15 =	sor.u32 s0, s17;
	v11 =	vld.idx.msk [tilespmem:v11+s26+$0x0], $0xffff  }
0x287: {  	v12 =	vld [tilespmem:s15+$0x180];
	[tilespmem:s8+$0xE180] =	vst v7  }
0x288: {  	[tilespmem:s9+$0xD980] =	vst v8;
	v7 =	vld [tilespmem:s16+$0x400]  }
0x289: {  	[tilespmem:s10+$0xD180] =	vst v9;
	v8 =	vld [tilespmem:s21+$0x380]  }
0x28a: {  	[tilespmem:s12+$0xC980] =	vst v10;
	v9 =	vld [tilespmem:s11+$0x300]  }
0x28b: {  	[tilespmem:s13+$0xC180] =	vst v11;
	v10 =	vld [tilespmem:s24+$0x280]  }
0x28c: {  	v11 =	vld [tilespmem:s14+$0x200];
	_ =	sdelay $0x2  }
0x28d: {  	v12 =	vld.idx.msk [tilespmem:v12+s26+$0x0], $0xffff  }
0x28e: {  	v7 =	vld.idx.msk [tilespmem:v7+s26+$0x0], $0xffff  }
0x28f: {  	s19 =	simm.s32 $0x50;
	v8 =	vld.idx.msk [tilespmem:v8+s26+$0x0], $0xffff  }
0x290: {  	s3 =	sand.u32 $0x3FFFFF80, s19;
	v9 =	vld.idx.msk [tilespmem:v9+s26+$0x0], $0xffff  }
0x291: {  	s0 =	sor.u32 s0, s3;
	v10 =	vld.idx.msk [tilespmem:v10+s26+$0x0], $0xffff  }
0x292: {  	[tilespmem:s0+$0xC180] =	vst v12;
	v11 =	vld.idx.msk [tilespmem:v11+s26+$0x0], $0xffff  }
0x293: {  	v12 =	vld [tilespmem:s15+$0x200];
	[tilespmem:s8+$0xE980] =	vst v7  }
0x294: {  	[tilespmem:s9+$0xE180] =	vst v8;
	v7 =	vld [tilespmem:s16+$0x480]  }
0x295: {  	[tilespmem:s10+$0xD980] =	vst v9;
	v8 =	vld [tilespmem:s21+$0x400]  }
0x296: {  	s20 =	simm.s32 $0x60;
	s23 =	simm.s32 $0x300;
	[tilespmem:s12+$0xD180] =	vst v10;
	v9 =	vld [tilespmem:s11+$0x380]  }
0x297: {  	s20 =	sand.u32 $0x70, s20;
	s19 =	sand.u32 $0x3FFFFC00, s23;
	[tilespmem:s13+$0xC980] =	vst v11;
	v10 =	vld [tilespmem:s24+$0x300]  }
0x298: {  	s3 =	sor.u32 s20, s19;
	v11 =	vld [tilespmem:s14+$0x280]  }
0x299: {  	v13 =	vld [tilespmem:s3+$0x180];
	_ =	sdelay $0x1  }
0x29a: {  	v12 =	vld.idx.msk [tilespmem:v12+s26+$0x0], $0xffff  }
0x29b: {  	v7 =	vld.idx.msk [tilespmem:v7+s26+$0x0], $0xffff  }
0x29c: {  	v8 =	vld.idx.msk [tilespmem:v8+s26+$0x0], $0xffff  }
0x29d: {  	v9 =	vld.idx.msk [tilespmem:v9+s26+$0x0], $0xffff  }
0x29e: {  	v10 =	vld.idx.msk [tilespmem:v10+s26+$0x0], $0xffff  }
0x29f: {  	v14 =	vld.idx.msk [tilespmem:v11+s26+$0x0], $0xffff  }
0x2a0: {  	v11 =	vld.idx.msk [tilespmem:v13+s26+$0x0], $0xffff;
	[tilespmem:s8+$0xF180] =	vst v7  }
0x2a1: {  	[tilespmem:s9+$0xE980] =	vst v8;
	v7 =	vld [tilespmem:s16+$0x500]  }
0x2a2: {  	[tilespmem:s10+$0xE180] =	vst v9;
	v8 =	vld [tilespmem:s21+$0x480]  }
0x2a3: {  	s23 =	simm.s32 $0x60;
	[tilespmem:s12+$0xD980] =	vst v10;
	v9 =	vld [tilespmem:s11+$0x400]  }
0x2a4: {  	s30 =	simm.s32 $0x380;
	s17 =	simm.s32 $0x7;
	[tilespmem:s13+$0xD180] =	vst v14;
	v10 =	vld [tilespmem:s24+$0x380];
	s16 =	sand.u32 $0x3FFFFF80, s23  }
0x2a5: {  	s19 =	simm.s32 $0x70;
	[tilespmem:s0+$0xC980] =	vst v12;
	v12 =	vld [tilespmem:s14+$0x300];
	s16 =	sor.u32 s20, s16;
	s20 =	simm.s32 $0x8  }
.LBB2_8:
0x2a6: {  	p0 =	sne.s32 s20, $0x7F;
	s23 =	sand.u32 $0x70, s19;
	s30 =	sand.u32 $0x3FFFFC00, s30;
	[tilespmem:s16+$0xC180] =	vst v11;
	v11 =	vld [tilespmem:s15+$0x280]  }
0x2a7: {  	s30 =	sor.u32 s23, s30;
	v13 =	vld [tilespmem:s3+$0x200]  }
0x2a8: {  	v14 =	vld [tilespmem:s30+$0x180]  }
0x2a9: {  	v7 =	vld.idx.msk [tilespmem:v7+s26+$0x0], $0xffff  }
0x2aa: {  	v8 =	vld.idx.msk [tilespmem:v8+s26+$0x0], $0xffff  }
0x2ab: {  	v9 =	vld.idx.msk [tilespmem:v9+s26+$0x0], $0xffff  }
0x2ac: {  	v10 =	vld.idx.msk [tilespmem:v10+s26+$0x0], $0xffff  }
0x2ad: {  	v12 =	vld.idx.msk [tilespmem:v12+s26+$0x0], $0xffff  }
0x2ae: {  	v15 =	vld.idx.msk [tilespmem:v11+s26+$0x0], $0xffff  }
0x2af: {  	v13 =	vld.idx.msk [tilespmem:v13+s26+$0x0], $0xffff;
	[tilespmem:s8+$0xF980] =	vst v7;
	s8 =	smov.u32 s9;
	s9 =	smov.u32 s10;
	s10 =	smov.u32 s12  }
0x2b0: {  	s12 =	smov.u32 s13;
	s13 =	smov.u32 s0;
	s0 =	smov.u32 s16;
	v11 =	vld.idx.msk [tilespmem:v14+s26+$0x0], $0xffff;
	[tilespmem:s8+$0xF180] =	vst v8  }
.Ltmp3:
0x2b1: {  	[tilespmem:s9+$0xE980] =	vst v9;
	v7 =	vld [tilespmem:s21+$0x500];
	s21 =	smov.u32 s11;
	s11 =	smov.u32 s24;
	(pc) =	sbr.rel @p0 .LBB2_8-.Ltmp3, $4  }
0x2b2: {  	s24 =	smov.u32 s14;
	s14 =	smov.u32 s15;
	s15 =	smov.u32 s3;
	[tilespmem:s10+$0xE180] =	vst v10;
	v8 =	vld [tilespmem:s21+$0x480]  }
0x2b3: {  	s16 =	sshll.u32 s17, $0x4;
	s17 =	smov.u32 s20;
	s3 =	smov.u32 s30;
	[tilespmem:s12+$0xD980] =	vst v12;
	v9 =	vld [tilespmem:s11+$0x400]  }
0x2b4: {  	s19 =	sadd.s32 $0x10, s19;
	s16 =	sand.u32 $0x3FFFFF80, s16;
	[tilespmem:s13+$0xD180] =	vst v15;
	v10 =	vld [tilespmem:s24+$0x380]  }
0x2b5: {  	s20 =	sadd.s32 $0x1, s20;
	s30 =	sshll.u32 s17, $0x7;
	s16 =	sor.u32 s23, s16;
	[tilespmem:s0+$0xC980] =	vst v13;
	v12 =	vld [tilespmem:s14+$0x300]  }
0x2b6: {  	s20 =	sand.u32 $0x70, s19;
	s23 =	sand.u32 $0x3FFFFC00, s30  }
0x2b7: {  	s19 =	sor.u32 s20, s23  }
0x2b8: {  	v13 =	vld [tilespmem:s19+$0x180];
	_ =	sdelay $0x7  }
0x2b9: {  	v13 =	vld.idx.msk [tilespmem:v13+s26+$0x0], $0xffff;
	_ =	sdelay $0x1  }
0x2ba: {  	s17 =	sshll.u32 s17, $0x4  }
0x2bb: {  	[tilespmem:s16+$0xC180] =	vst v11;
	s17 =	sand.u32 $0x3FFFFF80, s17  }
0x2bc: {  	v11 =	vld [tilespmem:s3+$0x200];
	s17 =	sor.u32 s20, s17  }
0x2bd: {  	[tilespmem:s17+$0xC180] =	vst v13  }
0x2be: {  	v13 =	vld [tilespmem:s19+$0x200];
	_ =	sdelay $0x5  }
0x2bf: {  	v11 =	vld.idx.msk [tilespmem:v11+s26+$0x0], $0xffff;
	_ =	sdelay $0x1  }
0x2c0: {  	v13 =	vld.idx.msk [tilespmem:v13+s26+$0x0], $0xffff;
	_ =	sdelay $0x2  }
0x2c1: {  	v14 =	vld [tilespmem:s15+$0x280];
	[tilespmem:s16+$0xC980] =	vst v11  }
0x2c2: {  	v11 =	vld [tilespmem:s3+$0x280]  }
0x2c3: {  	[tilespmem:s17+$0xC980] =	vst v13  }
0x2c4: {  	v13 =	vld [tilespmem:s19+$0x280];
	_ =	sdelay $0x4  }
0x2c5: {  	v14 =	vld.idx.msk [tilespmem:v14+s26+$0x0], $0xffff  }
0x2c6: {  	v11 =	vld.idx.msk [tilespmem:v11+s26+$0x0], $0xffff;
	_ =	sdelay $0x1  }
0x2c7: {  	v13 =	vld.idx.msk [tilespmem:v13+s26+$0x0], $0xffff;
	_ =	sdelay $0x1  }
0x2c8: {  	[tilespmem:s0+$0xD180] =	vst v14  }
0x2c9: {  	v14 =	vld [tilespmem:s15+$0x300];
	[tilespmem:s16+$0xD180] =	vst v11  }
0x2ca: {  	v11 =	vld [tilespmem:s3+$0x300]  }
0x2cb: {  	[tilespmem:s17+$0xD180] =	vst v13  }
0x2cc: {  	v13 =	vld [tilespmem:s19+$0x300];
	_ =	sdelay $0x3  }
0x2cd: {  	v12 =	vld.idx.msk [tilespmem:v12+s26+$0x0], $0xffff  }
0x2ce: {  	v14 =	vld.idx.msk [tilespmem:v14+s26+$0x0], $0xffff  }
0x2cf: {  	v11 =	vld.idx.msk [tilespmem:v11+s26+$0x0], $0xffff;
	_ =	sdelay $0x1  }
0x2d0: {  	v13 =	vld.idx.msk [tilespmem:v13+s26+$0x0], $0xffff  }
0x2d1: {  	[tilespmem:s13+$0xD980] =	vst v12  }
0x2d2: {  	v12 =	vld [tilespmem:s14+$0x380];
	[tilespmem:s0+$0xD980] =	vst v14  }
0x2d3: {  	v14 =	vld [tilespmem:s15+$0x380];
	[tilespmem:s16+$0xD980] =	vst v11  }
0x2d4: {  	v11 =	vld [tilespmem:s3+$0x380]  }
0x2d5: {  	[tilespmem:s17+$0xD980] =	vst v13  }
0x2d6: {  	v13 =	vld [tilespmem:s19+$0x380];
	_ =	sdelay $0x2  }
0x2d7: {  	v10 =	vld.idx.msk [tilespmem:v10+s26+$0x0], $0xffff  }
0x2d8: {  	v12 =	vld.idx.msk [tilespmem:v12+s26+$0x0], $0xffff  }
0x2d9: {  	v14 =	vld.idx.msk [tilespmem:v14+s26+$0x0], $0xffff  }
0x2da: {  	v11 =	vld.idx.msk [tilespmem:v11+s26+$0x0], $0xffff;
	_ =	sdelay $0x1  }
0x2db: {  	[tilespmem:s12+$0xE180] =	vst v10;
	v13 =	vld.idx.msk [tilespmem:v13+s26+$0x0], $0xffff  }
0x2dc: {  	v10 =	vld [tilespmem:s24+$0x400];
	[tilespmem:s13+$0xE180] =	vst v12  }
0x2dd: {  	v12 =	vld [tilespmem:s14+$0x400];
	[tilespmem:s0+$0xE180] =	vst v14  }
0x2de: {  	v14 =	vld [tilespmem:s15+$0x400];
	[tilespmem:s16+$0xE180] =	vst v11  }
0x2df: {  	v11 =	vld [tilespmem:s3+$0x400]  }
0x2e0: {  	[tilespmem:s17+$0xE180] =	vst v13  }
0x2e1: {  	v13 =	vld [tilespmem:s19+$0x400];
	_ =	sdelay $0x1  }
0x2e2: {  	v9 =	vld.idx.msk [tilespmem:v9+s26+$0x0], $0xffff  }
0x2e3: {  	v10 =	vld.idx.msk [tilespmem:v10+s26+$0x0], $0xffff  }
0x2e4: {  	v12 =	vld.idx.msk [tilespmem:v12+s26+$0x0], $0xffff  }
0x2e5: {  	v14 =	vld.idx.msk [tilespmem:v14+s26+$0x0], $0xffff  }
0x2e6: {  	v11 =	vld.idx.msk [tilespmem:v11+s26+$0x0], $0xffff  }
0x2e7: {  	v8 =	vld.idx.msk [tilespmem:v8+s26+$0x0], $0xffff;
	[tilespmem:s10+$0xE980] =	vst v9  }
0x2e8: {  	[tilespmem:s12+$0xE980] =	vst v10;
	v9 =	vld.idx.msk [tilespmem:v13+s26+$0x0], $0xffff  }
0x2e9: {  	v10 =	vld [tilespmem:s24+$0x480];
	[tilespmem:s13+$0xE980] =	vst v12  }
0x2ea: {  	v12 =	vld [tilespmem:s14+$0x480];
	[tilespmem:s0+$0xE980] =	vst v14  }
0x2eb: {  	v14 =	vld [tilespmem:s15+$0x480];
	[tilespmem:s16+$0xE980] =	vst v11  }
0x2ec: {  	v11 =	vld [tilespmem:s3+$0x480]  }
0x2ed: {  	v13 =	vld [tilespmem:s11+$0x480];
	[tilespmem:s17+$0xE980] =	vst v9  }
0x2ee: {  	v9 =	vld [tilespmem:s19+$0x480]  }
0x2ef: {  	v7 =	vld.idx.msk [tilespmem:v7+s26+$0x0], $0xffff;
	[tilespmem:s9+$0xF180] =	vst v8  }
0x2f0: {  	v8 =	vld [tilespmem:s21+$0x500]  }
0x2f1: {  	v10 =	vld.idx.msk [tilespmem:v10+s26+$0x0], $0xffff  }
0x2f2: {  	v12 =	vld.idx.msk [tilespmem:v12+s26+$0x0], $0xffff  }
0x2f3: {  	v14 =	vld.idx.msk [tilespmem:v14+s26+$0x0], $0xffff  }
0x2f4: {  	v11 =	vld.idx.msk [tilespmem:v11+s26+$0x0], $0xffff  }
0x2f5: {  	v13 =	vld.idx.msk [tilespmem:v13+s26+$0x0], $0xffff  }
0x2f6: {  	[tilespmem:s12+$0xF180] =	vst v10;
	v9 =	vld.idx.msk [tilespmem:v9+s26+$0x0], $0xffff  }
0x2f7: {  	v10 =	vld [tilespmem:s24+$0x500];
	[tilespmem:s13+$0xF180] =	vst v12  }
0x2f8: {  	v12 =	vld [tilespmem:s14+$0x500];
	[tilespmem:s0+$0xF180] =	vst v14  }
0x2f9: {  	v14 =	vld [tilespmem:s15+$0x500];
	[tilespmem:s16+$0xF180] =	vst v11  }
0x2fa: {  	v11 =	vld [tilespmem:s3+$0x500];
	[tilespmem:s10+$0xF180] =	vst v13  }
0x2fb: {  	v13 =	vld [tilespmem:s11+$0x500];
	[tilespmem:s17+$0xF180] =	vst v9  }
0x2fc: {  	v9 =	vld [tilespmem:s19+$0x500]  }
0x2fd: {  	v8 =	vld.idx.msk [tilespmem:v8+s26+$0x0], $0xffff;
	_ =	sdelay $0x1  }
0x2fe: {  	v10 =	vld.idx.msk [tilespmem:v10+s26+$0x0], $0xffff  }
0x2ff: {  	v12 =	vld.idx.msk [tilespmem:v12+s26+$0x0], $0xffff  }
0x300: {  	[tilespmem:s8+$0xF980] =	vst v7;
	v7 =	vld.idx.msk [tilespmem:v14+s26+$0x0], $0xffff  }
0x301: {  	[tilespmem:s9+$0xF980] =	vst v8;
	v8 =	vld.idx.msk [tilespmem:v11+s26+$0x0], $0xffff  }
0x302: {  	v13 =	vld.idx.msk [tilespmem:v13+s26+$0x0], $0xffff  }
0x303: {  	[tilespmem:s12+$0xF980] =	vst v10;
	v9 =	vld.idx.msk [tilespmem:v9+s26+$0x0], $0xffff  }
0x304: {  	[tilespmem:s13+$0xF980] =	vst v12  }
0x305: {  	[tilespmem:s0+$0xF980] =	vst v7  }
0x306: {  	[tilespmem:s16+$0xF980] =	vst v8  }
0x307: {  	[tilespmem:s10+$0xF980] =	vst v13  }
0x308: {  	[tilespmem:s17+$0xF980] =	vst v9  }
0x309: {  	s8 =	simm.s32 $0xC180;
	s0 =	rddreg [dreg:$0xf]  }
0x30a: {  	[hbm4b:s0+s28] =	stream.strided.scatter [tilespmem:s8], [sflag:$0x4], $0x4000, s29, s28, $0x38;
	[tilespmem:$0x18180] =	vst v63  }
0x30b: {  	s9 =	simm.s32 $0x0;
	s11 =	simm.s32 $0x180;
	s10 =	rddreg [dreg:$0x10]  }
0x30c: {  	[tilespmem:s11], [sflag:$0x1] =	stream.linear.gather [hbm4b:s10+s9], $0x1000, $0x38;
	[tilespmem:$0x18180] =	vst v63  }
0x30d: {  	_ =	swait.ge [sflag:s31], $0x4000  }
0x30e: {  	[sflag:s31] =	ssyncset.done $0x0  }
0x30f: {  	[sflag:s31] =	ssyncadd.s32 $0xFFFFC000  }
0x310: {  	s12 =	simm.s32 $0x0;
	_ =	swait.ge [sflag:s5], $0x4000  }
0x311: {  	s3 =	sand.u32 $0x3FFFFC00, s12;
	s0 =	sand.u32 $0x70, s9;
	[sflag:s5] =	ssyncset.done $0x0  }
0x312: {  	s16 =	sor.u32 s0, s3;
	[sflag:s5] =	ssyncadd.s32 $0xFFFFC000  }
0x313: {  	v7 =	vld [tilespmem:s16+$0x4180];
	_ =	sdelay $0x7  }
0x314: {  	v7 =	vld.idx.msk [tilespmem:v7+s26+$0x0], $0xffff;
	_ =	sdelay $0x1  }
0x315: {  	s13 =	simm.s32 $0x0  }
0x316: {  	s3 =	sand.u32 $0x3FFFFF80, s13  }
0x317: {  	s14 =	simm.s32 $0x10;
	s15 =	simm.s32 $0x80;
	s8 =	sor.u32 s0, s3  }
0x318: {  	s19 =	sand.u32 $0x3FFFFC00, s15;
	s17 =	sand.u32 $0x70, s14;
	[tilespmem:s8+$0x10180] =	vst v7  }
0x319: {  	s21 =	sor.u32 s17, s19;
	v7 =	vld [tilespmem:s16+$0x4200]  }
0x31a: {  	v8 =	vld [tilespmem:s21+$0x4180];
	_ =	sdelay $0x6  }
0x31b: {  	v7 =	vld.idx.msk [tilespmem:v7+s26+$0x0], $0xffff  }
0x31c: {  	v8 =	vld.idx.msk [tilespmem:v8+s26+$0x0], $0xffff;
	_ =	sdelay $0x1  }
0x31d: {  	s20 =	simm.s32 $0x10  }
0x31e: {  	s3 =	sand.u32 $0x3FFFFF80, s20  }
0x31f: {  	s23 =	simm.s32 $0x20;
	s24 =	simm.s32 $0x100;
	s9 =	sor.u32 s17, s3;
	[tilespmem:s8+$0x10980] =	vst v7  }
0x320: {  	s10 =	sand.u32 $0x70, s23;
	s11 =	sand.u32 $0x3FFFFC00, s24;
	[tilespmem:s9+$0x10180] =	vst v8;
	v7 =	vld [tilespmem:s16+$0x4280]  }
0x321: {  	s11 =	sor.u32 s10, s11;
	v8 =	vld [tilespmem:s21+$0x4200]  }
0x322: {  	v9 =	vld [tilespmem:s11+$0x4180];
	_ =	sdelay $0x5  }
0x323: {  	v7 =	vld.idx.msk [tilespmem:v7+s26+$0x0], $0xffff  }
0x324: {  	v8 =	vld.idx.msk [tilespmem:v8+s26+$0x0], $0xffff  }
0x325: {  	v9 =	vld.idx.msk [tilespmem:v9+s26+$0x0], $0xffff;
	_ =	sdelay $0x1  }
0x326: {  	s12 =	simm.s32 $0x20  }
0x327: {  	s3 =	sand.u32 $0x3FFFFF80, s12;
	[tilespmem:s8+$0x11180] =	vst v7  }
0x328: {  	s14 =	simm.s32 $0x180;
	s13 =	simm.s32 $0x30;
	s10 =	sor.u32 s10, s3;
	[tilespmem:s9+$0x10980] =	vst v8;
	v7 =	vld [tilespmem:s16+$0x4300]  }
0x329: {  	s15 =	sand.u32 $0x70, s13;
	s17 =	sand.u32 $0x3FFFFC00, s14;
	[tilespmem:s10+$0x10180] =	vst v9;
	v8 =	vld [tilespmem:s21+$0x4280]  }
0x32a: {  	s24 =	sor.u32 s15, s17;
	v9 =	vld [tilespmem:s11+$0x4200]  }
0x32b: {  	v10 =	vld [tilespmem:s24+$0x4180];
	_ =	sdelay $0x4  }
0x32c: {  	v7 =	vld.idx.msk [tilespmem:v7+s26+$0x0], $0xffff  }
0x32d: {  	v8 =	vld.idx.msk [tilespmem:v8+s26+$0x0], $0xffff  }
0x32e: {  	v9 =	vld.idx.msk [tilespmem:v9+s26+$0x0], $0xffff  }
0x32f: {  	v10 =	vld.idx.msk [tilespmem:v10+s26+$0x0], $0xffff;
	_ =	sdelay $0x1  }
0x330: {  	s19 =	simm.s32 $0x30;
	[tilespmem:s8+$0x11980] =	vst v7  }
0x331: {  	s3 =	sand.u32 $0x3FFFFF80, s19;
	[tilespmem:s9+$0x11180] =	vst v8;
	v7 =	vld [tilespmem:s16+$0x4380]  }
0x332: {  	s20 =	simm.s32 $0x40;
	s23 =	simm.s32 $0x200;
	s12 =	sor.u32 s15, s3;
	[tilespmem:s10+$0x10980] =	vst v9;
	v8 =	vld [tilespmem:s21+$0x4300]  }
0x333: {  	s17 =	sand.u32 $0x3FFFFC00, s23;
	s15 =	sand.u32 $0x70, s20;
	[tilespmem:s12+$0x10180] =	vst v10;
	v9 =	vld [tilespmem:s11+$0x4280]  }
0x334: {  	s14 =	sor.u32 s15, s17;
	v10 =	vld [tilespmem:s24+$0x4200]  }
0x335: {  	v11 =	vld [tilespmem:s14+$0x4180];
	_ =	sdelay $0x3  }
0x336: {  	v7 =	vld.idx.msk [tilespmem:v7+s26+$0x0], $0xffff  }
0x337: {  	s19 =	simm.s32 $0x40;
	v8 =	vld.idx.msk [tilespmem:v8+s26+$0x0], $0xffff  }
0x338: {  	s23 =	simm.s32 $0x280;
	s3 =	sand.u32 $0x3FFFFF80, s19;
	s20 =	simm.s32 $0x50;
	v9 =	vld.idx.msk [tilespmem:v9+s26+$0x0], $0xffff  }
0x339: {  	s0 =	sand.u32 $0x70, s20;
	s17 =	sand.u32 $0x3FFFFC00, s23;
	v10 =	vld.idx.msk [tilespmem:v10+s26+$0x0], $0xffff  }
0x33a: {  	s13 =	sor.u32 s15, s3;
	s15 =	sor.u32 s0, s17;
	v11 =	vld.idx.msk [tilespmem:v11+s26+$0x0], $0xffff  }
0x33b: {  	v12 =	vld [tilespmem:s15+$0x4180];
	[tilespmem:s8+$0x12180] =	vst v7  }
0x33c: {  	[tilespmem:s9+$0x11980] =	vst v8;
	v7 =	vld [tilespmem:s16+$0x4400]  }
0x33d: {  	[tilespmem:s10+$0x11180] =	vst v9;
	v8 =	vld [tilespmem:s21+$0x4380]  }
0x33e: {  	[tilespmem:s12+$0x10980] =	vst v10;
	v9 =	vld [tilespmem:s11+$0x4300]  }
0x33f: {  	[tilespmem:s13+$0x10180] =	vst v11;
	v10 =	vld [tilespmem:s24+$0x4280]  }
0x340: {  	v11 =	vld [tilespmem:s14+$0x4200];
	_ =	sdelay $0x2  }
0x341: {  	v12 =	vld.idx.msk [tilespmem:v12+s26+$0x0], $0xffff  }
0x342: {  	v7 =	vld.idx.msk [tilespmem:v7+s26+$0x0], $0xffff  }
0x343: {  	s19 =	simm.s32 $0x50;
	v8 =	vld.idx.msk [tilespmem:v8+s26+$0x0], $0xffff  }
0x344: {  	s3 =	sand.u32 $0x3FFFFF80, s19;
	v9 =	vld.idx.msk [tilespmem:v9+s26+$0x0], $0xffff  }
0x345: {  	s0 =	sor.u32 s0, s3;
	v10 =	vld.idx.msk [tilespmem:v10+s26+$0x0], $0xffff  }
0x346: {  	[tilespmem:s0+$0x10180] =	vst v12;
	v11 =	vld.idx.msk [tilespmem:v11+s26+$0x0], $0xffff  }
0x347: {  	v12 =	vld [tilespmem:s15+$0x4200];
	[tilespmem:s8+$0x12980] =	vst v7  }
0x348: {  	[tilespmem:s9+$0x12180] =	vst v8;
	v7 =	vld [tilespmem:s16+$0x4480]  }
0x349: {  	[tilespmem:s10+$0x11980] =	vst v9;
	v8 =	vld [tilespmem:s21+$0x4400]  }
0x34a: {  	s20 =	simm.s32 $0x60;
	s23 =	simm.s32 $0x300;
	[tilespmem:s12+$0x11180] =	vst v10;
	v9 =	vld [tilespmem:s11+$0x4380]  }
0x34b: {  	s20 =	sand.u32 $0x70, s20;
	s19 =	sand.u32 $0x3FFFFC00, s23;
	[tilespmem:s13+$0x10980] =	vst v11;
	v10 =	vld [tilespmem:s24+$0x4300]  }
0x34c: {  	s3 =	sor.u32 s20, s19;
	v11 =	vld [tilespmem:s14+$0x4280]  }
0x34d: {  	v13 =	vld [tilespmem:s3+$0x4180];
	_ =	sdelay $0x1  }
0x34e: {  	v12 =	vld.idx.msk [tilespmem:v12+s26+$0x0], $0xffff  }
0x34f: {  	v7 =	vld.idx.msk [tilespmem:v7+s26+$0x0], $0xffff  }
0x350: {  	v8 =	vld.idx.msk [tilespmem:v8+s26+$0x0], $0xffff  }
0x351: {  	v9 =	vld.idx.msk [tilespmem:v9+s26+$0x0], $0xffff  }
0x352: {  	v10 =	vld.idx.msk [tilespmem:v10+s26+$0x0], $0xffff  }
0x353: {  	v14 =	vld.idx.msk [tilespmem:v11+s26+$0x0], $0xffff  }
0x354: {  	v11 =	vld.idx.msk [tilespmem:v13+s26+$0x0], $0xffff;
	[tilespmem:s8+$0x13180] =	vst v7  }
0x355: {  	[tilespmem:s9+$0x12980] =	vst v8;
	v7 =	vld [tilespmem:s16+$0x4500]  }
0x356: {  	[tilespmem:s10+$0x12180] =	vst v9;
	v8 =	vld [tilespmem:s21+$0x4480]  }
0x357: {  	s23 =	simm.s32 $0x60;
	[tilespmem:s12+$0x11980] =	vst v10;
	v9 =	vld [tilespmem:s11+$0x4400]  }
0x358: {  	s30 =	simm.s32 $0x380;
	s17 =	simm.s32 $0x7;
	[tilespmem:s13+$0x11180] =	vst v14;
	v10 =	vld [tilespmem:s24+$0x4380];
	s16 =	sand.u32 $0x3FFFFF80, s23  }
0x359: {  	s19 =	simm.s32 $0x70;
	[tilespmem:s0+$0x10980] =	vst v12;
	v12 =	vld [tilespmem:s14+$0x4300];
	s16 =	sor.u32 s20, s16;
	s20 =	simm.s32 $0x8  }
.LBB2_10:
0x35a: {  	p0 =	sne.s32 s20, $0x7F;
	s23 =	sand.u32 $0x70, s19;
	s30 =	sand.u32 $0x3FFFFC00, s30;
	[tilespmem:s16+$0x10180] =	vst v11;
	v11 =	vld [tilespmem:s15+$0x4280]  }
0x35b: {  	s30 =	sor.u32 s23, s30;
	v13 =	vld [tilespmem:s3+$0x4200]  }
0x35c: {  	v14 =	vld [tilespmem:s30+$0x4180]  }
0x35d: {  	v7 =	vld.idx.msk [tilespmem:v7+s26+$0x0], $0xffff  }
0x35e: {  	v8 =	vld.idx.msk [tilespmem:v8+s26+$0x0], $0xffff  }
0x35f: {  	v9 =	vld.idx.msk [tilespmem:v9+s26+$0x0], $0xffff  }
0x360: {  	v10 =	vld.idx.msk [tilespmem:v10+s26+$0x0], $0xffff  }
0x361: {  	v12 =	vld.idx.msk [tilespmem:v12+s26+$0x0], $0xffff  }
0x362: {  	v15 =	vld.idx.msk [tilespmem:v11+s26+$0x0], $0xffff  }
0x363: {  	v13 =	vld.idx.msk [tilespmem:v13+s26+$0x0], $0xffff;
	[tilespmem:s8+$0x13980] =	vst v7;
	s8 =	smov.u32 s9;
	s9 =	smov.u32 s10;
	s10 =	smov.u32 s12  }
0x364: {  	s12 =	smov.u32 s13;
	s13 =	smov.u32 s0;
	s0 =	smov.u32 s16;
	v11 =	vld.idx.msk [tilespmem:v14+s26+$0x0], $0xffff;
	[tilespmem:s8+$0x13180] =	vst v8  }
.Ltmp4:
0x365: {  	[tilespmem:s9+$0x12980] =	vst v9;
	v7 =	vld [tilespmem:s21+$0x4500];
	s21 =	smov.u32 s11;
	s11 =	smov.u32 s24;
	(pc) =	sbr.rel @p0 .LBB2_10-.Ltmp4, $4  }
0x366: {  	s24 =	smov.u32 s14;
	s14 =	smov.u32 s15;
	s15 =	smov.u32 s3;
	[tilespmem:s10+$0x12180] =	vst v10;
	v8 =	vld [tilespmem:s21+$0x4480]  }
0x367: {  	s16 =	sshll.u32 s17, $0x4;
	s17 =	smov.u32 s20;
	s3 =	smov.u32 s30;
	[tilespmem:s12+$0x11980] =	vst v12;
	v9 =	vld [tilespmem:s11+$0x4400]  }
0x368: {  	s19 =	sadd.s32 $0x10, s19;
	s16 =	sand.u32 $0x3FFFFF80, s16;
	[tilespmem:s13+$0x11180] =	vst v15;
	v10 =	vld [tilespmem:s24+$0x4380]  }
0x369: {  	s20 =	sadd.s32 $0x1, s20;
	s30 =	sshll.u32 s17, $0x7;
	s16 =	sor.u32 s23, s16;
	[tilespmem:s0+$0x10980] =	vst v13;
	v12 =	vld [tilespmem:s14+$0x4300]  }
0x36a: {  	s20 =	sand.u32 $0x70, s19;
	s23 =	sand.u32 $0x3FFFFC00, s30  }
0x36b: {  	s19 =	sor.u32 s20, s23  }
0x36c: {  	v13 =	vld [tilespmem:s19+$0x4180];
	_ =	sdelay $0x7  }
0x36d: {  	v13 =	vld.idx.msk [tilespmem:v13+s26+$0x0], $0xffff;
	_ =	sdelay $0x1  }
0x36e: {  	s17 =	sshll.u32 s17, $0x4  }
0x36f: {  	[tilespmem:s16+$0x10180] =	vst v11;
	s17 =	sand.u32 $0x3FFFFF80, s17  }
0x370: {  	v11 =	vld [tilespmem:s3+$0x4200];
	s17 =	sor.u32 s20, s17  }
0x371: {  	[tilespmem:s17+$0x10180] =	vst v13  }
0x372: {  	v13 =	vld [tilespmem:s19+$0x4200];
	_ =	sdelay $0x5  }
0x373: {  	v11 =	vld.idx.msk [tilespmem:v11+s26+$0x0], $0xffff;
	_ =	sdelay $0x1  }
0x374: {  	v13 =	vld.idx.msk [tilespmem:v13+s26+$0x0], $0xffff;
	_ =	sdelay $0x2  }
0x375: {  	v14 =	vld [tilespmem:s15+$0x4280];
	[tilespmem:s16+$0x10980] =	vst v11  }
0x376: {  	v11 =	vld [tilespmem:s3+$0x4280]  }
0x377: {  	[tilespmem:s17+$0x10980] =	vst v13  }
0x378: {  	v13 =	vld [tilespmem:s19+$0x4280];
	_ =	sdelay $0x4  }
0x379: {  	v14 =	vld.idx.msk [tilespmem:v14+s26+$0x0], $0xffff  }
0x37a: {  	v11 =	vld.idx.msk [tilespmem:v11+s26+$0x0], $0xffff;
	_ =	sdelay $0x1  }
0x37b: {  	v13 =	vld.idx.msk [tilespmem:v13+s26+$0x0], $0xffff;
	_ =	sdelay $0x1  }
0x37c: {  	[tilespmem:s0+$0x11180] =	vst v14  }
0x37d: {  	v14 =	vld [tilespmem:s15+$0x4300];
	[tilespmem:s16+$0x11180] =	vst v11  }
0x37e: {  	v11 =	vld [tilespmem:s3+$0x4300]  }
0x37f: {  	[tilespmem:s17+$0x11180] =	vst v13  }
0x380: {  	v13 =	vld [tilespmem:s19+$0x4300];
	_ =	sdelay $0x3  }
0x381: {  	v12 =	vld.idx.msk [tilespmem:v12+s26+$0x0], $0xffff  }
0x382: {  	v14 =	vld.idx.msk [tilespmem:v14+s26+$0x0], $0xffff  }
0x383: {  	v11 =	vld.idx.msk [tilespmem:v11+s26+$0x0], $0xffff;
	_ =	sdelay $0x1  }
0x384: {  	v13 =	vld.idx.msk [tilespmem:v13+s26+$0x0], $0xffff  }
0x385: {  	[tilespmem:s13+$0x11980] =	vst v12  }
0x386: {  	v12 =	vld [tilespmem:s14+$0x4380];
	[tilespmem:s0+$0x11980] =	vst v14  }
0x387: {  	v14 =	vld [tilespmem:s15+$0x4380];
	[tilespmem:s16+$0x11980] =	vst v11  }
0x388: {  	v11 =	vld [tilespmem:s3+$0x4380]  }
0x389: {  	[tilespmem:s17+$0x11980] =	vst v13  }
0x38a: {  	v13 =	vld [tilespmem:s19+$0x4380];
	_ =	sdelay $0x2  }
0x38b: {  	v10 =	vld.idx.msk [tilespmem:v10+s26+$0x0], $0xffff  }
0x38c: {  	v12 =	vld.idx.msk [tilespmem:v12+s26+$0x0], $0xffff  }
0x38d: {  	v14 =	vld.idx.msk [tilespmem:v14+s26+$0x0], $0xffff  }
0x38e: {  	v11 =	vld.idx.msk [tilespmem:v11+s26+$0x0], $0xffff;
	_ =	sdelay $0x1  }
0x38f: {  	[tilespmem:s12+$0x12180] =	vst v10;
	v13 =	vld.idx.msk [tilespmem:v13+s26+$0x0], $0xffff  }
0x390: {  	v10 =	vld [tilespmem:s24+$0x4400];
	[tilespmem:s13+$0x12180] =	vst v12  }
0x391: {  	v12 =	vld [tilespmem:s14+$0x4400];
	[tilespmem:s0+$0x12180] =	vst v14  }
0x392: {  	v14 =	vld [tilespmem:s15+$0x4400];
	[tilespmem:s16+$0x12180] =	vst v11  }
0x393: {  	v11 =	vld [tilespmem:s3+$0x4400]  }
0x394: {  	[tilespmem:s17+$0x12180] =	vst v13  }
0x395: {  	v13 =	vld [tilespmem:s19+$0x4400];
	_ =	sdelay $0x1  }
0x396: {  	v9 =	vld.idx.msk [tilespmem:v9+s26+$0x0], $0xffff  }
0x397: {  	v10 =	vld.idx.msk [tilespmem:v10+s26+$0x0], $0xffff  }
0x398: {  	v12 =	vld.idx.msk [tilespmem:v12+s26+$0x0], $0xffff  }
0x399: {  	v14 =	vld.idx.msk [tilespmem:v14+s26+$0x0], $0xffff  }
0x39a: {  	v11 =	vld.idx.msk [tilespmem:v11+s26+$0x0], $0xffff  }
0x39b: {  	v8 =	vld.idx.msk [tilespmem:v8+s26+$0x0], $0xffff;
	[tilespmem:s10+$0x12980] =	vst v9  }
0x39c: {  	[tilespmem:s12+$0x12980] =	vst v10;
	v9 =	vld.idx.msk [tilespmem:v13+s26+$0x0], $0xffff  }
0x39d: {  	v10 =	vld [tilespmem:s24+$0x4480];
	[tilespmem:s13+$0x12980] =	vst v12  }
0x39e: {  	v12 =	vld [tilespmem:s14+$0x4480];
	[tilespmem:s0+$0x12980] =	vst v14  }
0x39f: {  	v14 =	vld [tilespmem:s15+$0x4480];
	[tilespmem:s16+$0x12980] =	vst v11  }
0x3a0: {  	v11 =	vld [tilespmem:s3+$0x4480]  }
0x3a1: {  	v13 =	vld [tilespmem:s11+$0x4480];
	[tilespmem:s17+$0x12980] =	vst v9  }
0x3a2: {  	v9 =	vld [tilespmem:s19+$0x4480]  }
0x3a3: {  	v7 =	vld.idx.msk [tilespmem:v7+s26+$0x0], $0xffff;
	[tilespmem:s9+$0x13180] =	vst v8  }
0x3a4: {  	v8 =	vld [tilespmem:s21+$0x4500]  }
0x3a5: {  	v10 =	vld.idx.msk [tilespmem:v10+s26+$0x0], $0xffff  }
0x3a6: {  	v12 =	vld.idx.msk [tilespmem:v12+s26+$0x0], $0xffff  }
0x3a7: {  	v14 =	vld.idx.msk [tilespmem:v14+s26+$0x0], $0xffff  }
0x3a8: {  	v11 =	vld.idx.msk [tilespmem:v11+s26+$0x0], $0xffff  }
0x3a9: {  	v13 =	vld.idx.msk [tilespmem:v13+s26+$0x0], $0xffff  }
0x3aa: {  	[tilespmem:s12+$0x13180] =	vst v10;
	v9 =	vld.idx.msk [tilespmem:v9+s26+$0x0], $0xffff  }
0x3ab: {  	v10 =	vld [tilespmem:s24+$0x4500];
	[tilespmem:s13+$0x13180] =	vst v12  }
0x3ac: {  	v12 =	vld [tilespmem:s14+$0x4500];
	[tilespmem:s0+$0x13180] =	vst v14  }
0x3ad: {  	v14 =	vld [tilespmem:s15+$0x4500];
	[tilespmem:s16+$0x13180] =	vst v11  }
0x3ae: {  	v11 =	vld [tilespmem:s3+$0x4500];
	[tilespmem:s10+$0x13180] =	vst v13  }
0x3af: {  	v13 =	vld [tilespmem:s11+$0x4500];
	[tilespmem:s17+$0x13180] =	vst v9  }
0x3b0: {  	v9 =	vld [tilespmem:s19+$0x4500]  }
0x3b1: {  	v8 =	vld.idx.msk [tilespmem:v8+s26+$0x0], $0xffff;
	_ =	sdelay $0x1  }
0x3b2: {  	v10 =	vld.idx.msk [tilespmem:v10+s26+$0x0], $0xffff  }
0x3b3: {  	v12 =	vld.idx.msk [tilespmem:v12+s26+$0x0], $0xffff  }
0x3b4: {  	[tilespmem:s8+$0x13980] =	vst v7;
	v7 =	vld.idx.msk [tilespmem:v14+s26+$0x0], $0xffff  }
0x3b5: {  	[tilespmem:s9+$0x13980] =	vst v8;
	v8 =	vld.idx.msk [tilespmem:v11+s26+$0x0], $0xffff  }
0x3b6: {  	v13 =	vld.idx.msk [tilespmem:v13+s26+$0x0], $0xffff  }
0x3b7: {  	[tilespmem:s12+$0x13980] =	vst v10;
	v9 =	vld.idx.msk [tilespmem:v9+s26+$0x0], $0xffff  }
0x3b8: {  	[tilespmem:s13+$0x13980] =	vst v12  }
0x3b9: {  	[tilespmem:s0+$0x13980] =	vst v7  }
0x3ba: {  	[tilespmem:s16+$0x13980] =	vst v8  }
0x3bb: {  	[tilespmem:s10+$0x13980] =	vst v13  }
0x3bc: {  	[tilespmem:s17+$0x13980] =	vst v9  }
0x3bd: {  	s10 =	simm.s32 $0x10180;
	s0 =	rddreg [dreg:$0x11]  }
0x3be: {  	[hbm4b:s0+s28] =	stream.strided.scatter [tilespmem:s10], [sflag:$0x5], $0x4000, s29, s28, $0x38;
	[tilespmem:$0x18180] =	vst v63  }
0x3bf: {  	_ =	swait.ge [sflag:s1], $0x4000  }
0x3c0: {  	[sflag:s1] =	ssyncset.done $0x0  }
0x3c1: {  	[sflag:s1] =	ssyncadd.s32 $0xFFFFC000  }
0x3c2: {  	s12 =	simm.s32 $0x0;
	s11 =	simm.s32 $0x0;
	_ =	swait.ge [sflag:s6], $0x4000  }
0x3c3: {  	s3 =	sand.u32 $0x3FFFFC00, s12;
	s0 =	sand.u32 $0x70, s11;
	[sflag:s6] =	ssyncset.done $0x0  }
0x3c4: {  	s16 =	sor.u32 s0, s3;
	[sflag:s6] =	ssyncadd.s32 $0xFFFFC000  }
0x3c5: {  	v7 =	vld [tilespmem:s16+$0x8180];
	_ =	sdelay $0x7  }
0x3c6: {  	v7 =	vld.idx.msk [tilespmem:v7+s26+$0x0], $0xffff;
	_ =	sdelay $0x1  }
0x3c7: {  	s13 =	simm.s32 $0x0  }
0x3c8: {  	s3 =	sand.u32 $0x3FFFFF80, s13  }
0x3c9: {  	s14 =	simm.s32 $0x10;
	s15 =	simm.s32 $0x80;
	s8 =	sor.u32 s0, s3  }
0x3ca: {  	s19 =	sand.u32 $0x3FFFFC00, s15;
	s17 =	sand.u32 $0x70, s14;
	[tilespmem:s8+$0x14180] =	vst v7  }
0x3cb: {  	s21 =	sor.u32 s17, s19;
	v7 =	vld [tilespmem:s16+$0x8200]  }
0x3cc: {  	v8 =	vld [tilespmem:s21+$0x8180];
	_ =	sdelay $0x6  }
0x3cd: {  	v7 =	vld.idx.msk [tilespmem:v7+s26+$0x0], $0xffff  }
0x3ce: {  	v8 =	vld.idx.msk [tilespmem:v8+s26+$0x0], $0xffff;
	_ =	sdelay $0x1  }
0x3cf: {  	s20 =	simm.s32 $0x10  }
0x3d0: {  	s3 =	sand.u32 $0x3FFFFF80, s20  }
0x3d1: {  	s23 =	simm.s32 $0x20;
	s24 =	simm.s32 $0x100;
	s9 =	sor.u32 s17, s3;
	[tilespmem:s8+$0x14980] =	vst v7  }
0x3d2: {  	s10 =	sand.u32 $0x70, s23;
	s11 =	sand.u32 $0x3FFFFC00, s24;
	[tilespmem:s9+$0x14180] =	vst v8;
	v7 =	vld [tilespmem:s16+$0x8280]  }
0x3d3: {  	s11 =	sor.u32 s10, s11;
	v8 =	vld [tilespmem:s21+$0x8200]  }
0x3d4: {  	v9 =	vld [tilespmem:s11+$0x8180];
	_ =	sdelay $0x5  }
0x3d5: {  	v7 =	vld.idx.msk [tilespmem:v7+s26+$0x0], $0xffff  }
0x3d6: {  	v8 =	vld.idx.msk [tilespmem:v8+s26+$0x0], $0xffff  }
0x3d7: {  	v9 =	vld.idx.msk [tilespmem:v9+s26+$0x0], $0xffff;
	_ =	sdelay $0x1  }
0x3d8: {  	s12 =	simm.s32 $0x20  }
0x3d9: {  	s3 =	sand.u32 $0x3FFFFF80, s12;
	[tilespmem:s8+$0x15180] =	vst v7  }
0x3da: {  	s14 =	simm.s32 $0x180;
	s13 =	simm.s32 $0x30;
	s10 =	sor.u32 s10, s3;
	[tilespmem:s9+$0x14980] =	vst v8;
	v7 =	vld [tilespmem:s16+$0x8300]  }
0x3db: {  	s15 =	sand.u32 $0x70, s13;
	s17 =	sand.u32 $0x3FFFFC00, s14;
	[tilespmem:s10+$0x14180] =	vst v9;
	v8 =	vld [tilespmem:s21+$0x8280]  }
0x3dc: {  	s24 =	sor.u32 s15, s17;
	v9 =	vld [tilespmem:s11+$0x8200]  }
0x3dd: {  	v10 =	vld [tilespmem:s24+$0x8180];
	_ =	sdelay $0x4  }
0x3de: {  	v7 =	vld.idx.msk [tilespmem:v7+s26+$0x0], $0xffff  }
0x3df: {  	v8 =	vld.idx.msk [tilespmem:v8+s26+$0x0], $0xffff  }
0x3e0: {  	v9 =	vld.idx.msk [tilespmem:v9+s26+$0x0], $0xffff  }
0x3e1: {  	v10 =	vld.idx.msk [tilespmem:v10+s26+$0x0], $0xffff;
	_ =	sdelay $0x1  }
0x3e2: {  	s19 =	simm.s32 $0x30;
	[tilespmem:s8+$0x15980] =	vst v7  }
0x3e3: {  	s3 =	sand.u32 $0x3FFFFF80, s19;
	[tilespmem:s9+$0x15180] =	vst v8;
	v7 =	vld [tilespmem:s16+$0x8380]  }
0x3e4: {  	s23 =	simm.s32 $0x200;
	s20 =	simm.s32 $0x40;
	s12 =	sor.u32 s15, s3;
	[tilespmem:s10+$0x14980] =	vst v9;
	v8 =	vld [tilespmem:s21+$0x8300]  }
0x3e5: {  	s13 =	sand.u32 $0x70, s20;
	s15 =	sand.u32 $0x3FFFFC00, s23;
	[tilespmem:s12+$0x14180] =	vst v10;
	v9 =	vld [tilespmem:s11+$0x8280]  }
0x3e6: {  	s14 =	sor.u32 s13, s15;
	v10 =	vld [tilespmem:s24+$0x8200]  }
0x3e7: {  	v11 =	vld [tilespmem:s14+$0x8180];
	_ =	sdelay $0x3  }
0x3e8: {  	v7 =	vld.idx.msk [tilespmem:v7+s26+$0x0], $0xffff  }
0x3e9: {  	v8 =	vld.idx.msk [tilespmem:v8+s26+$0x0], $0xffff  }
0x3ea: {  	s20 =	simm.s32 $0x280;
	s19 =	simm.s32 $0x50;
	v9 =	vld.idx.msk [tilespmem:v9+s26+$0x0], $0xffff  }
0x3eb: {  	s23 =	sand.u32 $0x70, s19;
	s15 =	sand.u32 $0x3FFFFC00, s20;
	v10 =	vld.idx.msk [tilespmem:v10+s26+$0x0], $0xffff  }
0x3ec: {  	s15 =	sor.u32 s23, s15;
	v11 =	vld.idx.msk [tilespmem:v11+s26+$0x0], $0xffff  }
0x3ed: {  	v12 =	vld [tilespmem:s15+$0x8180];
	[tilespmem:s8+$0x16180] =	vst v7  }
0x3ee: {  	s17 =	simm.s32 $0x40;
	[tilespmem:s9+$0x15980] =	vst v8;
	v7 =	vld [tilespmem:s16+$0x8400]  }
0x3ef: {  	s3 =	sand.u32 $0x3FFFFF80, s17;
	[tilespmem:s10+$0x15180] =	vst v9;
	v8 =	vld [tilespmem:s21+$0x8380]  }
0x3f0: {  	s13 =	sor.u32 s13, s3;
	[tilespmem:s12+$0x14980] =	vst v10;
	v9 =	vld [tilespmem:s11+$0x8300]  }
0x3f1: {  	[tilespmem:s13+$0x14180] =	vst v11;
	v10 =	vld [tilespmem:s24+$0x8280]  }
0x3f2: {  	v11 =	vld [tilespmem:s14+$0x8200];
	_ =	sdelay $0x2  }
0x3f3: {  	v12 =	vld.idx.msk [tilespmem:v12+s26+$0x0], $0xffff  }
0x3f4: {  	v7 =	vld.idx.msk [tilespmem:v7+s26+$0x0], $0xffff  }
0x3f5: {  	s17 =	simm.s32 $0x50;
	v8 =	vld.idx.msk [tilespmem:v8+s26+$0x0], $0xffff  }
0x3f6: {  	s3 =	sand.u32 $0x3FFFFF80, s17;
	v9 =	vld.idx.msk [tilespmem:v9+s26+$0x0], $0xffff  }
0x3f7: {  	s0 =	sor.u32 s23, s3;
	v10 =	vld.idx.msk [tilespmem:v10+s26+$0x0], $0xffff  }
0x3f8: {  	[tilespmem:s0+$0x14180] =	vst v12;
	v11 =	vld.idx.msk [tilespmem:v11+s26+$0x0], $0xffff  }
0x3f9: {  	v12 =	vld [tilespmem:s15+$0x8200];
	[tilespmem:s8+$0x16980] =	vst v7  }
0x3fa: {  	[tilespmem:s9+$0x16180] =	vst v8;
	v7 =	vld [tilespmem:s16+$0x8480]  }
0x3fb: {  	[tilespmem:s10+$0x15980] =	vst v9;
	v8 =	vld [tilespmem:s21+$0x8400]  }
0x3fc: {  	s19 =	simm.s32 $0x60;
	s20 =	simm.s32 $0x300;
	[tilespmem:s12+$0x15180] =	vst v10;
	v9 =	vld [tilespmem:s11+$0x8380]  }
0x3fd: {  	s23 =	sand.u32 $0x70, s19;
	s19 =	sand.u32 $0x3FFFFC00, s20;
	[tilespmem:s13+$0x14980] =	vst v11;
	v10 =	vld [tilespmem:s24+$0x8300]  }
0x3fe: {  	s3 =	sor.u32 s23, s19;
	v11 =	vld [tilespmem:s14+$0x8280]  }
0x3ff: {  	v13 =	vld [tilespmem:s3+$0x8180];
	_ =	sdelay $0x1  }
0x400: {  	v12 =	vld.idx.msk [tilespmem:v12+s26+$0x0], $0xffff  }
0x401: {  	v7 =	vld.idx.msk [tilespmem:v7+s26+$0x0], $0xffff  }
0x402: {  	v8 =	vld.idx.msk [tilespmem:v8+s26+$0x0], $0xffff  }
0x403: {  	v9 =	vld.idx.msk [tilespmem:v9+s26+$0x0], $0xffff  }
0x404: {  	v10 =	vld.idx.msk [tilespmem:v10+s26+$0x0], $0xffff  }
0x405: {  	v14 =	vld.idx.msk [tilespmem:v11+s26+$0x0], $0xffff  }
0x406: {  	v11 =	vld.idx.msk [tilespmem:v13+s26+$0x0], $0xffff;
	[tilespmem:s8+$0x17180] =	vst v7  }
0x407: {  	[tilespmem:s9+$0x16980] =	vst v8;
	v7 =	vld [tilespmem:s16+$0x8500]  }
0x408: {  	[tilespmem:s10+$0x16180] =	vst v9;
	v8 =	vld [tilespmem:s21+$0x8480]  }
0x409: {  	s20 =	simm.s32 $0x60;
	[tilespmem:s12+$0x15980] =	vst v10;
	v9 =	vld [tilespmem:s11+$0x8400]  }
0x40a: {  	s30 =	simm.s32 $0x380;
	s17 =	simm.s32 $0x7;
	[tilespmem:s13+$0x15180] =	vst v14;
	v10 =	vld [tilespmem:s24+$0x8380];
	s16 =	sand.u32 $0x3FFFFF80, s20  }
0x40b: {  	s19 =	simm.s32 $0x70;
	[tilespmem:s0+$0x14980] =	vst v12;
	v12 =	vld [tilespmem:s14+$0x8300];
	s20 =	simm.s32 $0x8;
	s16 =	sor.u32 s23, s16  }
.LBB2_12:
0x40c: {  	p0 =	sne.s32 s20, $0x7F;
	s23 =	sand.u32 $0x70, s19;
	s30 =	sand.u32 $0x3FFFFC00, s30;
	[tilespmem:s16+$0x14180] =	vst v11;
	v11 =	vld [tilespmem:s15+$0x8280]  }
0x40d: {  	s30 =	sor.u32 s23, s30;
	v13 =	vld [tilespmem:s3+$0x8200]  }
0x40e: {  	v14 =	vld [tilespmem:s30+$0x8180]  }
0x40f: {  	v7 =	vld.idx.msk [tilespmem:v7+s26+$0x0], $0xffff  }
0x410: {  	v8 =	vld.idx.msk [tilespmem:v8+s26+$0x0], $0xffff  }
0x411: {  	v9 =	vld.idx.msk [tilespmem:v9+s26+$0x0], $0xffff  }
0x412: {  	v10 =	vld.idx.msk [tilespmem:v10+s26+$0x0], $0xffff  }
0x413: {  	v12 =	vld.idx.msk [tilespmem:v12+s26+$0x0], $0xffff  }
0x414: {  	v15 =	vld.idx.msk [tilespmem:v11+s26+$0x0], $0xffff  }
0x415: {  	v13 =	vld.idx.msk [tilespmem:v13+s26+$0x0], $0xffff;
	[tilespmem:s8+$0x17980] =	vst v7;
	s8 =	smov.u32 s9;
	s9 =	smov.u32 s10;
	s10 =	smov.u32 s12  }
0x416: {  	s12 =	smov.u32 s13;
	s13 =	smov.u32 s0;
	s0 =	smov.u32 s16;
	v11 =	vld.idx.msk [tilespmem:v14+s26+$0x0], $0xffff;
	[tilespmem:s8+$0x17180] =	vst v8  }
.Ltmp5:
0x417: {  	[tilespmem:s9+$0x16980] =	vst v9;
	v7 =	vld [tilespmem:s21+$0x8500];
	s21 =	smov.u32 s11;
	s11 =	smov.u32 s24;
	(pc) =	sbr.rel @p0 .LBB2_12-.Ltmp5, $4  }
0x418: {  	s24 =	smov.u32 s14;
	s14 =	smov.u32 s15;
	s15 =	smov.u32 s3;
	[tilespmem:s10+$0x16180] =	vst v10;
	v8 =	vld [tilespmem:s21+$0x8480]  }
0x419: {  	s16 =	sshll.u32 s17, $0x4;
	s17 =	smov.u32 s20;
	s3 =	smov.u32 s30;
	[tilespmem:s12+$0x15980] =	vst v12;
	v9 =	vld [tilespmem:s11+$0x8400]  }
0x41a: {  	s19 =	sadd.s32 $0x10, s19;
	s16 =	sand.u32 $0x3FFFFF80, s16;
	[tilespmem:s13+$0x15180] =	vst v15;
	v10 =	vld [tilespmem:s24+$0x8380]  }
0x41b: {  	s20 =	sadd.s32 $0x1, s20;
	s30 =	sshll.u32 s17, $0x7;
	s16 =	sor.u32 s23, s16;
	[tilespmem:s0+$0x14980] =	vst v13;
	v12 =	vld [tilespmem:s14+$0x8300]  }
0x41c: {  	s20 =	sand.u32 $0x70, s19;
	s23 =	sand.u32 $0x3FFFFC00, s30  }
0x41d: {  	s19 =	sor.u32 s20, s23  }
0x41e: {  	v13 =	vld [tilespmem:s19+$0x8180];
	_ =	sdelay $0x7  }
0x41f: {  	v13 =	vld.idx.msk [tilespmem:v13+s26+$0x0], $0xffff;
	_ =	sdelay $0x1  }
0x420: {  	s17 =	sshll.u32 s17, $0x4  }
0x421: {  	[tilespmem:s16+$0x14180] =	vst v11;
	s17 =	sand.u32 $0x3FFFFF80, s17  }
0x422: {  	v11 =	vld [tilespmem:s3+$0x8200];
	s17 =	sor.u32 s20, s17  }
0x423: {  	[tilespmem:s17+$0x14180] =	vst v13  }
0x424: {  	v13 =	vld [tilespmem:s19+$0x8200];
	_ =	sdelay $0x5  }
0x425: {  	v11 =	vld.idx.msk [tilespmem:v11+s26+$0x0], $0xffff;
	_ =	sdelay $0x1  }
0x426: {  	v13 =	vld.idx.msk [tilespmem:v13+s26+$0x0], $0xffff;
	_ =	sdelay $0x2  }
0x427: {  	v14 =	vld [tilespmem:s15+$0x8280];
	[tilespmem:s16+$0x14980] =	vst v11  }
0x428: {  	v11 =	vld [tilespmem:s3+$0x8280]  }
0x429: {  	[tilespmem:s17+$0x14980] =	vst v13  }
0x42a: {  	v13 =	vld [tilespmem:s19+$0x8280];
	_ =	sdelay $0x4  }
0x42b: {  	v14 =	vld.idx.msk [tilespmem:v14+s26+$0x0], $0xffff  }
0x42c: {  	v11 =	vld.idx.msk [tilespmem:v11+s26+$0x0], $0xffff;
	_ =	sdelay $0x1  }
0x42d: {  	v13 =	vld.idx.msk [tilespmem:v13+s26+$0x0], $0xffff;
	_ =	sdelay $0x1  }
0x42e: {  	[tilespmem:s0+$0x15180] =	vst v14  }
0x42f: {  	v14 =	vld [tilespmem:s15+$0x8300];
	[tilespmem:s16+$0x15180] =	vst v11  }
0x430: {  	v11 =	vld [tilespmem:s3+$0x8300]  }
0x431: {  	[tilespmem:s17+$0x15180] =	vst v13  }
0x432: {  	v13 =	vld [tilespmem:s19+$0x8300];
	_ =	sdelay $0x3  }
0x433: {  	v12 =	vld.idx.msk [tilespmem:v12+s26+$0x0], $0xffff  }
0x434: {  	v14 =	vld.idx.msk [tilespmem:v14+s26+$0x0], $0xffff  }
0x435: {  	v11 =	vld.idx.msk [tilespmem:v11+s26+$0x0], $0xffff;
	_ =	sdelay $0x1  }
0x436: {  	v13 =	vld.idx.msk [tilespmem:v13+s26+$0x0], $0xffff  }
0x437: {  	[tilespmem:s13+$0x15980] =	vst v12  }
0x438: {  	v12 =	vld [tilespmem:s14+$0x8380];
	[tilespmem:s0+$0x15980] =	vst v14  }
0x439: {  	v14 =	vld [tilespmem:s15+$0x8380];
	[tilespmem:s16+$0x15980] =	vst v11  }
0x43a: {  	v11 =	vld [tilespmem:s3+$0x8380]  }
0x43b: {  	[tilespmem:s17+$0x15980] =	vst v13  }
0x43c: {  	v13 =	vld [tilespmem:s19+$0x8380];
	_ =	sdelay $0x2  }
0x43d: {  	v10 =	vld.idx.msk [tilespmem:v10+s26+$0x0], $0xffff  }
0x43e: {  	v12 =	vld.idx.msk [tilespmem:v12+s26+$0x0], $0xffff  }
0x43f: {  	v14 =	vld.idx.msk [tilespmem:v14+s26+$0x0], $0xffff  }
0x440: {  	v11 =	vld.idx.msk [tilespmem:v11+s26+$0x0], $0xffff;
	_ =	sdelay $0x1  }
0x441: {  	[tilespmem:s12+$0x16180] =	vst v10;
	v13 =	vld.idx.msk [tilespmem:v13+s26+$0x0], $0xffff  }
0x442: {  	v10 =	vld [tilespmem:s24+$0x8400];
	[tilespmem:s13+$0x16180] =	vst v12  }
0x443: {  	v12 =	vld [tilespmem:s14+$0x8400];
	[tilespmem:s0+$0x16180] =	vst v14  }
0x444: {  	v14 =	vld [tilespmem:s15+$0x8400];
	[tilespmem:s16+$0x16180] =	vst v11  }
0x445: {  	v11 =	vld [tilespmem:s3+$0x8400]  }
0x446: {  	[tilespmem:s17+$0x16180] =	vst v13  }
0x447: {  	v13 =	vld [tilespmem:s19+$0x8400];
	_ =	sdelay $0x1  }
0x448: {  	v9 =	vld.idx.msk [tilespmem:v9+s26+$0x0], $0xffff  }
0x449: {  	v10 =	vld.idx.msk [tilespmem:v10+s26+$0x0], $0xffff  }
0x44a: {  	v12 =	vld.idx.msk [tilespmem:v12+s26+$0x0], $0xffff  }
0x44b: {  	v14 =	vld.idx.msk [tilespmem:v14+s26+$0x0], $0xffff  }
0x44c: {  	v11 =	vld.idx.msk [tilespmem:v11+s26+$0x0], $0xffff  }
0x44d: {  	v8 =	vld.idx.msk [tilespmem:v8+s26+$0x0], $0xffff;
	[tilespmem:s10+$0x16980] =	vst v9  }
0x44e: {  	[tilespmem:s12+$0x16980] =	vst v10;
	v9 =	vld.idx.msk [tilespmem:v13+s26+$0x0], $0xffff  }
0x44f: {  	v10 =	vld [tilespmem:s24+$0x8480];
	[tilespmem:s13+$0x16980] =	vst v12  }
0x450: {  	v12 =	vld [tilespmem:s14+$0x8480];
	[tilespmem:s0+$0x16980] =	vst v14  }
0x451: {  	v14 =	vld [tilespmem:s15+$0x8480];
	[tilespmem:s16+$0x16980] =	vst v11  }
0x452: {  	v11 =	vld [tilespmem:s3+$0x8480]  }
0x453: {  	v13 =	vld [tilespmem:s11+$0x8480];
	[tilespmem:s17+$0x16980] =	vst v9  }
0x454: {  	v9 =	vld [tilespmem:s19+$0x8480]  }
0x455: {  	v7 =	vld.idx.msk [tilespmem:v7+s26+$0x0], $0xffff;
	[tilespmem:s9+$0x17180] =	vst v8  }
0x456: {  	v8 =	vld [tilespmem:s21+$0x8500]  }
0x457: {  	v10 =	vld.idx.msk [tilespmem:v10+s26+$0x0], $0xffff  }
0x458: {  	v12 =	vld.idx.msk [tilespmem:v12+s26+$0x0], $0xffff  }
0x459: {  	v14 =	vld.idx.msk [tilespmem:v14+s26+$0x0], $0xffff  }
0x45a: {  	v11 =	vld.idx.msk [tilespmem:v11+s26+$0x0], $0xffff  }
0x45b: {  	v13 =	vld.idx.msk [tilespmem:v13+s26+$0x0], $0xffff  }
0x45c: {  	[tilespmem:s12+$0x17180] =	vst v10;
	v9 =	vld.idx.msk [tilespmem:v9+s26+$0x0], $0xffff  }
0x45d: {  	v10 =	vld [tilespmem:s24+$0x8500];
	[tilespmem:s13+$0x17180] =	vst v12  }
0x45e: {  	v12 =	vld [tilespmem:s14+$0x8500];
	[tilespmem:s0+$0x17180] =	vst v14  }
0x45f: {  	v14 =	vld [tilespmem:s15+$0x8500];
	[tilespmem:s16+$0x17180] =	vst v11  }
0x460: {  	v11 =	vld [tilespmem:s3+$0x8500];
	[tilespmem:s10+$0x17180] =	vst v13  }
0x461: {  	v13 =	vld [tilespmem:s11+$0x8500];
	[tilespmem:s17+$0x17180] =	vst v9  }
0x462: {  	v9 =	vld [tilespmem:s19+$0x8500]  }
0x463: {  	v8 =	vld.idx.msk [tilespmem:v8+s26+$0x0], $0xffff;
	_ =	sdelay $0x1  }
0x464: {  	v10 =	vld.idx.msk [tilespmem:v10+s26+$0x0], $0xffff  }
0x465: {  	v12 =	vld.idx.msk [tilespmem:v12+s26+$0x0], $0xffff  }
0x466: {  	[tilespmem:s8+$0x17980] =	vst v7;
	v7 =	vld.idx.msk [tilespmem:v14+s26+$0x0], $0xffff  }
0x467: {  	[tilespmem:s9+$0x17980] =	vst v8;
	v8 =	vld.idx.msk [tilespmem:v11+s26+$0x0], $0xffff  }
0x468: {  	v13 =	vld.idx.msk [tilespmem:v13+s26+$0x0], $0xffff  }
0x469: {  	[tilespmem:s12+$0x17980] =	vst v10;
	v9 =	vld.idx.msk [tilespmem:v9+s26+$0x0], $0xffff  }
0x46a: {  	[tilespmem:s13+$0x17980] =	vst v12  }
0x46b: {  	[tilespmem:s0+$0x17980] =	vst v7  }
0x46c: {  	[tilespmem:s16+$0x17980] =	vst v8  }
0x46d: {  	[tilespmem:s10+$0x17980] =	vst v13  }
0x46e: {  	[tilespmem:s17+$0x17980] =	vst v9  }
0x46f: {  	s10 =	simm.s32 $0x14180;
	s0 =	rddreg [dreg:$0x12]  }
0x470: {  	[hbm4b:s0+s28] =	stream.strided.scatter [tilespmem:s10], [sflag:$0x6], $0x4000, s29, s28, $0x38;
	[tilespmem:$0x18180] =	vst v63  }
0x471: {  	_ =	swait.ge [sflag:s25], $0x1000  }
0x472: {  	[sflag:s25] =	ssyncset.done $0x0  }
0x473: {  	[sflag:s25] =	ssyncadd.s32 $0xFFFFF000  }
0x474: {  	s12 =	simm.s32 $0x0;
	s11 =	simm.s32 $0x0;
	_ =	swait.ge [sflag:s4], $0x4000  }
0x475: {  	s3 =	sand.u32 $0x3FFFFC00, s12;
	s0 =	sand.u32 $0x70, s11;
	[sflag:s4] =	ssyncset.done $0x0  }
0x476: {  	s16 =	sor.u32 s0, s3;
	[sflag:s4] =	ssyncadd.s32 $0xFFFFC000  }
0x477: {  	v7 =	vld [tilespmem:s16+$0x180];
	_ =	sdelay $0x7  }
0x478: {  	v7 =	vld.idx.msk [tilespmem:v7+s26+$0x0], $0xffff;
	_ =	sdelay $0x1  }
0x479: {  	s13 =	simm.s32 $0x0  }
0x47a: {  	s3 =	sand.u32 $0x3FFFFF80, s13  }
0x47b: {  	s14 =	simm.s32 $0x10;
	s15 =	simm.s32 $0x80;
	s8 =	sor.u32 s0, s3  }
0x47c: {  	s19 =	sand.u32 $0x3FFFFC00, s15;
	s17 =	sand.u32 $0x70, s14;
	[tilespmem:s8+$0xC180] =	vst v7  }
0x47d: {  	s21 =	sor.u32 s17, s19;
	v7 =	vld [tilespmem:s16+$0x200]  }
0x47e: {  	v8 =	vld [tilespmem:s21+$0x180];
	_ =	sdelay $0x6  }
0x47f: {  	v7 =	vld.idx.msk [tilespmem:v7+s26+$0x0], $0xffff  }
0x480: {  	v8 =	vld.idx.msk [tilespmem:v8+s26+$0x0], $0xffff;
	_ =	sdelay $0x1  }
0x481: {  	s20 =	simm.s32 $0x10  }
0x482: {  	s3 =	sand.u32 $0x3FFFFF80, s20  }
0x483: {  	s23 =	simm.s32 $0x20;
	s24 =	simm.s32 $0x100;
	s9 =	sor.u32 s17, s3;
	[tilespmem:s8+$0xC980] =	vst v7  }
0x484: {  	s10 =	sand.u32 $0x70, s23;
	s11 =	sand.u32 $0x3FFFFC00, s24;
	[tilespmem:s9+$0xC180] =	vst v8;
	v7 =	vld [tilespmem:s16+$0x280]  }
0x485: {  	s11 =	sor.u32 s10, s11;
	v8 =	vld [tilespmem:s21+$0x200]  }
0x486: {  	v9 =	vld [tilespmem:s11+$0x180];
	_ =	sdelay $0x5  }
0x487: {  	v7 =	vld.idx.msk [tilespmem:v7+s26+$0x0], $0xffff  }
0x488: {  	v8 =	vld.idx.msk [tilespmem:v8+s26+$0x0], $0xffff  }
0x489: {  	v9 =	vld.idx.msk [tilespmem:v9+s26+$0x0], $0xffff;
	_ =	sdelay $0x1  }
0x48a: {  	s12 =	simm.s32 $0x20  }
0x48b: {  	s3 =	sand.u32 $0x3FFFFF80, s12;
	[tilespmem:s8+$0xD180] =	vst v7  }
0x48c: {  	s14 =	simm.s32 $0x180;
	s13 =	simm.s32 $0x30;
	s10 =	sor.u32 s10, s3;
	[tilespmem:s9+$0xC980] =	vst v8;
	v7 =	vld [tilespmem:s16+$0x300]  }
0x48d: {  	s15 =	sand.u32 $0x70, s13;
	s17 =	sand.u32 $0x3FFFFC00, s14;
	[tilespmem:s10+$0xC180] =	vst v9;
	v8 =	vld [tilespmem:s21+$0x280]  }
0x48e: {  	s24 =	sor.u32 s15, s17;
	v9 =	vld [tilespmem:s11+$0x200]  }
0x48f: {  	v10 =	vld [tilespmem:s24+$0x180];
	_ =	sdelay $0x4  }
0x490: {  	v7 =	vld.idx.msk [tilespmem:v7+s26+$0x0], $0xffff  }
0x491: {  	v8 =	vld.idx.msk [tilespmem:v8+s26+$0x0], $0xffff  }
0x492: {  	v9 =	vld.idx.msk [tilespmem:v9+s26+$0x0], $0xffff  }
0x493: {  	v10 =	vld.idx.msk [tilespmem:v10+s26+$0x0], $0xffff;
	_ =	sdelay $0x1  }
0x494: {  	s19 =	simm.s32 $0x30;
	[tilespmem:s8+$0xD980] =	vst v7  }
0x495: {  	s3 =	sand.u32 $0x3FFFFF80, s19;
	[tilespmem:s9+$0xD180] =	vst v8;
	v7 =	vld [tilespmem:s16+$0x380]  }
0x496: {  	s23 =	simm.s32 $0x200;
	s20 =	simm.s32 $0x40;
	s12 =	sor.u32 s15, s3;
	[tilespmem:s10+$0xC980] =	vst v9;
	v8 =	vld [tilespmem:s21+$0x300]  }
0x497: {  	s13 =	sand.u32 $0x70, s20;
	s15 =	sand.u32 $0x3FFFFC00, s23;
	[tilespmem:s12+$0xC180] =	vst v10;
	v9 =	vld [tilespmem:s11+$0x280]  }
0x498: {  	s14 =	sor.u32 s13, s15;
	v10 =	vld [tilespmem:s24+$0x200]  }
0x499: {  	v11 =	vld [tilespmem:s14+$0x180];
	_ =	sdelay $0x3  }
0x49a: {  	v7 =	vld.idx.msk [tilespmem:v7+s26+$0x0], $0xffff  }
0x49b: {  	v8 =	vld.idx.msk [tilespmem:v8+s26+$0x0], $0xffff  }
0x49c: {  	s20 =	simm.s32 $0x280;
	s19 =	simm.s32 $0x50;
	v9 =	vld.idx.msk [tilespmem:v9+s26+$0x0], $0xffff  }
0x49d: {  	s23 =	sand.u32 $0x70, s19;
	s15 =	sand.u32 $0x3FFFFC00, s20;
	v10 =	vld.idx.msk [tilespmem:v10+s26+$0x0], $0xffff  }
0x49e: {  	s15 =	sor.u32 s23, s15;
	v11 =	vld.idx.msk [tilespmem:v11+s26+$0x0], $0xffff  }
0x49f: {  	v12 =	vld [tilespmem:s15+$0x180];
	[tilespmem:s8+$0xE180] =	vst v7  }
0x4a0: {  	s17 =	simm.s32 $0x40;
	[tilespmem:s9+$0xD980] =	vst v8;
	v7 =	vld [tilespmem:s16+$0x400]  }
0x4a1: {  	s3 =	sand.u32 $0x3FFFFF80, s17;
	[tilespmem:s10+$0xD180] =	vst v9;
	v8 =	vld [tilespmem:s21+$0x380]  }
0x4a2: {  	s13 =	sor.u32 s13, s3;
	[tilespmem:s12+$0xC980] =	vst v10;
	v9 =	vld [tilespmem:s11+$0x300]  }
0x4a3: {  	[tilespmem:s13+$0xC180] =	vst v11;
	v10 =	vld [tilespmem:s24+$0x280]  }
0x4a4: {  	v11 =	vld [tilespmem:s14+$0x200];
	_ =	sdelay $0x2  }
0x4a5: {  	v12 =	vld.idx.msk [tilespmem:v12+s26+$0x0], $0xffff  }
0x4a6: {  	v7 =	vld.idx.msk [tilespmem:v7+s26+$0x0], $0xffff  }
0x4a7: {  	s17 =	simm.s32 $0x50;
	v8 =	vld.idx.msk [tilespmem:v8+s26+$0x0], $0xffff  }
0x4a8: {  	s3 =	sand.u32 $0x3FFFFF80, s17;
	v9 =	vld.idx.msk [tilespmem:v9+s26+$0x0], $0xffff  }
0x4a9: {  	s0 =	sor.u32 s23, s3;
	v10 =	vld.idx.msk [tilespmem:v10+s26+$0x0], $0xffff  }
0x4aa: {  	[tilespmem:s0+$0xC180] =	vst v12;
	v11 =	vld.idx.msk [tilespmem:v11+s26+$0x0], $0xffff  }
0x4ab: {  	v12 =	vld [tilespmem:s15+$0x200];
	[tilespmem:s8+$0xE980] =	vst v7  }
0x4ac: {  	[tilespmem:s9+$0xE180] =	vst v8;
	v7 =	vld [tilespmem:s16+$0x480]  }
0x4ad: {  	[tilespmem:s10+$0xD980] =	vst v9;
	v8 =	vld [tilespmem:s21+$0x400]  }
0x4ae: {  	s19 =	simm.s32 $0x60;
	s20 =	simm.s32 $0x300;
	[tilespmem:s12+$0xD180] =	vst v10;
	v9 =	vld [tilespmem:s11+$0x380]  }
0x4af: {  	s23 =	sand.u32 $0x70, s19;
	s19 =	sand.u32 $0x3FFFFC00, s20;
	[tilespmem:s13+$0xC980] =	vst v11;
	v10 =	vld [tilespmem:s24+$0x300]  }
0x4b0: {  	s3 =	sor.u32 s23, s19;
	v11 =	vld [tilespmem:s14+$0x280]  }
0x4b1: {  	v13 =	vld [tilespmem:s3+$0x180];
	_ =	sdelay $0x1  }
0x4b2: {  	v12 =	vld.idx.msk [tilespmem:v12+s26+$0x0], $0xffff  }
0x4b3: {  	v7 =	vld.idx.msk [tilespmem:v7+s26+$0x0], $0xffff  }
0x4b4: {  	v8 =	vld.idx.msk [tilespmem:v8+s26+$0x0], $0xffff  }
0x4b5: {  	v9 =	vld.idx.msk [tilespmem:v9+s26+$0x0], $0xffff  }
0x4b6: {  	v10 =	vld.idx.msk [tilespmem:v10+s26+$0x0], $0xffff  }
0x4b7: {  	v14 =	vld.idx.msk [tilespmem:v11+s26+$0x0], $0xffff  }
0x4b8: {  	v11 =	vld.idx.msk [tilespmem:v13+s26+$0x0], $0xffff;
	[tilespmem:s8+$0xF180] =	vst v7  }
0x4b9: {  	[tilespmem:s9+$0xE980] =	vst v8;
	v7 =	vld [tilespmem:s16+$0x500]  }
0x4ba: {  	[tilespmem:s10+$0xE180] =	vst v9;
	v8 =	vld [tilespmem:s21+$0x480]  }
0x4bb: {  	s20 =	simm.s32 $0x60;
	[tilespmem:s12+$0xD980] =	vst v10;
	v9 =	vld [tilespmem:s11+$0x400]  }
0x4bc: {  	s30 =	simm.s32 $0x380;
	s17 =	simm.s32 $0x7;
	[tilespmem:s13+$0xD180] =	vst v14;
	v10 =	vld [tilespmem:s24+$0x380];
	s16 =	sand.u32 $0x3FFFFF80, s20  }
0x4bd: {  	s19 =	simm.s32 $0x70;
	[tilespmem:s0+$0xC980] =	vst v12;
	v12 =	vld [tilespmem:s14+$0x300];
	s20 =	simm.s32 $0x8;
	s16 =	sor.u32 s23, s16  }
.LBB2_14:
0x4be: {  	p0 =	sne.s32 s20, $0x1F;
	s23 =	sand.u32 $0x70, s19;
	s30 =	sand.u32 $0x3FFFFC00, s30;
	[tilespmem:s16+$0xC180] =	vst v11;
	v11 =	vld [tilespmem:s15+$0x280]  }
0x4bf: {  	s30 =	sor.u32 s23, s30;
	v13 =	vld [tilespmem:s3+$0x200]  }
0x4c0: {  	v14 =	vld [tilespmem:s30+$0x180]  }
0x4c1: {  	v7 =	vld.idx.msk [tilespmem:v7+s26+$0x0], $0xffff  }
0x4c2: {  	v8 =	vld.idx.msk [tilespmem:v8+s26+$0x0], $0xffff  }
0x4c3: {  	v9 =	vld.idx.msk [tilespmem:v9+s26+$0x0], $0xffff  }
0x4c4: {  	v10 =	vld.idx.msk [tilespmem:v10+s26+$0x0], $0xffff  }
0x4c5: {  	v12 =	vld.idx.msk [tilespmem:v12+s26+$0x0], $0xffff  }
0x4c6: {  	v15 =	vld.idx.msk [tilespmem:v11+s26+$0x0], $0xffff  }
0x4c7: {  	v13 =	vld.idx.msk [tilespmem:v13+s26+$0x0], $0xffff;
	[tilespmem:s8+$0xF980] =	vst v7;
	s8 =	smov.u32 s9;
	s9 =	smov.u32 s10;
	s10 =	smov.u32 s12  }
0x4c8: {  	s12 =	smov.u32 s13;
	s13 =	smov.u32 s0;
	s0 =	smov.u32 s16;
	v11 =	vld.idx.msk [tilespmem:v14+s26+$0x0], $0xffff;
	[tilespmem:s8+$0xF180] =	vst v8  }
.Ltmp6:
0x4c9: {  	[tilespmem:s9+$0xE980] =	vst v9;
	v7 =	vld [tilespmem:s21+$0x500];
	s21 =	smov.u32 s11;
	s11 =	smov.u32 s24;
	(pc) =	sbr.rel @p0 .LBB2_14-.Ltmp6, $4  }
0x4ca: {  	s24 =	smov.u32 s14;
	s14 =	smov.u32 s15;
	s15 =	smov.u32 s3;
	[tilespmem:s10+$0xE180] =	vst v10;
	v8 =	vld [tilespmem:s21+$0x480]  }
0x4cb: {  	s16 =	sshll.u32 s17, $0x4;
	s17 =	smov.u32 s20;
	s3 =	smov.u32 s30;
	[tilespmem:s12+$0xD980] =	vst v12;
	v9 =	vld [tilespmem:s11+$0x400]  }
0x4cc: {  	s19 =	sadd.s32 $0x10, s19;
	s16 =	sand.u32 $0x3FFFFF80, s16;
	[tilespmem:s13+$0xD180] =	vst v15;
	v10 =	vld [tilespmem:s24+$0x380]  }
0x4cd: {  	s20 =	sadd.s32 $0x1, s20;
	s30 =	sshll.u32 s17, $0x7;
	s16 =	sor.u32 s23, s16;
	[tilespmem:s0+$0xC980] =	vst v13;
	v12 =	vld [tilespmem:s14+$0x300]  }
0x4ce: {  	s20 =	sand.u32 $0x70, s19;
	s30 =	sand.u32 $0x3FFFFC00, s30  }
0x4cf: {  	s19 =	sor.u32 s20, s30  }
0x4d0: {  	v13 =	vld [tilespmem:s19+$0x180];
	_ =	sdelay $0x7  }
0x4d1: {  	v13 =	vld.idx.msk [tilespmem:v13+s26+$0x0], $0xffff;
	_ =	sdelay $0x1  }
0x4d2: {  	s17 =	sshll.u32 s17, $0x4  }
0x4d3: {  	[tilespmem:s16+$0xC180] =	vst v11;
	s17 =	sand.u32 $0x3FFFFF80, s17  }
0x4d4: {  	v11 =	vld [tilespmem:s3+$0x200];
	s17 =	sor.u32 s20, s17  }
0x4d5: {  	[tilespmem:s17+$0xC180] =	vst v13  }
0x4d6: {  	v13 =	vld [tilespmem:s19+$0x200];
	_ =	sdelay $0x5  }
0x4d7: {  	v11 =	vld.idx.msk [tilespmem:v11+s26+$0x0], $0xffff;
	_ =	sdelay $0x1  }
0x4d8: {  	v13 =	vld.idx.msk [tilespmem:v13+s26+$0x0], $0xffff;
	_ =	sdelay $0x2  }
0x4d9: {  	v14 =	vld [tilespmem:s15+$0x280];
	[tilespmem:s16+$0xC980] =	vst v11  }
0x4da: {  	v11 =	vld [tilespmem:s3+$0x280]  }
0x4db: {  	[tilespmem:s17+$0xC980] =	vst v13  }
0x4dc: {  	v13 =	vld [tilespmem:s19+$0x280];
	_ =	sdelay $0x4  }
0x4dd: {  	v14 =	vld.idx.msk [tilespmem:v14+s26+$0x0], $0xffff  }
0x4de: {  	v11 =	vld.idx.msk [tilespmem:v11+s26+$0x0], $0xffff;
	_ =	sdelay $0x1  }
0x4df: {  	v13 =	vld.idx.msk [tilespmem:v13+s26+$0x0], $0xffff;
	_ =	sdelay $0x1  }
0x4e0: {  	[tilespmem:s0+$0xD180] =	vst v14  }
0x4e1: {  	v14 =	vld [tilespmem:s15+$0x300];
	[tilespmem:s16+$0xD180] =	vst v11  }
0x4e2: {  	v11 =	vld [tilespmem:s3+$0x300]  }
0x4e3: {  	[tilespmem:s17+$0xD180] =	vst v13  }
0x4e4: {  	v13 =	vld [tilespmem:s19+$0x300];
	_ =	sdelay $0x3  }
0x4e5: {  	v12 =	vld.idx.msk [tilespmem:v12+s26+$0x0], $0xffff  }
0x4e6: {  	v14 =	vld.idx.msk [tilespmem:v14+s26+$0x0], $0xffff  }
0x4e7: {  	v11 =	vld.idx.msk [tilespmem:v11+s26+$0x0], $0xffff;
	_ =	sdelay $0x1  }
0x4e8: {  	v13 =	vld.idx.msk [tilespmem:v13+s26+$0x0], $0xffff  }
0x4e9: {  	[tilespmem:s13+$0xD980] =	vst v12  }
0x4ea: {  	v12 =	vld [tilespmem:s14+$0x380];
	[tilespmem:s0+$0xD980] =	vst v14  }
0x4eb: {  	v14 =	vld [tilespmem:s15+$0x380];
	[tilespmem:s16+$0xD980] =	vst v11  }
0x4ec: {  	v11 =	vld [tilespmem:s3+$0x380]  }
0x4ed: {  	[tilespmem:s17+$0xD980] =	vst v13  }
0x4ee: {  	v13 =	vld [tilespmem:s19+$0x380];
	_ =	sdelay $0x2  }
0x4ef: {  	v10 =	vld.idx.msk [tilespmem:v10+s26+$0x0], $0xffff  }
0x4f0: {  	v12 =	vld.idx.msk [tilespmem:v12+s26+$0x0], $0xffff  }
0x4f1: {  	v14 =	vld.idx.msk [tilespmem:v14+s26+$0x0], $0xffff  }
0x4f2: {  	v11 =	vld.idx.msk [tilespmem:v11+s26+$0x0], $0xffff;
	_ =	sdelay $0x1  }
0x4f3: {  	[tilespmem:s12+$0xE180] =	vst v10;
	v13 =	vld.idx.msk [tilespmem:v13+s26+$0x0], $0xffff  }
0x4f4: {  	v10 =	vld [tilespmem:s24+$0x400];
	[tilespmem:s13+$0xE180] =	vst v12  }
0x4f5: {  	v12 =	vld [tilespmem:s14+$0x400];
	[tilespmem:s0+$0xE180] =	vst v14  }
0x4f6: {  	v14 =	vld [tilespmem:s15+$0x400];
	[tilespmem:s16+$0xE180] =	vst v11  }
0x4f7: {  	v11 =	vld [tilespmem:s3+$0x400]  }
0x4f8: {  	[tilespmem:s17+$0xE180] =	vst v13  }
0x4f9: {  	v13 =	vld [tilespmem:s19+$0x400];
	_ =	sdelay $0x1  }
0x4fa: {  	v8 =	vld.idx.msk [tilespmem:v8+s26+$0x0], $0xffff  }
0x4fb: {  	v10 =	vld.idx.msk [tilespmem:v10+s26+$0x0], $0xffff  }
0x4fc: {  	v12 =	vld.idx.msk [tilespmem:v12+s26+$0x0], $0xffff  }
0x4fd: {  	v14 =	vld.idx.msk [tilespmem:v14+s26+$0x0], $0xffff  }
0x4fe: {  	v11 =	vld.idx.msk [tilespmem:v11+s26+$0x0], $0xffff  }
0x4ff: {  	v9 =	vld.idx.msk [tilespmem:v9+s26+$0x0], $0xffff  }
0x500: {  	[tilespmem:s12+$0xE980] =	vst v10;
	v62 =	vld.idx.msk [tilespmem:v13+s26+$0x0], $0xffff  }
0x501: {  	v10 =	vld [tilespmem:s24+$0x480];
	[tilespmem:s13+$0xE980] =	vst v12  }
0x502: {  	v12 =	vld [tilespmem:s14+$0x480];
	[tilespmem:s0+$0xE980] =	vst v14  }
0x503: {  	v14 =	vld [tilespmem:s15+$0x480];
	[tilespmem:s16+$0xE980] =	vst v11  }
0x504: {  	[tilespmem:s10+$0xE980] =	vst v9;
	v11 =	vld [tilespmem:s3+$0x480]  }
0x505: {  	v63 =	vld [tilespmem:s11+$0x480];
	[tilespmem:s17+$0xE980] =	vst v62  }
0x506: {  	v9 =	vld [tilespmem:s19+$0x480]  }
0x507: {  	v7 =	vld.idx.msk [tilespmem:v7+s26+$0x0], $0xffff;
	[tilespmem:s9+$0xF180] =	vst v8  }
0x508: {  	v8 =	vld [tilespmem:s21+$0x500]  }
0x509: {  	v10 =	vld.idx.msk [tilespmem:v10+s26+$0x0], $0xffff  }
0x50a: {  	v12 =	vld.idx.msk [tilespmem:v12+s26+$0x0], $0xffff  }
0x50b: {  	v14 =	vld.idx.msk [tilespmem:v14+s26+$0x0], $0xffff  }
0x50c: {  	v11 =	vld.idx.msk [tilespmem:v11+s26+$0x0], $0xffff  }
0x50d: {  	v13 =	vld.idx.msk [tilespmem:v63+s26+$0x0], $0xffff  }
0x50e: {  	[tilespmem:s12+$0xF180] =	vst v10;
	v9 =	vld.idx.msk [tilespmem:v9+s26+$0x0], $0xffff  }
0x50f: {  	v10 =	vld [tilespmem:s24+$0x500];
	[tilespmem:s13+$0xF180] =	vst v12  }
0x510: {  	v12 =	vld [tilespmem:s14+$0x500];
	[tilespmem:s0+$0xF180] =	vst v14  }
0x511: {  	v14 =	vld [tilespmem:s15+$0x500];
	[tilespmem:s16+$0xF180] =	vst v11  }
0x512: {  	[tilespmem:s10+$0xF180] =	vst v13;
	v11 =	vld [tilespmem:s3+$0x500]  }
0x513: {  	v13 =	vld [tilespmem:s11+$0x500];
	[tilespmem:s17+$0xF180] =	vst v9  }
0x514: {  	v9 =	vld [tilespmem:s19+$0x500]  }
0x515: {  	v8 =	vld.idx.msk [tilespmem:v8+s26+$0x0], $0xffff;
	_ =	sdelay $0x1  }
0x516: {  	v10 =	vld.idx.msk [tilespmem:v10+s26+$0x0], $0xffff  }
0x517: {  	v12 =	vld.idx.msk [tilespmem:v12+s26+$0x0], $0xffff  }
0x518: {  	[tilespmem:s8+$0xF980] =	vst v7;
	v7 =	vld.idx.msk [tilespmem:v14+s26+$0x0], $0xffff  }
0x519: {  	[tilespmem:s9+$0xF980] =	vst v8;
	v8 =	vld.idx.msk [tilespmem:v11+s26+$0x0], $0xffff  }
0x51a: {  	v13 =	vld.idx.msk [tilespmem:v13+s26+$0x0], $0xffff  }
0x51b: {  	[tilespmem:s12+$0xF980] =	vst v10;
	v9 =	vld.idx.msk [tilespmem:v9+s26+$0x0], $0xffff  }
0x51c: {  	[tilespmem:s13+$0xF980] =	vst v12  }
0x51d: {  	[tilespmem:s0+$0xF980] =	vst v7  }
0x51e: {  	[tilespmem:s16+$0xF980] =	vst v8  }
0x51f: {  	[tilespmem:s10+$0xF980] =	vst v13  }
0x520: {  	s8 =	simm.s32 $0xC180;
	[tilespmem:s17+$0xF980] =	vst v9  }
0x521: {  	[hbm4b:s18+s2] =	stream.linear.scatter [tilespmem:s8], [sflag:$0x4], $0x200, $0x38;
	[tilespmem:$0x18180] =	vst v63  }
0x522: {  	s9 =	sadd.s32 $0x800, s18;
	s10 =	simm.s32 $0xC980  }
0x523: {  	[hbm4b:s9+s2] =	stream.linear.scatter [tilespmem:s10], [sflag:$0x4], $0x200, $0x38;
	[tilespmem:$0x18180] =	vst v63  }
0x524: {  	s12 =	simm.s32 $0xD180;
	s11 =	sadd.s32 $0x1000, s18  }
0x525: {  	[hbm4b:s11+s2] =	stream.linear.scatter [tilespmem:s12], [sflag:$0x4], $0x200, $0x38;
	[tilespmem:$0x18180] =	vst v63  }
0x526: {  	s14 =	simm.s32 $0xD980;
	s13 =	sadd.s32 $0x1800, s18  }
0x527: {  	[hbm4b:s13+s2] =	stream.linear.scatter [tilespmem:s14], [sflag:$0x4], $0x200, $0x38;
	[tilespmem:$0x18180] =	vst v63  }
0x528: {  	s15 =	sadd.s32 $0x2000, s18;
	s16 =	simm.s32 $0xE180  }
0x529: {  	[hbm4b:s15+s2] =	stream.linear.scatter [tilespmem:s16], [sflag:$0x4], $0x200, $0x38;
	[tilespmem:$0x18180] =	vst v63  }
0x52a: {  	s19 =	simm.s32 $0xE980;
	s17 =	sadd.s32 $0x2800, s18  }
0x52b: {  	[hbm4b:s17+s2] =	stream.linear.scatter [tilespmem:s19], [sflag:$0x4], $0x200, $0x38;
	[tilespmem:$0x18180] =	vst v63  }
0x52c: {  	s20 =	sadd.s32 $0x3000, s18;
	s21 =	simm.s32 $0xF180  }
0x52d: {  	[hbm4b:s20+s2] =	stream.linear.scatter [tilespmem:s21], [sflag:$0x4], $0x200, $0x38;
	[tilespmem:$0x18180] =	vst v63  }
0x52e: {  	s23 =	sadd.s32 $0x3800, s18;
	s24 =	simm.s32 $0xF980  }
0x52f: {  	[hbm4b:s23+s2] =	stream.linear.scatter [tilespmem:s24], [sflag:$0x4], $0x200, $0x38;
	[tilespmem:$0x18180] =	vst v63  }
0x530: {  	_ =	swait.ge [sflag:s5], $0x4000  }
0x531: {  	[sflag:s5] =	ssyncset.done $0x0  }
0x532: {  	[sflag:s5] =	ssyncadd.s32 $0xFFFFC000  }
0x533: {  	_ =	swait.ge [sflag:s6], $0x4000  }
0x534: {  	[sflag:s6] =	ssyncset.done $0x0  }
0x535: {  	[sflag:s6] =	ssyncadd.s32 $0xFFFFC000  }
0x536: {  	_ =	swait.ge [sflag:s4], $0x1000  }
0x537: {  	s7 =	sadd.s32 $0x1, s7;
	s30 =	rddreg [dreg:$0x13]  }
0x538: {  	p0 =	sne.s32 s7, s30  }
.Ltmp7:
0x539: {  	_ = 	snop;
	(pc) =	sbr.rel @p0 .LBB2_1-.Ltmp7, $3  }
0x53a: {  	_ =	sdelay $0x1  }
0x53b: {  	[sflag:s4] =	ssyncset.done $0x0  }
0x53c: {  	[sflag:s4] =	ssyncadd.s32 $0xFFFFF000  }
0x53d: {  	_ =	sfence.sel $0x180000  }
0x53e: {  	[bflag:$0x0] =	sbarrier.arrive $0xFFFF  }
0x53f: {  	_ =	strace $0x90000047  }
0x540: {  	s0 =	stileid.u32;
	[bflag:$0x2] =	sbarrier.arrive $0xFFFF  }
0x541: {  	p0 =	sne.s32 s0, $0x0;
	s0 =	rddreg [dreg:$0x3]  }
0x542: {  	s0 =	sadd.s32 @!p0 $0x100000, s0  }
0x543: {  	[sflag:s0] =	ssyncadd.tile.s32 @!p0 $0x1;
	_ =	shalt  }
.Lfunc_end2:
_tile_overlayer_lowered:
.L_overlay_start_2:
0x544: {  	(tag) =	ssettag $0x2  }
0x545: {  	s0 =	rddreg [dreg:$0x0];
	s2 =	stileid.u32  }
0x546: {  	s1 =	rddreg [dreg:$0x1];
	p0 =	sne.s32 s2, $0x0  }
0x547: {  	s3 =	rddreg [dreg:$0x2];
	[bflag:$0x3] =	sbarrier.arrive $0xFFFF;
	s2 =	simm.s32 @!p0 $0x1C07  }
0x548: {  	[timem:s3], [sflag:s2] =	dma.local @!p0 [hbm:s0], s1  }
0x549: {  	s0 =	simm.s32 @!p0 $0x7  }
0x54a: {  	_ =	swait.ge @!p0 [sflag:s0], s1  }
0x54b: {  	s1 =	ssub.s32 @!p0 $0x0, s1;
	[sflag:s0] =	ssyncset.done @!p0 $0x0  }
0x54c: {  	[sflag:s0] =	ssyncadd.s32 @!p0 s1  }
0x54d: {  	[bflag:$0x3] =	sbarrier.arrive $0xFFFF  }
0x54e: {  	_ =	shalt  }

</sc_bundles>
